<compile_context>
chip_gen: v7x
topology: tpu7x:2x2x1
jax: 0.10.2.dev20260603
libtpu: 0.0.44.dev20260713+nightly
codegen_flags: <defaults>
</compile_context>

<pallas_src>
import functools

import jax
import jax.numpy as jnp
import numpy as np
from jax import lax
from jax.experimental import pallas as pl
from jax.experimental.pallas import tpu as pltpu
from jax.experimental.pallas import tpu_sc as plsc

_B = 16
_IMG = 512
_BASE = 16
_NBINS = 32
_WF = 32
_H2 = 16
_NC = 256
_K = 85
_N16 = 4 * _K
_N32 = _NC - _K
_MEAN = np.array([0.485, 0.456, 0.406], dtype=np.float32)
_STD = np.array([0.229, 0.224, 0.225], dtype=np.float32)

_HP = lax.Precision.HIGHEST

_SEG16_N = _B * _N16 * 48
_SEGF_N = _B * _N32 * 192
_SEG32_N = _B * _N32 * 48
_SEG32_PAD = 129 * 1024


def _hist_body(bins_ref, hist_ref):
    x = bins_ref[0]
    jio = lax.broadcasted_iota(jnp.int32, (512, _H2), 0)
    cio = lax.broadcasted_iota(jnp.int32, (512, _H2), 1)
    colsum = (jio // 32 == cio).astype(jnp.float32)
    planes = []
    for b in range(_NBINS):
        m = (x == b).astype(jnp.float32)
        rowsum = jnp.sum(m.reshape(_H2, 32, 512), axis=1)
        patch = jnp.dot(rowsum, colsum, preferred_element_type=jnp.float32,
                        precision=_HP)
        planes.append(patch[:, :, None])
    hist_ref[0] = jnp.concatenate(planes, axis=2)


def _hist_call(bins):
    return pl.pallas_call(
        _hist_body,
        grid=(_B,),
        in_specs=[pl.BlockSpec((1, _IMG, _IMG), lambda b: (b, 0, 0))],
        out_specs=pl.BlockSpec((1, _H2, _H2, _NBINS), lambda b: (b, 0, 0, 0)),
        out_shape=jax.ShapeDtypeStruct((_B, _H2, _H2, _NBINS), jnp.float32),
    )(bins)


def _select_body(impr_ref, impc_ref, i16_ref, ifull_ref, i32s_ref, om_ref):
    b = pl.program_id(0)
    vr = impr_ref[0]
    vc = impc_ref[0]
    ii = lax.broadcasted_iota(jnp.int32, (_NC, _NC), 1)
    jj = lax.broadcasted_iota(jnp.int32, (_NC, _NC), 0)
    jlt = jj < ii
    eq = vc == vr
    rank_hi = jnp.sum(((vc > vr) | (eq & jlt)).astype(jnp.float32), axis=0,
                      keepdims=True)
    rank_lo = jnp.sum(((vc < vr) | (eq & jlt)).astype(jnp.float32), axis=0,
                      keepdims=True)
    refine = (rank_hi < float(_K)).astype(jnp.float32)
    keep = (rank_lo < float(_N32)).astype(jnp.float32)

    fio = lax.broadcasted_iota(jnp.int32, (_NC, 1024), 1)
    cio = lax.broadcasted_iota(jnp.int32, (_NC, 1024), 0)
    e2 = (((fio // 64) * 16 + (fio % 32) // 2) == cio).astype(jnp.float32)
    m1024 = jnp.dot(refine, e2, preferred_element_type=jnp.float32,
                    precision=_HP)

    g2 = lax.broadcasted_iota(jnp.int32, (1024, 1024), 0)
    f2 = lax.broadcasted_iota(jnp.int32, (1024, 1024), 1)
    u1024 = (g2 <= f2).astype(jnp.float32)
    pos16 = jnp.dot(m1024, u1024, preferred_element_type=jnp.float32,
                    precision=_HP)
    g3 = lax.broadcasted_iota(jnp.int32, (_NC, _NC), 0)
    f3 = lax.broadcasted_iota(jnp.int32, (_NC, _NC), 1)
    u256 = (g3 <= f3).astype(jnp.float32)
    pos32 = jnp.dot(keep, u256, preferred_element_type=jnp.float32,
                    precision=_HP)

    t1 = lax.broadcasted_iota(jnp.int32, (_N16, 1024), 0).astype(jnp.float32)
    o16 = ((pos16 == (t1 + 1.0)) & (m1024 > 0.0)).astype(jnp.float32)
    fcol = lax.broadcasted_iota(jnp.int32, (1024, 1), 0).astype(jnp.float32)
    idx16 = jnp.dot(o16, fcol, preferred_element_type=jnp.float32,
                    precision=_HP).astype(jnp.int32)
    t2 = lax.broadcasted_iota(jnp.int32, (_N32, _NC), 0).astype(jnp.float32)
    o32 = ((pos32 == (t2 + 1.0)) & (keep > 0.0)).astype(jnp.float32)
    ccol = lax.broadcasted_iota(jnp.int32, (_NC, 1), 0).astype(jnp.float32)
    idx32 = jnp.dot(o32, ccol, preferred_element_type=jnp.float32,
                    precision=_HP).astype(jnp.int32)

    cy = lax.broadcasted_iota(jnp.int32, (1, 48), 1)
    ch, y = cy // 16, cy % 16
    i16_ref[0] = (b * 49152 + ch * 16384 + (idx16 // 32) * 512 + y * 32
                  + idx16 % 32)

    r, cc = idx32 // 16, idx32 % 16
    q = lax.broadcasted_iota(jnp.int32, (1, 192), 1)
    sub, chf, yf = q // 48, (q % 48) // 16, q % 16
    ifull_ref[0] = (b * 49152 + chf * 16384 + (2 * r + sub // 2) * 512
                    + yf * 32 + (2 * cc + sub % 2))

    i32s_ref[0] = b * 12288 + ch * 4096 + r * 256 + y * 16 + cc

    lmask = lax.broadcasted_iota(jnp.int32, (1, 512), 1)
    om_ref[0] = jnp.where(lmask == 0, -1.0,
                          jnp.where(lmask <= _N16, 1.0, 2.0))


def _select_call(imp):
    return pl.pallas_call(
        _select_body,
        grid=(_B,),
        in_specs=[
            pl.BlockSpec((1, 1, _NC), lambda b: (b, 0, 0)),
            pl.BlockSpec((1, _NC, 1), lambda b: (b, 0, 0)),
        ],
        out_specs=[
            pl.BlockSpec((1, _N16, 48), lambda b: (b, 0, 0)),
            pl.BlockSpec((1, _N32, 192), lambda b: (b, 0, 0)),
            pl.BlockSpec((1, _N32, 48), lambda b: (b, 0, 0)),
            pl.BlockSpec((1, 1, 512), lambda b: (b, 0, 0)),
        ],
        out_shape=[
            jax.ShapeDtypeStruct((_B, _N16, 48), jnp.int32),
            jax.ShapeDtypeStruct((_B, _N32, 192), jnp.int32),
            jax.ShapeDtypeStruct((_B, _N32, 48), jnp.int32),
            jax.ShapeDtypeStruct((_B, 1, 512), jnp.float32),
        ],
    )(imp.reshape(_B, 1, _NC), imp.reshape(_B, _NC, 1))


def _resize_body(img_ref, small_ref):
    def tri(d):
        w = jnp.where((d == 0) | (d == 1), 3.0, 0.0)
        return w + jnp.where((d == -1) | (d == 2), 1.0, 0.0)

    io2 = lax.broadcasted_iota(jnp.int32, (256, 512), 0)
    jo2 = lax.broadcasted_iota(jnp.int32, (256, 512), 1)
    den_r = jnp.where((io2 == 0) | (io2 == 255), 7.0, 8.0)
    w_r = tri(jo2 - 2 * io2) / den_r
    io3 = lax.broadcasted_iota(jnp.int32, (512, 256), 1)
    jo3 = lax.broadcasted_iota(jnp.int32, (512, 256), 0)
    den_c = jnp.where((io3 == 0) | (io3 == 255), 7.0, 8.0)
    w_c = tri(jo3 - 2 * io3) / den_c
    for c in range(3):
        t = jnp.dot(w_r, img_ref[0, c], preferred_element_type=jnp.float32,
                    precision=_HP)
        small_ref[0, c] = jnp.dot(t, w_c, preferred_element_type=jnp.float32,
                                  precision=_HP)


def _resize_call(images):
    return pl.pallas_call(
        _resize_body,
        grid=(_B,),
        in_specs=[pl.BlockSpec((1, 3, _IMG, _IMG), lambda b: (b, 0, 0, 0))],
        out_specs=pl.BlockSpec((1, 3, 256, 256), lambda b: (b, 0, 0, 0)),
        out_shape=jax.ShapeDtypeStruct((_B, 3, 256, 256), jnp.float32),
    )(images)


def _sc_gather(img_t, small_t, i16, ifull, i32s):
    mesh = plsc.VectorSubcoreMesh(core_axis_name="c", subcore_axis_name="s")

    @functools.partial(
        pl.kernel,
        mesh=mesh,
        compiler_params=pltpu.CompilerParams(use_tc_tiling_on_sc=False),
        out_type=[
            jax.ShapeDtypeStruct((_SEG16_N, 16), jnp.float32),
            jax.ShapeDtypeStruct((_SEGF_N, 16), jnp.float32),
            jax.ShapeDtypeStruct((_SEG32_PAD, 16), jnp.float32),
        ],
        scratch_types=[
            pltpu.VMEM((1024,), jnp.int32),
            pltpu.VMEM((1024, 16), jnp.float32),
            pltpu.SemaphoreType.DMA,
        ],
    )
    def k(imgt, smallt, i16h, ifullh, i32h, o16, ofull, o32, idxv, buf, sem):
        wid = lax.axis_index("s") * 2 + lax.axis_index("c")

        def make_phase(idx_hbm, table, out_hbm, nsuper):
            def body(js, carry):
                sid = js * 32 + wid

                @pl.when(sid < nsuper)
                def _():
                    base = sid * 1024
                    pltpu.sync_copy(idx_hbm.at[pl.ds(base, 1024)], idxv)
                    copies = []
                    for j in range(8):
                        copies.append(pltpu.async_copy(
                            table.at[idxv.at[pl.ds(j * 128, 128)]],
                            buf.at[pl.ds(j * 128, 128)], sem))
                    for cp in copies:
                        cp.wait()
                    pltpu.sync_copy(buf, out_hbm.at[pl.ds(base, 1024)])

                return carry

            lax.fori_loop(0, (nsuper + 31) // 32, body, 0)

        make_phase(i16h, imgt, o16, _SEG16_N // 1024)
        make_phase(ifullh, imgt, ofull, _SEGF_N // 1024)
        make_phase(i32h, smallt, o32, _SEG32_PAD // 1024)

    return k(img_t, small_t, i16, ifull, i32s)


def kernel(images):
    imgs01 = (images * jnp.asarray(_STD).reshape(1, 3, 1, 1)
              + jnp.asarray(_MEAN).reshape(1, 3, 1, 1))
    gray = imgs01.mean(axis=1)
    bins = jnp.clip((gray * _NBINS).astype(jnp.int32), 0, _NBINS - 1)

    hist = _hist_call(bins)

    p = hist / float(32 * 32)
    ent = -jnp.sum(jnp.where(p > 0, p * jnp.log2(jnp.maximum(p, 1e-12)), 0.0),
                   axis=-1)
    imp = ent.reshape(_B, _NC)

    i16, ifull, i32s, om = _select_call(imp)
    small = _resize_call(images)

    i32s_flat = i32s.reshape(-1)
    i32s_pad = jnp.concatenate(
        [i32s_flat, jnp.zeros((_SEG32_PAD - _SEG32_N,), jnp.int32)])
    o16, ofull, o32 = _sc_gather(
        images.reshape(-1, 16), small.reshape(-1, 16),
        i16.reshape(-1), ifull.reshape(-1), i32s_pad)

    resized16 = o16.reshape(-1, 3, _BASE, _BASE)
    full32 = ofull.reshape(-1, 4, 3, _BASE, _BASE)
    resized32 = o32[:_SEG32_N].reshape(-1, 3, _BASE, _BASE)
    output_mask = om.reshape(-1)
    seqlens = jnp.full((_B,), 1 + _N16 + _N32, jnp.int32)
    return (resized16, resized32, full32, output_mask, seqlens)

# --- scband reference (transcript-rebuilt; emitter-appended) ---
"""Pipeline reference for scband-patch-tokenizer-34832184770818 (READ-ONLY COPY).

The authoritative reference and input builder live on the scoring server;
editing this copy changes nothing except your own understanding.
"""

import jax, jax.numpy as jnp
import numpy as np

NUM_SCALES = 2
BASE = 16
IMG = 512
ALPHA = 0.5
MEAN = np.array([0.485, 0.456, 0.406], dtype=np.float32)
STD = np.array([0.229, 0.224, 0.225], dtype=np.float32)
NBINS = 32
B = 16


def setup_inputs(seed: int = 0) -> dict:
    key = jax.random.key(seed)
    raw = jax.random.uniform(key, (B, 3, IMG, IMG), dtype=jnp.float32)
    images = (raw - MEAN.reshape(1, 3, 1, 1)) / STD.reshape(1, 3, 1, 1)
    return {"images": images}


def _unnormalize(x):
    return x * jnp.asarray(STD).reshape(1, 3, 1, 1) + jnp.asarray(MEAN).reshape(1, 3, 1, 1)


def _patch_entropy(gray, ps):
    Bn, H, W = gray.shape
    h, w = H // ps, W // ps
    g = gray.reshape(Bn, h, ps, w, ps).transpose(0, 1, 3, 2, 4).reshape(Bn, h, w, ps * ps)
    bins = jnp.clip((g * NBINS).astype(jnp.int32), 0, NBINS - 1)
    pidx = jnp.arange(Bn * h * w).reshape(Bn, h, w, 1)
    ids = (pidx * NBINS + bins).reshape(-1)
    hist = jnp.zeros((Bn * h * w * NBINS,), jnp.float32).at[ids].add(1.0).reshape(Bn, h, w, NBINS)
    p = hist / float(ps * ps)
    ent = -jnp.sum(jnp.where(p > 0, p * jnp.log2(jnp.maximum(p, 1e-12)), 0.0), axis=-1)
    return ent


def _extract(img, ps):
    Bn, C, H, W = img.shape
    h, w = H // ps, W // ps
    x = img.reshape(Bn, C, h, ps, w, ps).transpose(0, 2, 4, 1, 3, 5)
    return x.reshape(Bn, h * w, C, ps, ps)


def reference(images):
    imgs01 = _unnormalize(images)
    gray = imgs01.mean(axis=1)
    ps2 = BASE * 2
    imp32 = _patch_entropy(gray, ps2)  # [B, 16, 16] coarse importance map
    h2 = IMG // ps2
    n_coarse = h2 * h2
    wf = IMG // BASE
    base_small = wf * wf
    budget = int(max(0, round(ALPHA * float(base_small))))
    k = max(0, (budget - n_coarse) // 3)
    imp_flat = imp32.reshape(B, n_coarse)
    _, refine_idx = jax.lax.top_k(imp_flat, k)
    refine_idx = jnp.sort(refine_idx, axis=1)
    _, keep_idx = jax.lax.top_k(-imp_flat, n_coarse - k)
    keep_idx = jnp.sort(keep_idx, axis=1)
    row = refine_idx // h2
    col = refine_idx % h2
    offs = jnp.array([0, 1, wf, wf + 1])
    fine_idx = ((2 * row) * wf + 2 * col)[:, :, None] + offs[None, None, :]
    fine_idx = jnp.sort(fine_idx.reshape(B, -1), axis=1)  # [B, 4k]
    bidx = jnp.arange(B)[:, None]
    mask16 = jnp.zeros((B, wf * wf), jnp.float32).at[bidx, fine_idx].set(1.0)
    mask32 = jnp.zeros((B, n_coarse), jnp.float32).at[bidx, keep_idx].set(1.0)
    # construct_masks: flattened output mask with scale indicators (-1 cls token)
    temp = jnp.concatenate([-jnp.ones((B, 1), jnp.float32), mask16 * 1.0, mask32 * 2.0], axis=1).reshape(-1)
    rows = temp.reshape(B, 1 + wf * wf + n_coarse)
    order = jnp.argsort(rows == 0, axis=1, stable=True)
    count = 1 + 3 * k + n_coarse
    output_mask = jnp.take_along_axis(rows, order, axis=1)[:, :count].reshape(-1)
    seqlens = (1.0 + mask16.sum(1) + mask32.sum(1)).astype(jnp.int32)
    # scale 0: fine 16x16 patches from full-resolution image
    D = 3 * BASE * BASE
    fine_flat = _extract(images, BASE).reshape(B, wf * wf, D)
    resized16 = jnp.take_along_axis(fine_flat, fine_idx[:, :, None], axis=1).reshape(-1, 3, BASE, BASE)
    # scale 1: coarse patches from bilinearly downscaled image
    small = jax.image.resize(images, (B, 3, IMG // 2, IMG // 2), method='bilinear')
    coarse_all = _extract(small, BASE).reshape(B, n_coarse, D)
    resized32 = jnp.take_along_axis(coarse_all, keep_idx[:, :, None], axis=1).reshape(-1, 3, BASE, BASE)
    # constituent full-res patches for selected coarse patches
    x = images.reshape(B, 3, h2, 2, BASE, h2, 2, BASE).transpose(0, 2, 5, 3, 6, 1, 4, 7)
    full_all = x.reshape(B, n_coarse, 4 * D)
    full32 = jnp.take_along_axis(full_all, keep_idx[:, :, None], axis=1).reshape(-1, 4, 3, BASE, BASE)
    return (resized16, resized32, full32, output_mask, seqlens)

if __name__ == "__main__":
    import jax
    _d = setup_inputs()
    print(jax.jit(kernel)(*tuple(_d.values())))

</pallas_src>

<mosaic_0001>
#map = affine_map<(d0, d1) -> (0, 0)>
#map1 = affine_map<(d0, d1) -> (0)>
module attributes {stable_mosaic.version = 14 : i64} {
  func.func @k(%arg0: i32, %arg1: i32, %arg2: memref<786432x16xf32, #tpu.memory_space<hbm>>, %arg3: memref<196608x16xf32, #tpu.memory_space<hbm>>, %arg4: memref<261120xi32, #tpu.memory_space<hbm>>, %arg5: memref<525312xi32, #tpu.memory_space<hbm>>, %arg6: memref<132096xi32, #tpu.memory_space<hbm>>, %arg7: memref<261120x16xf32, #tpu.memory_space<hbm>>, %arg8: memref<525312x16xf32, #tpu.memory_space<hbm>>, %arg9: memref<132096x16xf32, #tpu.memory_space<hbm>>, %arg10: memref<1024xi32, #tpu.memory_space<vmem>>, %arg11: memref<1024x16xf32, #tpu.memory_space<vmem>>, %arg12: memref<!tpu.dma_semaphore, #tpu.memory_space<semaphore_mem>>) attributes {dimension_semantics = [#tpu.dimension_semantics<core_parallel>, #tpu.dimension_semantics<subcore_parallel>], iteration_bounds = array<i64: 2, 16>, scalar_prefetch = 0 : i64, scratch_operands = 3 : i64, tpu.core_type = #tpu.core_type<sc_vector_subcore>, window_params = [{transform_indices = #map}, {transform_indices = #map}, {transform_indices = #map1}, {transform_indices = #map1}, {transform_indices = #map1}, {transform_indices = #map}, {transform_indices = #map}, {transform_indices = #map}]} {
    %mul3A = arith.constant 2 : i32
    %mul3A_0 = arith.muli %arg1, %mul3A : i32
    %add3A = arith.addi %mul3A_0, %arg0 : i32
    %scan3A = arith.constant 0 : i32
    %scan3A_1 = arith.constant 0 : i32
    %scan3A_2 = arith.constant 8 : i32
    %scan3A_3 = arith.addi %scan3A_1, %scan3A_2 : i32
    %scan3A_4 = arith.constant 1 : i32
    scf.for %scan3A_18 = %scan3A_1 to %scan3A_3 step %scan3A_4  : i32 {
      %mul3A_19 = arith.constant 32 : i32
      %mul3A_20 = arith.muli %scan3A_18, %mul3A_19 : i32
      %add3A_21 = arith.addi %mul3A_20, %add3A : i32
      %lt3A = arith.constant 255 : i32
      %lt3A_22 = arith.cmpi slt, %add3A_21, %lt3A : i32
      %convert_element_type3A = arith.extui %lt3A_22 : i1 to i32
      %cond3A = arith.constant 0 : i32
      %cond3A_23 = arith.cmpi ne, %convert_element_type3A, %cond3A : i32
      scf.if %cond3A_23 {
        %mul3A_24 = arith.constant 1024 : i32
        %mul3A_25 = arith.muli %add3A_21, %mul3A_24 : i32
        "tpu.region"() ({
          %run_scoped3A = tpu.sem_alloc : memref<!tpu.dma_semaphore, #tpu.memory_space<semaphore_mem>>
          %dma_start3A_152 = tpu.memref_slice %arg4[%mul3A_25] : memref<261120xi32, #tpu.memory_space<hbm>> -> memref<1024xi32, #tpu.memory_space<hbm>>
          %dma_start3A_153 = tpu.memref_slice %arg4[%mul3A_25] : memref<261120xi32, #tpu.memory_space<hbm>> -> memref<1024xi32, #tpu.memory_space<hbm>>
          tpu.enqueue_dma source(%dma_start3A_153 : memref<1024xi32, #tpu.memory_space<hbm>>) target(%arg10 : memref<1024xi32, #tpu.memory_space<vmem>>) target_semaphore(%run_scoped3A : memref<!tpu.dma_semaphore, #tpu.memory_space<semaphore_mem>>)
          %dma_wait3A_154 = tpu.memref_slice %arg4[%mul3A_25] : memref<261120xi32, #tpu.memory_space<hbm>> -> memref<1024xi32, #tpu.memory_space<hbm>>
          %dma_wait3A_155 = tpu.memref_slice %arg4[%mul3A_25] : memref<261120xi32, #tpu.memory_space<hbm>> -> memref<1024xi32, #tpu.memory_space<hbm>>
          tpu.wait_dma2 semaphore(%run_scoped3A : memref<!tpu.dma_semaphore, #tpu.memory_space<semaphore_mem>>) src(%dma_wait3A_155 : memref<1024xi32, #tpu.memory_space<hbm>>) dst(%arg10 : memref<1024xi32, #tpu.memory_space<vmem>>)
          tpu.yield
        }) : () -> ()
        %dma_start3A = arith.constant 0 : i32
        %dma_start3A_26 = arith.constant 0 : i32
        %dma_start3A_27 = tpu.memref_slice %arg11[%dma_start3A, %dma_start3A_26] : memref<1024x16xf32, #tpu.memory_space<vmem>> -> memref<128x16xf32, #tpu.memory_space<vmem>>
        %dma_start3A_28 = arith.constant 0 : i32
        %dma_start3A_29 = tpu.memref_slice %arg10[%dma_start3A_28] : memref<1024xi32, #tpu.memory_space<vmem>> -> memref<128xi32, #tpu.memory_space<vmem>>
        %dma_start3A_30 = arith.constant 0 : i32
        %dma_start3A_31 = arith.constant 0 : i32
        %dma_start3A_32 = tpu.memref_slice %arg2[%dma_start3A_30, %dma_start3A_31] : memref<786432x16xf32, #tpu.memory_space<hbm>> -> memref<786432x16xf32, #tpu.memory_space<hbm>>
        tpu.enqueue_indirect_dma source(%dma_start3A_32 : memref<786432x16xf32, #tpu.memory_space<hbm>>) target(%dma_start3A_27 : memref<128x16xf32, #tpu.memory_space<vmem>>) offsets(%dma_start3A_29 : memref<128xi32, #tpu.memory_space<vmem>>) semaphore(%arg12 : memref<!tpu.dma_semaphore, #tpu.memory_space<semaphore_mem>>)
        %dma_start3A_33 = arith.constant 128 : i32
        %dma_start3A_34 = arith.constant 0 : i32
        %dma_start3A_35 = tpu.memref_slice %arg11[%dma_start3A_33, %dma_start3A_34] : memref<1024x16xf32, #tpu.memory_space<vmem>> -> memref<128x16xf32, #tpu.memory_space<vmem>>
        %dma_start3A_36 = arith.constant 128 : i32
        %dma_start3A_37 = tpu.memref_slice %arg10[%dma_start3A_36] : memref<1024xi32, #tpu.memory_space<vmem>> -> memref<128xi32, #tpu.memory_space<vmem>>
        %dma_start3A_38 = arith.constant 0 : i32
        %dma_start3A_39 = arith.constant 0 : i32
        %dma_start3A_40 = tpu.memref_slice %arg2[%dma_start3A_38, %dma_start3A_39] : memref<786432x16xf32, #tpu.memory_space<hbm>> -> memref<786432x16xf32, #tpu.memory_space<hbm>>
        tpu.enqueue_indirect_dma source(%dma_start3A_40 : memref<786432x16xf32, #tpu.memory_space<hbm>>) target(%dma_start3A_35 : memref<128x16xf32, #tpu.memory_space<vmem>>) offsets(%dma_start3A_37 : memref<128xi32, #tpu.memory_space<vmem>>) semaphore(%arg12 : memref<!tpu.dma_semaphore, #tpu.memory_space<semaphore_mem>>)
        %dma_start3A_41 = arith.constant 256 : i32
        %dma_start3A_42 = arith.constant 0 : i32
        %dma_start3A_43 = tpu.memref_slice %arg11[%dma_start3A_41, %dma_start3A_42] : memref<1024x16xf32, #tpu.memory_space<vmem>> -> memref<128x16xf32, #tpu.memory_space<vmem>>
        %dma_start3A_44 = arith.constant 256 : i32
        %dma_start3A_45 = tpu.memref_slice %arg10[%dma_start3A_44] : memref<1024xi32, #tpu.memory_space<vmem>> -> memref<128xi32, #tpu.memory_space<vmem>>
        %dma_start3A_46 = arith.constant 0 : i32
        %dma_start3A_47 = arith.constant 0 : i32
        %dma_start3A_48 = tpu.memref_slice %arg2[%dma_start3A_46, %dma_start3A_47] : memref<786432x16xf32, #tpu.memory_space<hbm>> -> memref<786432x16xf32, #tpu.memory_space<hbm>>
        tpu.enqueue_indirect_dma source(%dma_start3A_48 : memref<786432x16xf32, #tpu.memory_space<hbm>>) target(%dma_start3A_43 : memref<128x16xf32, #tpu.memory_space<vmem>>) offsets(%dma_start3A_45 : memref<128xi32, #tpu.memory_space<vmem>>) semaphore(%arg12 : memref<!tpu.dma_semaphore, #tpu.memory_space<semaphore_mem>>)
        %dma_start3A_49 = arith.constant 384 : i32
        %dma_start3A_50 = arith.constant 0 : i32
        %dma_start3A_51 = tpu.memref_slice %arg11[%dma_start3A_49, %dma_start3A_50] : memref<1024x16xf32, #tpu.memory_space<vmem>> -> memref<128x16xf32, #tpu.memory_space<vmem>>
        %dma_start3A_52 = arith.constant 384 : i32
        %dma_start3A_53 = tpu.memref_slice %arg10[%dma_start3A_52] : memref<1024xi32, #tpu.memory_space<vmem>> -> memref<128xi32, #tpu.memory_space<vmem>>
        %dma_start3A_54 = arith.constant 0 : i32
        %dma_start3A_55 = arith.constant 0 : i32
        %dma_start3A_56 = tpu.memref_slice %arg2[%dma_start3A_54, %dma_start3A_55] : memref<786432x16xf32, #tpu.memory_space<hbm>> -> memref<786432x16xf32, #tpu.memory_space<hbm>>
        tpu.enqueue_indirect_dma source(%dma_start3A_56 : memref<786432x16xf32, #tpu.memory_space<hbm>>) target(%dma_start3A_51 : memref<128x16xf32, #tpu.memory_space<vmem>>) offsets(%dma_start3A_53 : memref<128xi32, #tpu.memory_space<vmem>>) semaphore(%arg12 : memref<!tpu.dma_semaphore, #tpu.memory_space<semaphore_mem>>)
        %dma_start3A_57 = arith.constant 512 : i32
        %dma_start3A_58 = arith.constant 0 : i32
        %dma_start3A_59 = tpu.memref_slice %arg11[%dma_start3A_57, %dma_start3A_58] : memref<1024x16xf32, #tpu.memory_space<vmem>> -> memref<128x16xf32, #tpu.memory_space<vmem>>
        %dma_start3A_60 = arith.constant 512 : i32
        %dma_start3A_61 = tpu.memref_slice %arg10[%dma_start3A_60] : memref<1024xi32, #tpu.memory_space<vmem>> -> memref<128xi32, #tpu.memory_space<vmem>>
        %dma_start3A_62 = arith.constant 0 : i32
        %dma_start3A_63 = arith.constant 0 : i32
        %dma_start3A_64 = tpu.memref_slice %arg2[%dma_start3A_62, %dma_start3A_63] : memref<786432x16xf32, #tpu.memory_space<hbm>> -> memref<786432x16xf32, #tpu.memory_space<hbm>>
        tpu.enqueue_indirect_dma source(%dma_start3A_64 : memref<786432x16xf32, #tpu.memory_space<hbm>>) target(%dma_start3A_59 : memref<128x16xf32, #tpu.memory_space<vmem>>) offsets(%dma_start3A_61 : memref<128xi32, #tpu.memory_space<vmem>>) semaphore(%arg12 : memref<!tpu.dma_semaphore, #tpu.memory_space<semaphore_mem>>)
        %dma_start3A_65 = arith.constant 640 : i32
        %dma_start3A_66 = arith.constant 0 : i32
        %dma_start3A_67 = tpu.memref_slice %arg11[%dma_start3A_65, %dma_start3A_66] : memref<1024x16xf32, #tpu.memory_space<vmem>> -> memref<128x16xf32, #tpu.memory_space<vmem>>
        %dma_start3A_68 = arith.constant 640 : i32
        %dma_start3A_69 = tpu.memref_slice %arg10[%dma_start3A_68] : memref<1024xi32, #tpu.memory_space<vmem>> -> memref<128xi32, #tpu.memory_space<vmem>>
        %dma_start3A_70 = arith.constant 0 : i32
        %dma_start3A_71 = arith.constant 0 : i32
        %dma_start3A_72 = tpu.memref_slice %arg2[%dma_start3A_70, %dma_start3A_71] : memref<786432x16xf32, #tpu.memory_space<hbm>> -> memref<786432x16xf32, #tpu.memory_space<hbm>>
        tpu.enqueue_indirect_dma source(%dma_start3A_72 : memref<786432x16xf32, #tpu.memory_space<hbm>>) target(%dma_start3A_67 : memref<128x16xf32, #tpu.memory_space<vmem>>) offsets(%dma_start3A_69 : memref<128xi32, #tpu.memory_space<vmem>>) semaphore(%arg12 : memref<!tpu.dma_semaphore, #tpu.memory_space<semaphore_mem>>)
        %dma_start3A_73 = arith.constant 768 : i32
        %dma_start3A_74 = arith.constant 0 : i32
        %dma_start3A_75 = tpu.memref_slice %arg11[%dma_start3A_73, %dma_start3A_74] : memref<1024x16xf32, #tpu.memory_space<vmem>> -> memref<128x16xf32, #tpu.memory_space<vmem>>
        %dma_start3A_76 = arith.constant 768 : i32
        %dma_start3A_77 = tpu.memref_slice %arg10[%dma_start3A_76] : memref<1024xi32, #tpu.memory_space<vmem>> -> memref<128xi32, #tpu.memory_space<vmem>>
        %dma_start3A_78 = arith.constant 0 : i32
        %dma_start3A_79 = arith.constant 0 : i32
        %dma_start3A_80 = tpu.memref_slice %arg2[%dma_start3A_78, %dma_start3A_79] : memref<786432x16xf32, #tpu.memory_space<hbm>> -> memref<786432x16xf32, #tpu.memory_space<hbm>>
        tpu.enqueue_indirect_dma source(%dma_start3A_80 : memref<786432x16xf32, #tpu.memory_space<hbm>>) target(%dma_start3A_75 : memref<128x16xf32, #tpu.memory_space<vmem>>) offsets(%dma_start3A_77 : memref<128xi32, #tpu.memory_space<vmem>>) semaphore(%arg12 : memref<!tpu.dma_semaphore, #tpu.memory_space<semaphore_mem>>)
        %dma_start3A_81 = arith.constant 896 : i32
        %dma_start3A_82 = arith.constant 0 : i32
        %dma_start3A_83 = tpu.memref_slice %arg11[%dma_start3A_81, %dma_start3A_82] : memref<1024x16xf32, #tpu.memory_space<vmem>> -> memref<128x16xf32, #tpu.memory_space<vmem>>
        %dma_start3A_84 = arith.constant 896 : i32
        %dma_start3A_85 = tpu.memref_slice %arg10[%dma_start3A_84] : memref<1024xi32, #tpu.memory_space<vmem>> -> memref<128xi32, #tpu.memory_space<vmem>>
        %dma_start3A_86 = arith.constant 0 : i32
        %dma_start3A_87 = arith.constant 0 : i32
        %dma_start3A_88 = tpu.memref_slice %arg2[%dma_start3A_86, %dma_start3A_87] : memref<786432x16xf32, #tpu.memory_space<hbm>> -> memref<786432x16xf32, #tpu.memory_space<hbm>>
        tpu.enqueue_indirect_dma source(%dma_start3A_88 : memref<786432x16xf32, #tpu.memory_space<hbm>>) target(%dma_start3A_83 : memref<128x16xf32, #tpu.memory_space<vmem>>) offsets(%dma_start3A_85 : memref<128xi32, #tpu.memory_space<vmem>>) semaphore(%arg12 : memref<!tpu.dma_semaphore, #tpu.memory_space<semaphore_mem>>)
        %dma_wait3A = arith.constant 0 : i32
        %dma_wait3A_89 = arith.constant 0 : i32
        %dma_wait3A_90 = tpu.memref_slice %arg11[%dma_wait3A, %dma_wait3A_89] : memref<1024x16xf32, #tpu.memory_space<vmem>> -> memref<128x16xf32, #tpu.memory_space<vmem>>
        %dma_wait3A_91 = arith.constant 0 : i32
        %dma_wait3A_92 = tpu.memref_slice %arg10[%dma_wait3A_91] : memref<1024xi32, #tpu.memory_space<vmem>> -> memref<128xi32, #tpu.memory_space<vmem>>
        %dma_wait3A_93 = arith.constant 0 : i32
        %dma_wait3A_94 = arith.constant 0 : i32
        %dma_wait3A_95 = tpu.memref_slice %arg2[%dma_wait3A_93, %dma_wait3A_94] : memref<786432x16xf32, #tpu.memory_space<hbm>> -> memref<786432x16xf32, #tpu.memory_space<hbm>>
        tpu.wait_indirect_dma semaphore(%arg12 : memref<!tpu.dma_semaphore, #tpu.memory_space<semaphore_mem>>) src(%dma_wait3A_95 : memref<786432x16xf32, #tpu.memory_space<hbm>>) dst(%dma_wait3A_90 : memref<128x16xf32, #tpu.memory_space<vmem>>)
        %dma_wait3A_96 = arith.constant 128 : i32
        %dma_wait3A_97 = arith.constant 0 : i32
        %dma_wait3A_98 = tpu.memref_slice %arg11[%dma_wait3A_96, %dma_wait3A_97] : memref<1024x16xf32, #tpu.memory_space<vmem>> -> memref<128x16xf32, #tpu.memory_space<vmem>>
        %dma_wait3A_99 = arith.constant 128 : i32
        %dma_wait3A_100 = tpu.memref_slice %arg10[%dma_wait3A_99] : memref<1024xi32, #tpu.memory_space<vmem>> -> memref<128xi32, #tpu.memory_space<vmem>>
        %dma_wait3A_101 = arith.constant 0 : i32
        %dma_wait3A_102 = arith.constant 0 : i32
        %dma_wait3A_103 = tpu.memref_slice %arg2[%dma_wait3A_101, %dma_wait3A_102] : memref<786432x16xf32, #tpu.memory_space<hbm>> -> memref<786432x16xf32, #tpu.memory_space<hbm>>
        tpu.wait_indirect_dma semaphore(%arg12 : memref<!tpu.dma_semaphore, #tpu.memory_space<semaphore_mem>>) src(%dma_wait3A_103 : memref<786432x16xf32, #tpu.memory_space<hbm>>) dst(%dma_wait3A_98 : memref<128x16xf32, #tpu.memory_space<vmem>>)
        %dma_wait3A_104 = arith.constant 256 : i32
        %dma_wait3A_105 = arith.constant 0 : i32
        %dma_wait3A_106 = tpu.memref_slice %arg11[%dma_wait3A_104, %dma_wait3A_105] : memref<1024x16xf32, #tpu.memory_space<vmem>> -> memref<128x16xf32, #tpu.memory_space<vmem>>
        %dma_wait3A_107 = arith.constant 256 : i32
        %dma_wait3A_108 = tpu.memref_slice %arg10[%dma_wait3A_107] : memref<1024xi32, #tpu.memory_space<vmem>> -> memref<128xi32, #tpu.memory_space<vmem>>
        %dma_wait3A_109 = arith.constant 0 : i32
        %dma_wait3A_110 = arith.constant 0 : i32
        %dma_wait3A_111 = tpu.memref_slice %arg2[%dma_wait3A_109, %dma_wait3A_110] : memref<786432x16xf32, #tpu.memory_space<hbm>> -> memref<786432x16xf32, #tpu.memory_space<hbm>>
        tpu.wait_indirect_dma semaphore(%arg12 : memref<!tpu.dma_semaphore, #tpu.memory_space<semaphore_mem>>) src(%dma_wait3A_111 : memref<786432x16xf32, #tpu.memory_space<hbm>>) dst(%dma_wait3A_106 : memref<128x16xf32, #tpu.memory_space<vmem>>)
        %dma_wait3A_112 = arith.constant 384 : i32
        %dma_wait3A_113 = arith.constant 0 : i32
        %dma_wait3A_114 = tpu.memref_slice %arg11[%dma_wait3A_112, %dma_wait3A_113] : memref<1024x16xf32, #tpu.memory_space<vmem>> -> memref<128x16xf32, #tpu.memory_space<vmem>>
        %dma_wait3A_115 = arith.constant 384 : i32
        %dma_wait3A_116 = tpu.memref_slice %arg10[%dma_wait3A_115] : memref<1024xi32, #tpu.memory_space<vmem>> -> memref<128xi32, #tpu.memory_space<vmem>>
        %dma_wait3A_117 = arith.constant 0 : i32
        %dma_wait3A_118 = arith.constant 0 : i32
        %dma_wait3A_119 = tpu.memref_slice %arg2[%dma_wait3A_117, %dma_wait3A_118] : memref<786432x16xf32, #tpu.memory_space<hbm>> -> memref<786432x16xf32, #tpu.memory_space<hbm>>
        tpu.wait_indirect_dma semaphore(%arg12 : memref<!tpu.dma_semaphore, #tpu.memory_space<semaphore_mem>>) src(%dma_wait3A_119 : memref<786432x16xf32, #tpu.memory_space<hbm>>) dst(%dma_wait3A_114 : memref<128x16xf32, #tpu.memory_space<vmem>>)
        %dma_wait3A_120 = arith.constant 512 : i32
        %dma_wait3A_121 = arith.constant 0 : i32
        %dma_wait3A_122 = tpu.memref_slice %arg11[%dma_wait3A_120, %dma_wait3A_121] : memref<1024x16xf32, #tpu.memory_space<vmem>> -> memref<128x16xf32, #tpu.memory_space<vmem>>
        %dma_wait3A_123 = arith.constant 512 : i32
        %dma_wait3A_124 = tpu.memref_slice %arg10[%dma_wait3A_123] : memref<1024xi32, #tpu.memory_space<vmem>> -> memref<128xi32, #tpu.memory_space<vmem>>
        %dma_wait3A_125 = arith.constant 0 : i32
        %dma_wait3A_126 = arith.constant 0 : i32
        %dma_wait3A_127 = tpu.memref_slice %arg2[%dma_wait3A_125, %dma_wait3A_126] : memref<786432x16xf32, #tpu.memory_space<hbm>> -> memref<786432x16xf32, #tpu.memory_space<hbm>>
        tpu.wait_indirect_dma semaphore(%arg12 : memref<!tpu.dma_semaphore, #tpu.memory_space<semaphore_mem>>) src(%dma_wait3A_127 : memref<786432x16xf32, #tpu.memory_space<hbm>>) dst(%dma_wait3A_122 : memref<128x16xf32, #tpu.memory_space<vmem>>)
        %dma_wait3A_128 = arith.constant 640 : i32
        %dma_wait3A_129 = arith.constant 0 : i32
        %dma_wait3A_130 = tpu.memref_slice %arg11[%dma_wait3A_128, %dma_wait3A_129] : memref<1024x16xf32, #tpu.memory_space<vmem>> -> memref<128x16xf32, #tpu.memory_space<vmem>>
        %dma_wait3A_131 = arith.constant 640 : i32
        %dma_wait3A_132 = tpu.memref_slice %arg10[%dma_wait3A_131] : memref<1024xi32, #tpu.memory_space<vmem>> -> memref<128xi32, #tpu.memory_space<vmem>>
        %dma_wait3A_133 = arith.constant 0 : i32
        %dma_wait3A_134 = arith.constant 0 : i32
        %dma_wait3A_135 = tpu.memref_slice %arg2[%dma_wait3A_133, %dma_wait3A_134] : memref<786432x16xf32, #tpu.memory_space<hbm>> -> memref<786432x16xf32, #tpu.memory_space<hbm>>
        tpu.wait_indirect_dma semaphore(%arg12 : memref<!tpu.dma_semaphore, #tpu.memory_space<semaphore_mem>>) src(%dma_wait3A_135 : memref<786432x16xf32, #tpu.memory_space<hbm>>) dst(%dma_wait3A_130 : memref<128x16xf32, #tpu.memory_space<vmem>>)
        %dma_wait3A_136 = arith.constant 768 : i32
        %dma_wait3A_137 = arith.constant 0 : i32
        %dma_wait3A_138 = tpu.memref_slice %arg11[%dma_wait3A_136, %dma_wait3A_137] : memref<1024x16xf32, #tpu.memory_space<vmem>> -> memref<128x16xf32, #tpu.memory_space<vmem>>
        %dma_wait3A_139 = arith.constant 768 : i32
        %dma_wait3A_140 = tpu.memref_slice %arg10[%dma_wait3A_139] : memref<1024xi32, #tpu.memory_space<vmem>> -> memref<128xi32, #tpu.memory_space<vmem>>
        %dma_wait3A_141 = arith.constant 0 : i32
        %dma_wait3A_142 = arith.constant 0 : i32
        %dma_wait3A_143 = tpu.memref_slice %arg2[%dma_wait3A_141, %dma_wait3A_142] : memref<786432x16xf32, #tpu.memory_space<hbm>> -> memref<786432x16xf32, #tpu.memory_space<hbm>>
        tpu.wait_indirect_dma semaphore(%arg12 : memref<!tpu.dma_semaphore, #tpu.memory_space<semaphore_mem>>) src(%dma_wait3A_143 : memref<786432x16xf32, #tpu.memory_space<hbm>>) dst(%dma_wait3A_138 : memref<128x16xf32, #tpu.memory_space<vmem>>)
        %dma_wait3A_144 = arith.constant 896 : i32
        %dma_wait3A_145 = arith.constant 0 : i32
        %dma_wait3A_146 = tpu.memref_slice %arg11[%dma_wait3A_144, %dma_wait3A_145] : memref<1024x16xf32, #tpu.memory_space<vmem>> -> memref<128x16xf32, #tpu.memory_space<vmem>>
        %dma_wait3A_147 = arith.constant 896 : i32
        %dma_wait3A_148 = tpu.memref_slice %arg10[%dma_wait3A_147] : memref<1024xi32, #tpu.memory_space<vmem>> -> memref<128xi32, #tpu.memory_space<vmem>>
        %dma_wait3A_149 = arith.constant 0 : i32
        %dma_wait3A_150 = arith.constant 0 : i32
        %dma_wait3A_151 = tpu.memref_slice %arg2[%dma_wait3A_149, %dma_wait3A_150] : memref<786432x16xf32, #tpu.memory_space<hbm>> -> memref<786432x16xf32, #tpu.memory_space<hbm>>
        tpu.wait_indirect_dma semaphore(%arg12 : memref<!tpu.dma_semaphore, #tpu.memory_space<semaphore_mem>>) src(%dma_wait3A_151 : memref<786432x16xf32, #tpu.memory_space<hbm>>) dst(%dma_wait3A_146 : memref<128x16xf32, #tpu.memory_space<vmem>>)
        "tpu.region"() ({
          %run_scoped3A = tpu.sem_alloc : memref<!tpu.dma_semaphore, #tpu.memory_space<semaphore_mem>>
          %dma_start3A_152 = arith.constant 0 : i32
          %dma_start3A_153 = tpu.memref_slice %arg7[%mul3A_25, %dma_start3A_152] : memref<261120x16xf32, #tpu.memory_space<hbm>> -> memref<1024x16xf32, #tpu.memory_space<hbm>>
          %dma_start3A_154 = arith.constant 0 : i32
          %dma_start3A_155 = tpu.memref_slice %arg7[%mul3A_25, %dma_start3A_154] : memref<261120x16xf32, #tpu.memory_space<hbm>> -> memref<1024x16xf32, #tpu.memory_space<hbm>>
          tpu.enqueue_dma source(%arg11 : memref<1024x16xf32, #tpu.memory_space<vmem>>) target(%dma_start3A_155 : memref<1024x16xf32, #tpu.memory_space<hbm>>) target_semaphore(%run_scoped3A : memref<!tpu.dma_semaphore, #tpu.memory_space<semaphore_mem>>)
          %dma_wait3A_156 = arith.constant 0 : i32
          %dma_wait3A_157 = tpu.memref_slice %arg7[%mul3A_25, %dma_wait3A_156] : memref<261120x16xf32, #tpu.memory_space<hbm>> -> memref<1024x16xf32, #tpu.memory_space<hbm>>
          %dma_wait3A_158 = arith.constant 0 : i32
          %dma_wait3A_159 = tpu.memref_slice %arg7[%mul3A_25, %dma_wait3A_158] : memref<261120x16xf32, #tpu.memory_space<hbm>> -> memref<1024x16xf32, #tpu.memory_space<hbm>>
          tpu.wait_dma2 semaphore(%run_scoped3A : memref<!tpu.dma_semaphore, #tpu.memory_space<semaphore_mem>>) src(%arg11 : memref<1024x16xf32, #tpu.memory_space<vmem>>) dst(%dma_wait3A_159 : memref<1024x16xf32, #tpu.memory_space<hbm>>)
          tpu.yield
        }) : () -> ()
      } else {
      }
    }
    %scan3A_5 = arith.constant 8 : i32
    %scan3A_6 = arith.constant 0 : i32
    %scan3A_7 = arith.constant 0 : i32
    %scan3A_8 = arith.constant 17 : i32
    %scan3A_9 = arith.addi %scan3A_7, %scan3A_8 : i32
    %scan3A_10 = arith.constant 1 : i32
    scf.for %scan3A_18 = %scan3A_7 to %scan3A_9 step %scan3A_10  : i32 {
      %mul3A_19 = arith.constant 32 : i32
      %mul3A_20 = arith.muli %scan3A_18, %mul3A_19 : i32
      %add3A_21 = arith.addi %mul3A_20, %add3A : i32
      %lt3A = arith.constant 513 : i32
      %lt3A_22 = arith.cmpi slt, %add3A_21, %lt3A : i32
      %convert_element_type3A = arith.extui %lt3A_22 : i1 to i32
      %cond3A = arith.constant 0 : i32
      %cond3A_23 = arith.cmpi ne, %convert_element_type3A, %cond3A : i32
      scf.if %cond3A_23 {
        %mul3A_24 = arith.constant 1024 : i32
        %mul3A_25 = arith.muli %add3A_21, %mul3A_24 : i32
        "tpu.region"() ({
          %run_scoped3A = tpu.sem_alloc : memref<!tpu.dma_semaphore, #tpu.memory_space<semaphore_mem>>
          %dma_start3A_152 = tpu.memref_slice %arg5[%mul3A_25] : memref<525312xi32, #tpu.memory_space<hbm>> -> memref<1024xi32, #tpu.memory_space<hbm>>
          %dma_start3A_153 = tpu.memref_slice %arg5[%mul3A_25] : memref<525312xi32, #tpu.memory_space<hbm>> -> memref<1024xi32, #tpu.memory_space<hbm>>
          tpu.enqueue_dma source(%dma_start3A_153 : memref<1024xi32, #tpu.memory_space<hbm>>) target(%arg10 : memref<1024xi32, #tpu.memory_space<vmem>>) target_semaphore(%run_scoped3A : memref<!tpu.dma_semaphore, #tpu.memory_space<semaphore_mem>>)
          %dma_wait3A_154 = tpu.memref_slice %arg5[%mul3A_25] : memref<525312xi32, #tpu.memory_space<hbm>> -> memref<1024xi32, #tpu.memory_space<hbm>>
          %dma_wait3A_155 = tpu.memref_slice %arg5[%mul3A_25] : memref<525312xi32, #tpu.memory_space<hbm>> -> memref<1024xi32, #tpu.memory_space<hbm>>
          tpu.wait_dma2 semaphore(%run_scoped3A : memref<!tpu.dma_semaphore, #tpu.memory_space<semaphore_mem>>) src(%dma_wait3A_155 : memref<1024xi32, #tpu.memory_space<hbm>>) dst(%arg10 : memref<1024xi32, #tpu.memory_space<vmem>>)
          tpu.yield
        }) : () -> ()
        %dma_start3A = arith.constant 0 : i32
        %dma_start3A_26 = arith.constant 0 : i32
        %dma_start3A_27 = tpu.memref_slice %arg11[%dma_start3A, %dma_start3A_26] : memref<1024x16xf32, #tpu.memory_space<vmem>> -> memref<128x16xf32, #tpu.memory_space<vmem>>
        %dma_start3A_28 = arith.constant 0 : i32
        %dma_start3A_29 = tpu.memref_slice %arg10[%dma_start3A_28] : memref<1024xi32, #tpu.memory_space<vmem>> -> memref<128xi32, #tpu.memory_space<vmem>>
        %dma_start3A_30 = arith.constant 0 : i32
        %dma_start3A_31 = arith.constant 0 : i32
        %dma_start3A_32 = tpu.memref_slice %arg2[%dma_start3A_30, %dma_start3A_31] : memref<786432x16xf32, #tpu.memory_space<hbm>> -> memref<786432x16xf32, #tpu.memory_space<hbm>>
        tpu.enqueue_indirect_dma source(%dma_start3A_32 : memref<786432x16xf32, #tpu.memory_space<hbm>>) target(%dma_start3A_27 : memref<128x16xf32, #tpu.memory_space<vmem>>) offsets(%dma_start3A_29 : memref<128xi32, #tpu.memory_space<vmem>>) semaphore(%arg12 : memref<!tpu.dma_semaphore, #tpu.memory_space<semaphore_mem>>)
        %dma_start3A_33 = arith.constant 128 : i32
        %dma_start3A_34 = arith.constant 0 : i32
        %dma_start3A_35 = tpu.memref_slice %arg11[%dma_start3A_33, %dma_start3A_34] : memref<1024x16xf32, #tpu.memory_space<vmem>> -> memref<128x16xf32, #tpu.memory_space<vmem>>
        %dma_start3A_36 = arith.constant 128 : i32
        %dma_start3A_37 = tpu.memref_slice %arg10[%dma_start3A_36] : memref<1024xi32, #tpu.memory_space<vmem>> -> memref<128xi32, #tpu.memory_space<vmem>>
        %dma_start3A_38 = arith.constant 0 : i32
        %dma_start3A_39 = arith.constant 0 : i32
        %dma_start3A_40 = tpu.memref_slice %arg2[%dma_start3A_38, %dma_start3A_39] : memref<786432x16xf32, #tpu.memory_space<hbm>> -> memref<786432x16xf32, #tpu.memory_space<hbm>>
        tpu.enqueue_indirect_dma source(%dma_start3A_40 : memref<786432x16xf32, #tpu.memory_space<hbm>>) target(%dma_start3A_35 : memref<128x16xf32, #tpu.memory_space<vmem>>) offsets(%dma_start3A_37 : memref<128xi32, #tpu.memory_space<vmem>>) semaphore(%arg12 : memref<!tpu.dma_semaphore, #tpu.memory_space<semaphore_mem>>)
        %dma_start3A_41 = arith.constant 256 : i32
        %dma_start3A_42 = arith.constant 0 : i32
        %dma_start3A_43 = tpu.memref_slice %arg11[%dma_start3A_41, %dma_start3A_42] : memref<1024x16xf32, #tpu.memory_space<vmem>> -> memref<128x16xf32, #tpu.memory_space<vmem>>
        %dma_start3A_44 = arith.constant 256 : i32
        %dma_start3A_45 = tpu.memref_slice %arg10[%dma_start3A_44] : memref<1024xi32, #tpu.memory_space<vmem>> -> memref<128xi32, #tpu.memory_space<vmem>>
        %dma_start3A_46 = arith.constant 0 : i32
        %dma_start3A_47 = arith.constant 0 : i32
        %dma_start3A_48 = tpu.memref_slice %arg2[%dma_start3A_46, %dma_start3A_47] : memref<786432x16xf32, #tpu.memory_space<hbm>> -> memref<786432x16xf32, #tpu.memory_space<hbm>>
        tpu.enqueue_indirect_dma source(%dma_start3A_48 : memref<786432x16xf32, #tpu.memory_space<hbm>>) target(%dma_start3A_43 : memref<128x16xf32, #tpu.memory_space<vmem>>) offsets(%dma_start3A_45 : memref<128xi32, #tpu.memory_space<vmem>>) semaphore(%arg12 : memref<!tpu.dma_semaphore, #tpu.memory_space<semaphore_mem>>)
        %dma_start3A_49 = arith.constant 384 : i32
        %dma_start3A_50 = arith.constant 0 : i32
        %dma_start3A_51 = tpu.memref_slice %arg11[%dma_start3A_49, %dma_start3A_50] : memref<1024x16xf32, #tpu.memory_space<vmem>> -> memref<128x16xf32, #tpu.memory_space<vmem>>
        %dma_start3A_52 = arith.constant 384 : i32
        %dma_start3A_53 = tpu.memref_slice %arg10[%dma_start3A_52] : memref<1024xi32, #tpu.memory_space<vmem>> -> memref<128xi32, #tpu.memory_space<vmem>>
        %dma_start3A_54 = arith.constant 0 : i32
        %dma_start3A_55 = arith.constant 0 : i32
        %dma_start3A_56 = tpu.memref_slice %arg2[%dma_start3A_54, %dma_start3A_55] : memref<786432x16xf32, #tpu.memory_space<hbm>> -> memref<786432x16xf32, #tpu.memory_space<hbm>>
        tpu.enqueue_indirect_dma source(%dma_start3A_56 : memref<786432x16xf32, #tpu.memory_space<hbm>>) target(%dma_start3A_51 : memref<128x16xf32, #tpu.memory_space<vmem>>) offsets(%dma_start3A_53 : memref<128xi32, #tpu.memory_space<vmem>>) semaphore(%arg12 : memref<!tpu.dma_semaphore, #tpu.memory_space<semaphore_mem>>)
        %dma_start3A_57 = arith.constant 512 : i32
        %dma_start3A_58 = arith.constant 0 : i32
        %dma_start3A_59 = tpu.memref_slice %arg11[%dma_start3A_57, %dma_start3A_58] : memref<1024x16xf32, #tpu.memory_space<vmem>> -> memref<128x16xf32, #tpu.memory_space<vmem>>
        %dma_start3A_60 = arith.constant 512 : i32
        %dma_start3A_61 = tpu.memref_slice %arg10[%dma_start3A_60] : memref<1024xi32, #tpu.memory_space<vmem>> -> memref<128xi32, #tpu.memory_space<vmem>>
        %dma_start3A_62 = arith.constant 0 : i32
        %dma_start3A_63 = arith.constant 0 : i32
        %dma_start3A_64 = tpu.memref_slice %arg2[%dma_start3A_62, %dma_start3A_63] : memref<786432x16xf32, #tpu.memory_space<hbm>> -> memref<786432x16xf32, #tpu.memory_space<hbm>>
        tpu.enqueue_indirect_dma source(%dma_start3A_64 : memref<786432x16xf32, #tpu.memory_space<hbm>>) target(%dma_start3A_59 : memref<128x16xf32, #tpu.memory_space<vmem>>) offsets(%dma_start3A_61 : memref<128xi32, #tpu.memory_space<vmem>>) semaphore(%arg12 : memref<!tpu.dma_semaphore, #tpu.memory_space<semaphore_mem>>)
        %dma_start3A_65 = arith.constant 640 : i32
        %dma_start3A_66 = arith.constant 0 : i32
        %dma_start3A_67 = tpu.memref_slice %arg11[%dma_start3A_65, %dma_start3A_66] : memref<1024x16xf32, #tpu.memory_space<vmem>> -> memref<128x16xf32, #tpu.memory_space<vmem>>
        %dma_start3A_68 = arith.constant 640 : i32
        %dma_start3A_69 = tpu.memref_slice %arg10[%dma_start3A_68] : memref<1024xi32, #tpu.memory_space<vmem>> -> memref<128xi32, #tpu.memory_space<vmem>>
        %dma_start3A_70 = arith.constant 0 : i32
        %dma_start3A_71 = arith.constant 0 : i32
        %dma_start3A_72 = tpu.memref_slice %arg2[%dma_start3A_70, %dma_start3A_71] : memref<786432x16xf32, #tpu.memory_space<hbm>> -> memref<786432x16xf32, #tpu.memory_space<hbm>>
        tpu.enqueue_indirect_dma source(%dma_start3A_72 : memref<786432x16xf32, #tpu.memory_space<hbm>>) target(%dma_start3A_67 : memref<128x16xf32, #tpu.memory_space<vmem>>) offsets(%dma_start3A_69 : memref<128xi32, #tpu.memory_space<vmem>>) semaphore(%arg12 : memref<!tpu.dma_semaphore, #tpu.memory_space<semaphore_mem>>)
        %dma_start3A_73 = arith.constant 768 : i32
        %dma_start3A_74 = arith.constant 0 : i32
        %dma_start3A_75 = tpu.memref_slice %arg11[%dma_start3A_73, %dma_start3A_74] : memref<1024x16xf32, #tpu.memory_space<vmem>> -> memref<128x16xf32, #tpu.memory_space<vmem>>
        %dma_start3A_76 = arith.constant 768 : i32
        %dma_start3A_77 = tpu.memref_slice %arg10[%dma_start3A_76] : memref<1024xi32, #tpu.memory_space<vmem>> -> memref<128xi32, #tpu.memory_space<vmem>>
        %dma_start3A_78 = arith.constant 0 : i32
        %dma_start3A_79 = arith.constant 0 : i32
        %dma_start3A_80 = tpu.memref_slice %arg2[%dma_start3A_78, %dma_start3A_79] : memref<786432x16xf32, #tpu.memory_space<hbm>> -> memref<786432x16xf32, #tpu.memory_space<hbm>>
        tpu.enqueue_indirect_dma source(%dma_start3A_80 : memref<786432x16xf32, #tpu.memory_space<hbm>>) target(%dma_start3A_75 : memref<128x16xf32, #tpu.memory_space<vmem>>) offsets(%dma_start3A_77 : memref<128xi32, #tpu.memory_space<vmem>>) semaphore(%arg12 : memref<!tpu.dma_semaphore, #tpu.memory_space<semaphore_mem>>)
        %dma_start3A_81 = arith.constant 896 : i32
        %dma_start3A_82 = arith.constant 0 : i32
        %dma_start3A_83 = tpu.memref_slice %arg11[%dma_start3A_81, %dma_start3A_82] : memref<1024x16xf32, #tpu.memory_space<vmem>> -> memref<128x16xf32, #tpu.memory_space<vmem>>
        %dma_start3A_84 = arith.constant 896 : i32
        %dma_start3A_85 = tpu.memref_slice %arg10[%dma_start3A_84] : memref<1024xi32, #tpu.memory_space<vmem>> -> memref<128xi32, #tpu.memory_space<vmem>>
        %dma_start3A_86 = arith.constant 0 : i32
        %dma_start3A_87 = arith.constant 0 : i32
        %dma_start3A_88 = tpu.memref_slice %arg2[%dma_start3A_86, %dma_start3A_87] : memref<786432x16xf32, #tpu.memory_space<hbm>> -> memref<786432x16xf32, #tpu.memory_space<hbm>>
        tpu.enqueue_indirect_dma source(%dma_start3A_88 : memref<786432x16xf32, #tpu.memory_space<hbm>>) target(%dma_start3A_83 : memref<128x16xf32, #tpu.memory_space<vmem>>) offsets(%dma_start3A_85 : memref<128xi32, #tpu.memory_space<vmem>>) semaphore(%arg12 : memref<!tpu.dma_semaphore, #tpu.memory_space<semaphore_mem>>)
        %dma_wait3A = arith.constant 0 : i32
        %dma_wait3A_89 = arith.constant 0 : i32
        %dma_wait3A_90 = tpu.memref_slice %arg11[%dma_wait3A, %dma_wait3A_89] : memref<1024x16xf32, #tpu.memory_space<vmem>> -> memref<128x16xf32, #tpu.memory_space<vmem>>
        %dma_wait3A_91 = arith.constant 0 : i32
        %dma_wait3A_92 = tpu.memref_slice %arg10[%dma_wait3A_91] : memref<1024xi32, #tpu.memory_space<vmem>> -> memref<128xi32, #tpu.memory_space<vmem>>
        %dma_wait3A_93 = arith.constant 0 : i32
        %dma_wait3A_94 = arith.constant 0 : i32
        %dma_wait3A_95 = tpu.memref_slice %arg2[%dma_wait3A_93, %dma_wait3A_94] : memref<786432x16xf32, #tpu.memory_space<hbm>> -> memref<786432x16xf32, #tpu.memory_space<hbm>>
        tpu.wait_indirect_dma semaphore(%arg12 : memref<!tpu.dma_semaphore, #tpu.memory_space<semaphore_mem>>) src(%dma_wait3A_95 : memref<786432x16xf32, #tpu.memory_space<hbm>>) dst(%dma_wait3A_90 : memref<128x16xf32, #tpu.memory_space<vmem>>)
        %dma_wait3A_96 = arith.constant 128 : i32
        %dma_wait3A_97 = arith.constant 0 : i32
        %dma_wait3A_98 = tpu.memref_slice %arg11[%dma_wait3A_96, %dma_wait3A_97] : memref<1024x16xf32, #tpu.memory_space<vmem>> -> memref<128x16xf32, #tpu.memory_space<vmem>>
        %dma_wait3A_99 = arith.constant 128 : i32
        %dma_wait3A_100 = tpu.memref_slice %arg10[%dma_wait3A_99] : memref<1024xi32, #tpu.memory_space<vmem>> -> memref<128xi32, #tpu.memory_space<vmem>>
        %dma_wait3A_101 = arith.constant 0 : i32
        %dma_wait3A_102 = arith.constant 0 : i32
        %dma_wait3A_103 = tpu.memref_slice %arg2[%dma_wait3A_101, %dma_wait3A_102] : memref<786432x16xf32, #tpu.memory_space<hbm>> -> memref<786432x16xf32, #tpu.memory_space<hbm>>
        tpu.wait_indirect_dma semaphore(%arg12 : memref<!tpu.dma_semaphore, #tpu.memory_space<semaphore_mem>>) src(%dma_wait3A_103 : memref<786432x16xf32, #tpu.memory_space<hbm>>) dst(%dma_wait3A_98 : memref<128x16xf32, #tpu.memory_space<vmem>>)
        %dma_wait3A_104 = arith.constant 256 : i32
        %dma_wait3A_105 = arith.constant 0 : i32
        %dma_wait3A_106 = tpu.memref_slice %arg11[%dma_wait3A_104, %dma_wait3A_105] : memref<1024x16xf32, #tpu.memory_space<vmem>> -> memref<128x16xf32, #tpu.memory_space<vmem>>
        %dma_wait3A_107 = arith.constant 256 : i32
        %dma_wait3A_108 = tpu.memref_slice %arg10[%dma_wait3A_107] : memref<1024xi32, #tpu.memory_space<vmem>> -> memref<128xi32, #tpu.memory_space<vmem>>
        %dma_wait3A_109 = arith.constant 0 : i32
        %dma_wait3A_110 = arith.constant 0 : i32
        %dma_wait3A_111 = tpu.memref_slice %arg2[%dma_wait3A_109, %dma_wait3A_110] : memref<786432x16xf32, #tpu.memory_space<hbm>> -> memref<786432x16xf32, #tpu.memory_space<hbm>>
        tpu.wait_indirect_dma semaphore(%arg12 : memref<!tpu.dma_semaphore, #tpu.memory_space<semaphore_mem>>) src(%dma_wait3A_111 : memref<786432x16xf32, #tpu.memory_space<hbm>>) dst(%dma_wait3A_106 : memref<128x16xf32, #tpu.memory_space<vmem>>)
        %dma_wait3A_112 = arith.constant 384 : i32
        %dma_wait3A_113 = arith.constant 0 : i32
        %dma_wait3A_114 = tpu.memref_slice %arg11[%dma_wait3A_112, %dma_wait3A_113] : memref<1024x16xf32, #tpu.memory_space<vmem>> -> memref<128x16xf32, #tpu.memory_space<vmem>>
        %dma_wait3A_115 = arith.constant 384 : i32
        %dma_wait3A_116 = tpu.memref_slice %arg10[%dma_wait3A_115] : memref<1024xi32, #tpu.memory_space<vmem>> -> memref<128xi32, #tpu.memory_space<vmem>>
        %dma_wait3A_117 = arith.constant 0 : i32
        %dma_wait3A_118 = arith.constant 0 : i32
        %dma_wait3A_119 = tpu.memref_slice %arg2[%dma_wait3A_117, %dma_wait3A_118] : memref<786432x16xf32, #tpu.memory_space<hbm>> -> memref<786432x16xf32, #tpu.memory_space<hbm>>
        tpu.wait_indirect_dma semaphore(%arg12 : memref<!tpu.dma_semaphore, #tpu.memory_space<semaphore_mem>>) src(%dma_wait3A_119 : memref<786432x16xf32, #tpu.memory_space<hbm>>) dst(%dma_wait3A_114 : memref<128x16xf32, #tpu.memory_space<vmem>>)
        %dma_wait3A_120 = arith.constant 512 : i32
        %dma_wait3A_121 = arith.constant 0 : i32
        %dma_wait3A_122 = tpu.memref_slice %arg11[%dma_wait3A_120, %dma_wait3A_121] : memref<1024x16xf32, #tpu.memory_space<vmem>> -> memref<128x16xf32, #tpu.memory_space<vmem>>
        %dma_wait3A_123 = arith.constant 512 : i32
        %dma_wait3A_124 = tpu.memref_slice %arg10[%dma_wait3A_123] : memref<1024xi32, #tpu.memory_space<vmem>> -> memref<128xi32, #tpu.memory_space<vmem>>
        %dma_wait3A_125 = arith.constant 0 : i32
        %dma_wait3A_126 = arith.constant 0 : i32
        %dma_wait3A_127 = tpu.memref_slice %arg2[%dma_wait3A_125, %dma_wait3A_126] : memref<786432x16xf32, #tpu.memory_space<hbm>> -> memref<786432x16xf32, #tpu.memory_space<hbm>>
        tpu.wait_indirect_dma semaphore(%arg12 : memref<!tpu.dma_semaphore, #tpu.memory_space<semaphore_mem>>) src(%dma_wait3A_127 : memref<786432x16xf32, #tpu.memory_space<hbm>>) dst(%dma_wait3A_122 : memref<128x16xf32, #tpu.memory_space<vmem>>)
        %dma_wait3A_128 = arith.constant 640 : i32
        %dma_wait3A_129 = arith.constant 0 : i32
        %dma_wait3A_130 = tpu.memref_slice %arg11[%dma_wait3A_128, %dma_wait3A_129] : memref<1024x16xf32, #tpu.memory_space<vmem>> -> memref<128x16xf32, #tpu.memory_space<vmem>>
        %dma_wait3A_131 = arith.constant 640 : i32
        %dma_wait3A_132 = tpu.memref_slice %arg10[%dma_wait3A_131] : memref<1024xi32, #tpu.memory_space<vmem>> -> memref<128xi32, #tpu.memory_space<vmem>>
        %dma_wait3A_133 = arith.constant 0 : i32
        %dma_wait3A_134 = arith.constant 0 : i32
        %dma_wait3A_135 = tpu.memref_slice %arg2[%dma_wait3A_133, %dma_wait3A_134] : memref<786432x16xf32, #tpu.memory_space<hbm>> -> memref<786432x16xf32, #tpu.memory_space<hbm>>
        tpu.wait_indirect_dma semaphore(%arg12 : memref<!tpu.dma_semaphore, #tpu.memory_space<semaphore_mem>>) src(%dma_wait3A_135 : memref<786432x16xf32, #tpu.memory_space<hbm>>) dst(%dma_wait3A_130 : memref<128x16xf32, #tpu.memory_space<vmem>>)
        %dma_wait3A_136 = arith.constant 768 : i32
        %dma_wait3A_137 = arith.constant 0 : i32
        %dma_wait3A_138 = tpu.memref_slice %arg11[%dma_wait3A_136, %dma_wait3A_137] : memref<1024x16xf32, #tpu.memory_space<vmem>> -> memref<128x16xf32, #tpu.memory_space<vmem>>
        %dma_wait3A_139 = arith.constant 768 : i32
        %dma_wait3A_140 = tpu.memref_slice %arg10[%dma_wait3A_139] : memref<1024xi32, #tpu.memory_space<vmem>> -> memref<128xi32, #tpu.memory_space<vmem>>
        %dma_wait3A_141 = arith.constant 0 : i32
        %dma_wait3A_142 = arith.constant 0 : i32
        %dma_wait3A_143 = tpu.memref_slice %arg2[%dma_wait3A_141, %dma_wait3A_142] : memref<786432x16xf32, #tpu.memory_space<hbm>> -> memref<786432x16xf32, #tpu.memory_space<hbm>>
        tpu.wait_indirect_dma semaphore(%arg12 : memref<!tpu.dma_semaphore, #tpu.memory_space<semaphore_mem>>) src(%dma_wait3A_143 : memref<786432x16xf32, #tpu.memory_space<hbm>>) dst(%dma_wait3A_138 : memref<128x16xf32, #tpu.memory_space<vmem>>)
        %dma_wait3A_144 = arith.constant 896 : i32
        %dma_wait3A_145 = arith.constant 0 : i32
        %dma_wait3A_146 = tpu.memref_slice %arg11[%dma_wait3A_144, %dma_wait3A_145] : memref<1024x16xf32, #tpu.memory_space<vmem>> -> memref<128x16xf32, #tpu.memory_space<vmem>>
        %dma_wait3A_147 = arith.constant 896 : i32
        %dma_wait3A_148 = tpu.memref_slice %arg10[%dma_wait3A_147] : memref<1024xi32, #tpu.memory_space<vmem>> -> memref<128xi32, #tpu.memory_space<vmem>>
        %dma_wait3A_149 = arith.constant 0 : i32
        %dma_wait3A_150 = arith.constant 0 : i32
        %dma_wait3A_151 = tpu.memref_slice %arg2[%dma_wait3A_149, %dma_wait3A_150] : memref<786432x16xf32, #tpu.memory_space<hbm>> -> memref<786432x16xf32, #tpu.memory_space<hbm>>
        tpu.wait_indirect_dma semaphore(%arg12 : memref<!tpu.dma_semaphore, #tpu.memory_space<semaphore_mem>>) src(%dma_wait3A_151 : memref<786432x16xf32, #tpu.memory_space<hbm>>) dst(%dma_wait3A_146 : memref<128x16xf32, #tpu.memory_space<vmem>>)
        "tpu.region"() ({
          %run_scoped3A = tpu.sem_alloc : memref<!tpu.dma_semaphore, #tpu.memory_space<semaphore_mem>>
          %dma_start3A_152 = arith.constant 0 : i32
          %dma_start3A_153 = tpu.memref_slice %arg8[%mul3A_25, %dma_start3A_152] : memref<525312x16xf32, #tpu.memory_space<hbm>> -> memref<1024x16xf32, #tpu.memory_space<hbm>>
          %dma_start3A_154 = arith.constant 0 : i32
          %dma_start3A_155 = tpu.memref_slice %arg8[%mul3A_25, %dma_start3A_154] : memref<525312x16xf32, #tpu.memory_space<hbm>> -> memref<1024x16xf32, #tpu.memory_space<hbm>>
          tpu.enqueue_dma source(%arg11 : memref<1024x16xf32, #tpu.memory_space<vmem>>) target(%dma_start3A_155 : memref<1024x16xf32, #tpu.memory_space<hbm>>) target_semaphore(%run_scoped3A : memref<!tpu.dma_semaphore, #tpu.memory_space<semaphore_mem>>)
          %dma_wait3A_156 = arith.constant 0 : i32
          %dma_wait3A_157 = tpu.memref_slice %arg8[%mul3A_25, %dma_wait3A_156] : memref<525312x16xf32, #tpu.memory_space<hbm>> -> memref<1024x16xf32, #tpu.memory_space<hbm>>
          %dma_wait3A_158 = arith.constant 0 : i32
          %dma_wait3A_159 = tpu.memref_slice %arg8[%mul3A_25, %dma_wait3A_158] : memref<525312x16xf32, #tpu.memory_space<hbm>> -> memref<1024x16xf32, #tpu.memory_space<hbm>>
          tpu.wait_dma2 semaphore(%run_scoped3A : memref<!tpu.dma_semaphore, #tpu.memory_space<semaphore_mem>>) src(%arg11 : memref<1024x16xf32, #tpu.memory_space<vmem>>) dst(%dma_wait3A_159 : memref<1024x16xf32, #tpu.memory_space<hbm>>)
          tpu.yield
        }) : () -> ()
      } else {
      }
    }
    %scan3A_11 = arith.constant 17 : i32
    %scan3A_12 = arith.constant 0 : i32
    %scan3A_13 = arith.constant 0 : i32
    %scan3A_14 = arith.constant 5 : i32
    %scan3A_15 = arith.addi %scan3A_13, %scan3A_14 : i32
    %scan3A_16 = arith.constant 1 : i32
    scf.for %scan3A_18 = %scan3A_13 to %scan3A_15 step %scan3A_16  : i32 {
      %mul3A_19 = arith.constant 32 : i32
      %mul3A_20 = arith.muli %scan3A_18, %mul3A_19 : i32
      %add3A_21 = arith.addi %mul3A_20, %add3A : i32
      %lt3A = arith.constant 129 : i32
      %lt3A_22 = arith.cmpi slt, %add3A_21, %lt3A : i32
      %convert_element_type3A = arith.extui %lt3A_22 : i1 to i32
      %cond3A = arith.constant 0 : i32
      %cond3A_23 = arith.cmpi ne, %convert_element_type3A, %cond3A : i32
      scf.if %cond3A_23 {
        %mul3A_24 = arith.constant 1024 : i32
        %mul3A_25 = arith.muli %add3A_21, %mul3A_24 : i32
        "tpu.region"() ({
          %run_scoped3A = tpu.sem_alloc : memref<!tpu.dma_semaphore, #tpu.memory_space<semaphore_mem>>
          %dma_start3A_152 = tpu.memref_slice %arg6[%mul3A_25] : memref<132096xi32, #tpu.memory_space<hbm>> -> memref<1024xi32, #tpu.memory_space<hbm>>
          %dma_start3A_153 = tpu.memref_slice %arg6[%mul3A_25] : memref<132096xi32, #tpu.memory_space<hbm>> -> memref<1024xi32, #tpu.memory_space<hbm>>
          tpu.enqueue_dma source(%dma_start3A_153 : memref<1024xi32, #tpu.memory_space<hbm>>) target(%arg10 : memref<1024xi32, #tpu.memory_space<vmem>>) target_semaphore(%run_scoped3A : memref<!tpu.dma_semaphore, #tpu.memory_space<semaphore_mem>>)
          %dma_wait3A_154 = tpu.memref_slice %arg6[%mul3A_25] : memref<132096xi32, #tpu.memory_space<hbm>> -> memref<1024xi32, #tpu.memory_space<hbm>>
          %dma_wait3A_155 = tpu.memref_slice %arg6[%mul3A_25] : memref<132096xi32, #tpu.memory_space<hbm>> -> memref<1024xi32, #tpu.memory_space<hbm>>
          tpu.wait_dma2 semaphore(%run_scoped3A : memref<!tpu.dma_semaphore, #tpu.memory_space<semaphore_mem>>) src(%dma_wait3A_155 : memref<1024xi32, #tpu.memory_space<hbm>>) dst(%arg10 : memref<1024xi32, #tpu.memory_space<vmem>>)
          tpu.yield
        }) : () -> ()
        %dma_start3A = arith.constant 0 : i32
        %dma_start3A_26 = arith.constant 0 : i32
        %dma_start3A_27 = tpu.memref_slice %arg11[%dma_start3A, %dma_start3A_26] : memref<1024x16xf32, #tpu.memory_space<vmem>> -> memref<128x16xf32, #tpu.memory_space<vmem>>
        %dma_start3A_28 = arith.constant 0 : i32
        %dma_start3A_29 = tpu.memref_slice %arg10[%dma_start3A_28] : memref<1024xi32, #tpu.memory_space<vmem>> -> memref<128xi32, #tpu.memory_space<vmem>>
        %dma_start3A_30 = arith.constant 0 : i32
        %dma_start3A_31 = arith.constant 0 : i32
        %dma_start3A_32 = tpu.memref_slice %arg3[%dma_start3A_30, %dma_start3A_31] : memref<196608x16xf32, #tpu.memory_space<hbm>> -> memref<196608x16xf32, #tpu.memory_space<hbm>>
        tpu.enqueue_indirect_dma source(%dma_start3A_32 : memref<196608x16xf32, #tpu.memory_space<hbm>>) target(%dma_start3A_27 : memref<128x16xf32, #tpu.memory_space<vmem>>) offsets(%dma_start3A_29 : memref<128xi32, #tpu.memory_space<vmem>>) semaphore(%arg12 : memref<!tpu.dma_semaphore, #tpu.memory_space<semaphore_mem>>)
        %dma_start3A_33 = arith.constant 128 : i32
        %dma_start3A_34 = arith.constant 0 : i32
        %dma_start3A_35 = tpu.memref_slice %arg11[%dma_start3A_33, %dma_start3A_34] : memref<1024x16xf32, #tpu.memory_space<vmem>> -> memref<128x16xf32, #tpu.memory_space<vmem>>
        %dma_start3A_36 = arith.constant 128 : i32
        %dma_start3A_37 = tpu.memref_slice %arg10[%dma_start3A_36] : memref<1024xi32, #tpu.memory_space<vmem>> -> memref<128xi32, #tpu.memory_space<vmem>>
        %dma_start3A_38 = arith.constant 0 : i32
        %dma_start3A_39 = arith.constant 0 : i32
        %dma_start3A_40 = tpu.memref_slice %arg3[%dma_start3A_38, %dma_start3A_39] : memref<196608x16xf32, #tpu.memory_space<hbm>> -> memref<196608x16xf32, #tpu.memory_space<hbm>>
        tpu.enqueue_indirect_dma source(%dma_start3A_40 : memref<196608x16xf32, #tpu.memory_space<hbm>>) target(%dma_start3A_35 : memref<128x16xf32, #tpu.memory_space<vmem>>) offsets(%dma_start3A_37 : memref<128xi32, #tpu.memory_space<vmem>>) semaphore(%arg12 : memref<!tpu.dma_semaphore, #tpu.memory_space<semaphore_mem>>)
        %dma_start3A_41 = arith.constant 256 : i32
        %dma_start3A_42 = arith.constant 0 : i32
        %dma_start3A_43 = tpu.memref_slice %arg11[%dma_start3A_41, %dma_start3A_42] : memref<1024x16xf32, #tpu.memory_space<vmem>> -> memref<128x16xf32, #tpu.memory_space<vmem>>
        %dma_start3A_44 = arith.constant 256 : i32
        %dma_start3A_45 = tpu.memref_slice %arg10[%dma_start3A_44] : memref<1024xi32, #tpu.memory_space<vmem>> -> memref<128xi32, #tpu.memory_space<vmem>>
        %dma_start3A_46 = arith.constant 0 : i32
        %dma_start3A_47 = arith.constant 0 : i32
        %dma_start3A_48 = tpu.memref_slice %arg3[%dma_start3A_46, %dma_start3A_47] : memref<196608x16xf32, #tpu.memory_space<hbm>> -> memref<196608x16xf32, #tpu.memory_space<hbm>>
        tpu.enqueue_indirect_dma source(%dma_start3A_48 : memref<196608x16xf32, #tpu.memory_space<hbm>>) target(%dma_start3A_43 : memref<128x16xf32, #tpu.memory_space<vmem>>) offsets(%dma_start3A_45 : memref<128xi32, #tpu.memory_space<vmem>>) semaphore(%arg12 : memref<!tpu.dma_semaphore, #tpu.memory_space<semaphore_mem>>)
        %dma_start3A_49 = arith.constant 384 : i32
        %dma_start3A_50 = arith.constant 0 : i32
        %dma_start3A_51 = tpu.memref_slice %arg11[%dma_start3A_49, %dma_start3A_50] : memref<1024x16xf32, #tpu.memory_space<vmem>> -> memref<128x16xf32, #tpu.memory_space<vmem>>
        %dma_start3A_52 = arith.constant 384 : i32
        %dma_start3A_53 = tpu.memref_slice %arg10[%dma_start3A_52] : memref<1024xi32, #tpu.memory_space<vmem>> -> memref<128xi32, #tpu.memory_space<vmem>>
        %dma_start3A_54 = arith.constant 0 : i32
        %dma_start3A_55 = arith.constant 0 : i32
        %dma_start3A_56 = tpu.memref_slice %arg3[%dma_start3A_54, %dma_start3A_55] : memref<196608x16xf32, #tpu.memory_space<hbm>> -> memref<196608x16xf32, #tpu.memory_space<hbm>>
        tpu.enqueue_indirect_dma source(%dma_start3A_56 : memref<196608x16xf32, #tpu.memory_space<hbm>>) target(%dma_start3A_51 : memref<128x16xf32, #tpu.memory_space<vmem>>) offsets(%dma_start3A_53 : memref<128xi32, #tpu.memory_space<vmem>>) semaphore(%arg12 : memref<!tpu.dma_semaphore, #tpu.memory_space<semaphore_mem>>)
        %dma_start3A_57 = arith.constant 512 : i32
        %dma_start3A_58 = arith.constant 0 : i32
        %dma_start3A_59 = tpu.memref_slice %arg11[%dma_start3A_57, %dma_start3A_58] : memref<1024x16xf32, #tpu.memory_space<vmem>> -> memref<128x16xf32, #tpu.memory_space<vmem>>
        %dma_start3A_60 = arith.constant 512 : i32
        %dma_start3A_61 = tpu.memref_slice %arg10[%dma_start3A_60] : memref<1024xi32, #tpu.memory_space<vmem>> -> memref<128xi32, #tpu.memory_space<vmem>>
        %dma_start3A_62 = arith.constant 0 : i32
        %dma_start3A_63 = arith.constant 0 : i32
        %dma_start3A_64 = tpu.memref_slice %arg3[%dma_start3A_62, %dma_start3A_63] : memref<196608x16xf32, #tpu.memory_space<hbm>> -> memref<196608x16xf32, #tpu.memory_space<hbm>>
        tpu.enqueue_indirect_dma source(%dma_start3A_64 : memref<196608x16xf32, #tpu.memory_space<hbm>>) target(%dma_start3A_59 : memref<128x16xf32, #tpu.memory_space<vmem>>) offsets(%dma_start3A_61 : memref<128xi32, #tpu.memory_space<vmem>>) semaphore(%arg12 : memref<!tpu.dma_semaphore, #tpu.memory_space<semaphore_mem>>)
        %dma_start3A_65 = arith.constant 640 : i32
        %dma_start3A_66 = arith.constant 0 : i32
        %dma_start3A_67 = tpu.memref_slice %arg11[%dma_start3A_65, %dma_start3A_66] : memref<1024x16xf32, #tpu.memory_space<vmem>> -> memref<128x16xf32, #tpu.memory_space<vmem>>
        %dma_start3A_68 = arith.constant 640 : i32
        %dma_start3A_69 = tpu.memref_slice %arg10[%dma_start3A_68] : memref<1024xi32, #tpu.memory_space<vmem>> -> memref<128xi32, #tpu.memory_space<vmem>>
        %dma_start3A_70 = arith.constant 0 : i32
        %dma_start3A_71 = arith.constant 0 : i32
        %dma_start3A_72 = tpu.memref_slice %arg3[%dma_start3A_70, %dma_start3A_71] : memref<196608x16xf32, #tpu.memory_space<hbm>> -> memref<196608x16xf32, #tpu.memory_space<hbm>>
        tpu.enqueue_indirect_dma source(%dma_start3A_72 : memref<196608x16xf32, #tpu.memory_space<hbm>>) target(%dma_start3A_67 : memref<128x16xf32, #tpu.memory_space<vmem>>) offsets(%dma_start3A_69 : memref<128xi32, #tpu.memory_space<vmem>>) semaphore(%arg12 : memref<!tpu.dma_semaphore, #tpu.memory_space<semaphore_mem>>)
        %dma_start3A_73 = arith.constant 768 : i32
        %dma_start3A_74 = arith.constant 0 : i32
        %dma_start3A_75 = tpu.memref_slice %arg11[%dma_start3A_73, %dma_start3A_74] : memref<1024x16xf32, #tpu.memory_space<vmem>> -> memref<128x16xf32, #tpu.memory_space<vmem>>
        %dma_start3A_76 = arith.constant 768 : i32
        %dma_start3A_77 = tpu.memref_slice %arg10[%dma_start3A_76] : memref<1024xi32, #tpu.memory_space<vmem>> -> memref<128xi32, #tpu.memory_space<vmem>>
        %dma_start3A_78 = arith.constant 0 : i32
        %dma_start3A_79 = arith.constant 0 : i32
        %dma_start3A_80 = tpu.memref_slice %arg3[%dma_start3A_78, %dma_start3A_79] : memref<196608x16xf32, #tpu.memory_space<hbm>> -> memref<196608x16xf32, #tpu.memory_space<hbm>>
        tpu.enqueue_indirect_dma source(%dma_start3A_80 : memref<196608x16xf32, #tpu.memory_space<hbm>>) target(%dma_start3A_75 : memref<128x16xf32, #tpu.memory_space<vmem>>) offsets(%dma_start3A_77 : memref<128xi32, #tpu.memory_space<vmem>>) semaphore(%arg12 : memref<!tpu.dma_semaphore, #tpu.memory_space<semaphore_mem>>)
        %dma_start3A_81 = arith.constant 896 : i32
        %dma_start3A_82 = arith.constant 0 : i32
        %dma_start3A_83 = tpu.memref_slice %arg11[%dma_start3A_81, %dma_start3A_82] : memref<1024x16xf32, #tpu.memory_space<vmem>> -> memref<128x16xf32, #tpu.memory_space<vmem>>
        %dma_start3A_84 = arith.constant 896 : i32
        %dma_start3A_85 = tpu.memref_slice %arg10[%dma_start3A_84] : memref<1024xi32, #tpu.memory_space<vmem>> -> memref<128xi32, #tpu.memory_space<vmem>>
        %dma_start3A_86 = arith.constant 0 : i32
        %dma_start3A_87 = arith.constant 0 : i32
        %dma_start3A_88 = tpu.memref_slice %arg3[%dma_start3A_86, %dma_start3A_87] : memref<196608x16xf32, #tpu.memory_space<hbm>> -> memref<196608x16xf32, #tpu.memory_space<hbm>>
        tpu.enqueue_indirect_dma source(%dma_start3A_88 : memref<196608x16xf32, #tpu.memory_space<hbm>>) target(%dma_start3A_83 : memref<128x16xf32, #tpu.memory_space<vmem>>) offsets(%dma_start3A_85 : memref<128xi32, #tpu.memory_space<vmem>>) semaphore(%arg12 : memref<!tpu.dma_semaphore, #tpu.memory_space<semaphore_mem>>)
        %dma_wait3A = arith.constant 0 : i32
        %dma_wait3A_89 = arith.constant 0 : i32
        %dma_wait3A_90 = tpu.memref_slice %arg11[%dma_wait3A, %dma_wait3A_89] : memref<1024x16xf32, #tpu.memory_space<vmem>> -> memref<128x16xf32, #tpu.memory_space<vmem>>
        %dma_wait3A_91 = arith.constant 0 : i32
        %dma_wait3A_92 = tpu.memref_slice %arg10[%dma_wait3A_91] : memref<1024xi32, #tpu.memory_space<vmem>> -> memref<128xi32, #tpu.memory_space<vmem>>
        %dma_wait3A_93 = arith.constant 0 : i32
        %dma_wait3A_94 = arith.constant 0 : i32
        %dma_wait3A_95 = tpu.memref_slice %arg3[%dma_wait3A_93, %dma_wait3A_94] : memref<196608x16xf32, #tpu.memory_space<hbm>> -> memref<196608x16xf32, #tpu.memory_space<hbm>>
        tpu.wait_indirect_dma semaphore(%arg12 : memref<!tpu.dma_semaphore, #tpu.memory_space<semaphore_mem>>) src(%dma_wait3A_95 : memref<196608x16xf32, #tpu.memory_space<hbm>>) dst(%dma_wait3A_90 : memref<128x16xf32, #tpu.memory_space<vmem>>)
        %dma_wait3A_96 = arith.constant 128 : i32
        %dma_wait3A_97 = arith.constant 0 : i32
        %dma_wait3A_98 = tpu.memref_slice %arg11[%dma_wait3A_96, %dma_wait3A_97] : memref<1024x16xf32, #tpu.memory_space<vmem>> -> memref<128x16xf32, #tpu.memory_space<vmem>>
        %dma_wait3A_99 = arith.constant 128 : i32
        %dma_wait3A_100 = tpu.memref_slice %arg10[%dma_wait3A_99] : memref<1024xi32, #tpu.memory_space<vmem>> -> memref<128xi32, #tpu.memory_space<vmem>>
        %dma_wait3A_101 = arith.constant 0 : i32
        %dma_wait3A_102 = arith.constant 0 : i32
        %dma_wait3A_103 = tpu.memref_slice %arg3[%dma_wait3A_101, %dma_wait3A_102] : memref<196608x16xf32, #tpu.memory_space<hbm>> -> memref<196608x16xf32, #tpu.memory_space<hbm>>
        tpu.wait_indirect_dma semaphore(%arg12 : memref<!tpu.dma_semaphore, #tpu.memory_space<semaphore_mem>>) src(%dma_wait3A_103 : memref<196608x16xf32, #tpu.memory_space<hbm>>) dst(%dma_wait3A_98 : memref<128x16xf32, #tpu.memory_space<vmem>>)
        %dma_wait3A_104 = arith.constant 256 : i32
        %dma_wait3A_105 = arith.constant 0 : i32
        %dma_wait3A_106 = tpu.memref_slice %arg11[%dma_wait3A_104, %dma_wait3A_105] : memref<1024x16xf32, #tpu.memory_space<vmem>> -> memref<128x16xf32, #tpu.memory_space<vmem>>
        %dma_wait3A_107 = arith.constant 256 : i32
        %dma_wait3A_108 = tpu.memref_slice %arg10[%dma_wait3A_107] : memref<1024xi32, #tpu.memory_space<vmem>> -> memref<128xi32, #tpu.memory_space<vmem>>
        %dma_wait3A_109 = arith.constant 0 : i32
        %dma_wait3A_110 = arith.constant 0 : i32
        %dma_wait3A_111 = tpu.memref_slice %arg3[%dma_wait3A_109, %dma_wait3A_110] : memref<196608x16xf32, #tpu.memory_space<hbm>> -> memref<196608x16xf32, #tpu.memory_space<hbm>>
        tpu.wait_indirect_dma semaphore(%arg12 : memref<!tpu.dma_semaphore, #tpu.memory_space<semaphore_mem>>) src(%dma_wait3A_111 : memref<196608x16xf32, #tpu.memory_space<hbm>>) dst(%dma_wait3A_106 : memref<128x16xf32, #tpu.memory_space<vmem>>)
        %dma_wait3A_112 = arith.constant 384 : i32
        %dma_wait3A_113 = arith.constant 0 : i32
        %dma_wait3A_114 = tpu.memref_slice %arg11[%dma_wait3A_112, %dma_wait3A_113] : memref<1024x16xf32, #tpu.memory_space<vmem>> -> memref<128x16xf32, #tpu.memory_space<vmem>>
        %dma_wait3A_115 = arith.constant 384 : i32
        %dma_wait3A_116 = tpu.memref_slice %arg10[%dma_wait3A_115] : memref<1024xi32, #tpu.memory_space<vmem>> -> memref<128xi32, #tpu.memory_space<vmem>>
        %dma_wait3A_117 = arith.constant 0 : i32
        %dma_wait3A_118 = arith.constant 0 : i32
        %dma_wait3A_119 = tpu.memref_slice %arg3[%dma_wait3A_117, %dma_wait3A_118] : memref<196608x16xf32, #tpu.memory_space<hbm>> -> memref<196608x16xf32, #tpu.memory_space<hbm>>
        tpu.wait_indirect_dma semaphore(%arg12 : memref<!tpu.dma_semaphore, #tpu.memory_space<semaphore_mem>>) src(%dma_wait3A_119 : memref<196608x16xf32, #tpu.memory_space<hbm>>) dst(%dma_wait3A_114 : memref<128x16xf32, #tpu.memory_space<vmem>>)
        %dma_wait3A_120 = arith.constant 512 : i32
        %dma_wait3A_121 = arith.constant 0 : i32
        %dma_wait3A_122 = tpu.memref_slice %arg11[%dma_wait3A_120, %dma_wait3A_121] : memref<1024x16xf32, #tpu.memory_space<vmem>> -> memref<128x16xf32, #tpu.memory_space<vmem>>
        %dma_wait3A_123 = arith.constant 512 : i32
        %dma_wait3A_124 = tpu.memref_slice %arg10[%dma_wait3A_123] : memref<1024xi32, #tpu.memory_space<vmem>> -> memref<128xi32, #tpu.memory_space<vmem>>
        %dma_wait3A_125 = arith.constant 0 : i32
        %dma_wait3A_126 = arith.constant 0 : i32
        %dma_wait3A_127 = tpu.memref_slice %arg3[%dma_wait3A_125, %dma_wait3A_126] : memref<196608x16xf32, #tpu.memory_space<hbm>> -> memref<196608x16xf32, #tpu.memory_space<hbm>>
        tpu.wait_indirect_dma semaphore(%arg12 : memref<!tpu.dma_semaphore, #tpu.memory_space<semaphore_mem>>) src(%dma_wait3A_127 : memref<196608x16xf32, #tpu.memory_space<hbm>>) dst(%dma_wait3A_122 : memref<128x16xf32, #tpu.memory_space<vmem>>)
        %dma_wait3A_128 = arith.constant 640 : i32
        %dma_wait3A_129 = arith.constant 0 : i32
        %dma_wait3A_130 = tpu.memref_slice %arg11[%dma_wait3A_128, %dma_wait3A_129] : memref<1024x16xf32, #tpu.memory_space<vmem>> -> memref<128x16xf32, #tpu.memory_space<vmem>>
        %dma_wait3A_131 = arith.constant 640 : i32
        %dma_wait3A_132 = tpu.memref_slice %arg10[%dma_wait3A_131] : memref<1024xi32, #tpu.memory_space<vmem>> -> memref<128xi32, #tpu.memory_space<vmem>>
        %dma_wait3A_133 = arith.constant 0 : i32
        %dma_wait3A_134 = arith.constant 0 : i32
        %dma_wait3A_135 = tpu.memref_slice %arg3[%dma_wait3A_133, %dma_wait3A_134] : memref<196608x16xf32, #tpu.memory_space<hbm>> -> memref<196608x16xf32, #tpu.memory_space<hbm>>
        tpu.wait_indirect_dma semaphore(%arg12 : memref<!tpu.dma_semaphore, #tpu.memory_space<semaphore_mem>>) src(%dma_wait3A_135 : memref<196608x16xf32, #tpu.memory_space<hbm>>) dst(%dma_wait3A_130 : memref<128x16xf32, #tpu.memory_space<vmem>>)
        %dma_wait3A_136 = arith.constant 768 : i32
        %dma_wait3A_137 = arith.constant 0 : i32
        %dma_wait3A_138 = tpu.memref_slice %arg11[%dma_wait3A_136, %dma_wait3A_137] : memref<1024x16xf32, #tpu.memory_space<vmem>> -> memref<128x16xf32, #tpu.memory_space<vmem>>
        %dma_wait3A_139 = arith.constant 768 : i32
        %dma_wait3A_140 = tpu.memref_slice %arg10[%dma_wait3A_139] : memref<1024xi32, #tpu.memory_space<vmem>> -> memref<128xi32, #tpu.memory_space<vmem>>
        %dma_wait3A_141 = arith.constant 0 : i32
        %dma_wait3A_142 = arith.constant 0 : i32
        %dma_wait3A_143 = tpu.memref_slice %arg3[%dma_wait3A_141, %dma_wait3A_142] : memref<196608x16xf32, #tpu.memory_space<hbm>> -> memref<196608x16xf32, #tpu.memory_space<hbm>>
        tpu.wait_indirect_dma semaphore(%arg12 : memref<!tpu.dma_semaphore, #tpu.memory_space<semaphore_mem>>) src(%dma_wait3A_143 : memref<196608x16xf32, #tpu.memory_space<hbm>>) dst(%dma_wait3A_138 : memref<128x16xf32, #tpu.memory_space<vmem>>)
        %dma_wait3A_144 = arith.constant 896 : i32
        %dma_wait3A_145 = arith.constant 0 : i32
        %dma_wait3A_146 = tpu.memref_slice %arg11[%dma_wait3A_144, %dma_wait3A_145] : memref<1024x16xf32, #tpu.memory_space<vmem>> -> memref<128x16xf32, #tpu.memory_space<vmem>>
        %dma_wait3A_147 = arith.constant 896 : i32
        %dma_wait3A_148 = tpu.memref_slice %arg10[%dma_wait3A_147] : memref<1024xi32, #tpu.memory_space<vmem>> -> memref<128xi32, #tpu.memory_space<vmem>>
        %dma_wait3A_149 = arith.constant 0 : i32
        %dma_wait3A_150 = arith.constant 0 : i32
        %dma_wait3A_151 = tpu.memref_slice %arg3[%dma_wait3A_149, %dma_wait3A_150] : memref<196608x16xf32, #tpu.memory_space<hbm>> -> memref<196608x16xf32, #tpu.memory_space<hbm>>
        tpu.wait_indirect_dma semaphore(%arg12 : memref<!tpu.dma_semaphore, #tpu.memory_space<semaphore_mem>>) src(%dma_wait3A_151 : memref<196608x16xf32, #tpu.memory_space<hbm>>) dst(%dma_wait3A_146 : memref<128x16xf32, #tpu.memory_space<vmem>>)
        "tpu.region"() ({
          %run_scoped3A = tpu.sem_alloc : memref<!tpu.dma_semaphore, #tpu.memory_space<semaphore_mem>>
          %dma_start3A_152 = arith.constant 0 : i32
          %dma_start3A_153 = tpu.memref_slice %arg9[%mul3A_25, %dma_start3A_152] : memref<132096x16xf32, #tpu.memory_space<hbm>> -> memref<1024x16xf32, #tpu.memory_space<hbm>>
          %dma_start3A_154 = arith.constant 0 : i32
          %dma_start3A_155 = tpu.memref_slice %arg9[%mul3A_25, %dma_start3A_154] : memref<132096x16xf32, #tpu.memory_space<hbm>> -> memref<1024x16xf32, #tpu.memory_space<hbm>>
          tpu.enqueue_dma source(%arg11 : memref<1024x16xf32, #tpu.memory_space<vmem>>) target(%dma_start3A_155 : memref<1024x16xf32, #tpu.memory_space<hbm>>) target_semaphore(%run_scoped3A : memref<!tpu.dma_semaphore, #tpu.memory_space<semaphore_mem>>)
          %dma_wait3A_156 = arith.constant 0 : i32
          %dma_wait3A_157 = tpu.memref_slice %arg9[%mul3A_25, %dma_wait3A_156] : memref<132096x16xf32, #tpu.memory_space<hbm>> -> memref<1024x16xf32, #tpu.memory_space<hbm>>
          %dma_wait3A_158 = arith.constant 0 : i32
          %dma_wait3A_159 = tpu.memref_slice %arg9[%mul3A_25, %dma_wait3A_158] : memref<132096x16xf32, #tpu.memory_space<hbm>> -> memref<1024x16xf32, #tpu.memory_space<hbm>>
          tpu.wait_dma2 semaphore(%run_scoped3A : memref<!tpu.dma_semaphore, #tpu.memory_space<semaphore_mem>>) src(%arg11 : memref<1024x16xf32, #tpu.memory_space<vmem>>) dst(%dma_wait3A_159 : memref<1024x16xf32, #tpu.memory_space<hbm>>)
          tpu.yield
        }) : () -> ()
      } else {
      }
    }
    %scan3A_17 = arith.constant 5 : i32
    return
  }
}

module attributes {stable_mosaic.version = 14 : i64} {
  func.func @_hist_body(%arg0: i32, %arg1: memref<1x512x512xi32, #tpu.memory_space<vmem>>, %arg2: memref<1x16x16x32xf32, #tpu.memory_space<vmem>>) attributes {dimension_semantics = [#tpu.dimension_semantics<arbitrary>], iteration_bounds = array<i64: 16>, scalar_prefetch = 0 : i64, scratch_operands = 0 : i64, tpu.core_type = #tpu.core_type<tc>, window_params = [{transform_indices = @transform_0, window_bounds = array<i64: 1, 512, 512>}, {transform_indices = @transform_1, window_bounds = array<i64: 1, 16, 16, 32>}]} {
    %get3A = arith.constant 0 : index
    %get3A_0 = arith.constant 0 : index
    %get3A_1 = arith.constant 0 : index
    %get3A_2 = vector.load %arg1[%get3A, %get3A_0, %get3A_1] : memref<1x512x512xi32, #tpu.memory_space<vmem>>, vector<1x512x512xi32>
    %get3A_3 = vector.shape_cast %get3A_2 : vector<1x512x512xi32> to vector<512x512xi32>
    %iota3A = tpu.iota {dimensions = array<i32: 0>} : vector<512x16xi32>
    %iota3A_4 = tpu.iota {dimensions = array<i32: 1>} : vector<512x16xi32>
    %jit3A = arith.constant 32 : i32
    %div3A = vector.broadcast %jit3A : i32 to vector<512x16xi32>
    %div3A_5 = arith.divsi %iota3A, %div3A : vector<512x16xi32>
    %sign3A = arith.constant 0 : i32
    %sign3A_6 = vector.broadcast %sign3A : i32 to vector<512x16xi32>
    %sign3A_7 = arith.cmpi sgt, %iota3A, %sign3A_6 : vector<512x16xi32>
    %sign3A_8 = arith.extui %sign3A_7 : vector<512x16xi1> to vector<512x16xi32>
    %sign3A_9 = arith.constant 0 : i32
    %sign3A_10 = vector.broadcast %sign3A_9 : i32 to vector<512x16xi32>
    %sign3A_11 = arith.cmpi slt, %iota3A, %sign3A_10 : vector<512x16xi32>
    %sign3A_12 = arith.extui %sign3A_11 : vector<512x16xi1> to vector<512x16xi32>
    %sign3A_13 = arith.subi %sign3A_8, %sign3A_12 : vector<512x16xi32>
    %sign3A_14 = arith.constant 0 : i32
    %sign3A_15 = arith.cmpi sgt, %jit3A, %sign3A_14 : i32
    %sign3A_16 = arith.extui %sign3A_15 : i1 to i32
    %sign3A_17 = arith.constant 0 : i32
    %sign3A_18 = arith.cmpi slt, %jit3A, %sign3A_17 : i32
    %sign3A_19 = arith.extui %sign3A_18 : i1 to i32
    %sign3A_20 = arith.subi %sign3A_16, %sign3A_19 : i32
    %ne3A = vector.broadcast %sign3A_20 : i32 to vector<512x16xi32>
    %ne3A_21 = arith.cmpi ne, %sign3A_13, %ne3A : vector<512x16xi32>
    %rem3A = vector.broadcast %jit3A : i32 to vector<512x16xi32>
    %rem3A_22 = arith.remsi %iota3A, %rem3A : vector<512x16xi32>
    %ne3A_23 = arith.constant 0 : i32
    %ne3A_24 = vector.broadcast %ne3A_23 : i32 to vector<512x16xi32>
    %ne3A_25 = arith.cmpi ne, %rem3A_22, %ne3A_24 : vector<512x16xi32>
    %and3A = arith.andi %ne3A_21, %ne3A_25 : vector<512x16xi1>
    %sub3A = arith.constant 1 : i32
    %sub3A_26 = vector.broadcast %sub3A : i32 to vector<512x16xi32>
    %sub3A_27 = arith.subi %div3A_5, %sub3A_26 : vector<512x16xi32>
    %select_n3A = arith.select %and3A, %sub3A_27, %div3A_5 : vector<512x16xi1>, vector<512x16xi32>
    %eq3A = arith.cmpi eq, %select_n3A, %iota3A_4 : vector<512x16xi32>
    %convert_element_type3A = arith.extui %eq3A : vector<512x16xi1> to vector<512x16xi32>
    %convert_element_type3A_28 = arith.sitofp %convert_element_type3A : vector<512x16xi32> to vector<512x16xf32>
    %eq3A_29 = arith.constant 0 : i32
    %eq3A_30 = vector.broadcast %eq3A_29 : i32 to vector<512x512xi32>
    %eq3A_31 = arith.cmpi eq, %get3A_3, %eq3A_30 : vector<512x512xi32>
    %convert_element_type3A_32 = arith.extui %eq3A_31 : vector<512x512xi1> to vector<512x512xi32>
    %convert_element_type3A_33 = arith.sitofp %convert_element_type3A_32 : vector<512x512xi32> to vector<512x512xf32>
    %reshape3A = vector.shape_cast %convert_element_type3A_33 : vector<512x512xf32> to vector<16x32x512xf32>
    %reduce_sum3A = arith.constant dense<0.000000e+00> : vector<16x512xf32>
    %reduce_sum3A_34 = vector.multi_reduction <add>, %reshape3A, %reduce_sum3A [1] : vector<16x32x512xf32> to vector<16x512xf32>
    %dot_general3A = arith.constant dense<0.000000e+00> : vector<16x16xf32>
    %dot_general3A_35 = tpu.matmul %reduce_sum3A_34, %convert_element_type3A_28, %dot_general3A {dimension_numbers = #tpu.dot_dimension_numbers<[1], [0], [0], [1], [0, 0, 1, 1], [], []>, precision = #tpu.contract_precision<fp32>, transpose_lhs_hint = false} : vector<16x512xf32>, vector<512x16xf32>, vector<16x16xf32> -> vector<16x16xf32>
    %broadcast_in_dim3A = vector.shape_cast %dot_general3A_35 : vector<16x16xf32> to vector<16x16x1xf32>
    %eq3A_36 = arith.constant 1 : i32
    %eq3A_37 = vector.broadcast %eq3A_36 : i32 to vector<512x512xi32>
    %eq3A_38 = arith.cmpi eq, %get3A_3, %eq3A_37 : vector<512x512xi32>
    %convert_element_type3A_39 = arith.extui %eq3A_38 : vector<512x512xi1> to vector<512x512xi32>
    %convert_element_type3A_40 = arith.sitofp %convert_element_type3A_39 : vector<512x512xi32> to vector<512x512xf32>
    %reshape3A_41 = vector.shape_cast %convert_element_type3A_40 : vector<512x512xf32> to vector<16x32x512xf32>
    %reduce_sum3A_42 = arith.constant dense<0.000000e+00> : vector<16x512xf32>
    %reduce_sum3A_43 = vector.multi_reduction <add>, %reshape3A_41, %reduce_sum3A_42 [1] : vector<16x32x512xf32> to vector<16x512xf32>
    %dot_general3A_44 = arith.constant dense<0.000000e+00> : vector<16x16xf32>
    %dot_general3A_45 = tpu.matmul %reduce_sum3A_43, %convert_element_type3A_28, %dot_general3A_44 {dimension_numbers = #tpu.dot_dimension_numbers<[1], [0], [0], [1], [0, 0, 1, 1], [], []>, precision = #tpu.contract_precision<fp32>, transpose_lhs_hint = false} : vector<16x512xf32>, vector<512x16xf32>, vector<16x16xf32> -> vector<16x16xf32>
    %broadcast_in_dim3A_46 = vector.shape_cast %dot_general3A_45 : vector<16x16xf32> to vector<16x16x1xf32>
    %eq3A_47 = arith.constant 2 : i32
    %eq3A_48 = vector.broadcast %eq3A_47 : i32 to vector<512x512xi32>
    %eq3A_49 = arith.cmpi eq, %get3A_3, %eq3A_48 : vector<512x512xi32>
    %convert_element_type3A_50 = arith.extui %eq3A_49 : vector<512x512xi1> to vector<512x512xi32>
    %convert_element_type3A_51 = arith.sitofp %convert_element_type3A_50 : vector<512x512xi32> to vector<512x512xf32>
    %reshape3A_52 = vector.shape_cast %convert_element_type3A_51 : vector<512x512xf32> to vector<16x32x512xf32>
    %reduce_sum3A_53 = arith.constant dense<0.000000e+00> : vector<16x512xf32>
    %reduce_sum3A_54 = vector.multi_reduction <add>, %reshape3A_52, %reduce_sum3A_53 [1] : vector<16x32x512xf32> to vector<16x512xf32>
    %dot_general3A_55 = arith.constant dense<0.000000e+00> : vector<16x16xf32>
    %dot_general3A_56 = tpu.matmul %reduce_sum3A_54, %convert_element_type3A_28, %dot_general3A_55 {dimension_numbers = #tpu.dot_dimension_numbers<[1], [0], [0], [1], [0, 0, 1, 1], [], []>, precision = #tpu.contract_precision<fp32>, transpose_lhs_hint = false} : vector<16x512xf32>, vector<512x16xf32>, vector<16x16xf32> -> vector<16x16xf32>
    %broadcast_in_dim3A_57 = vector.shape_cast %dot_general3A_56 : vector<16x16xf32> to vector<16x16x1xf32>
    %eq3A_58 = arith.constant 3 : i32
    %eq3A_59 = vector.broadcast %eq3A_58 : i32 to vector<512x512xi32>
    %eq3A_60 = arith.cmpi eq, %get3A_3, %eq3A_59 : vector<512x512xi32>
    %convert_element_type3A_61 = arith.extui %eq3A_60 : vector<512x512xi1> to vector<512x512xi32>
    %convert_element_type3A_62 = arith.sitofp %convert_element_type3A_61 : vector<512x512xi32> to vector<512x512xf32>
    %reshape3A_63 = vector.shape_cast %convert_element_type3A_62 : vector<512x512xf32> to vector<16x32x512xf32>
    %reduce_sum3A_64 = arith.constant dense<0.000000e+00> : vector<16x512xf32>
    %reduce_sum3A_65 = vector.multi_reduction <add>, %reshape3A_63, %reduce_sum3A_64 [1] : vector<16x32x512xf32> to vector<16x512xf32>
    %dot_general3A_66 = arith.constant dense<0.000000e+00> : vector<16x16xf32>
    %dot_general3A_67 = tpu.matmul %reduce_sum3A_65, %convert_element_type3A_28, %dot_general3A_66 {dimension_numbers = #tpu.dot_dimension_numbers<[1], [0], [0], [1], [0, 0, 1, 1], [], []>, precision = #tpu.contract_precision<fp32>, transpose_lhs_hint = false} : vector<16x512xf32>, vector<512x16xf32>, vector<16x16xf32> -> vector<16x16xf32>
    %broadcast_in_dim3A_68 = vector.shape_cast %dot_general3A_67 : vector<16x16xf32> to vector<16x16x1xf32>
    %eq3A_69 = arith.constant 4 : i32
    %eq3A_70 = vector.broadcast %eq3A_69 : i32 to vector<512x512xi32>
    %eq3A_71 = arith.cmpi eq, %get3A_3, %eq3A_70 : vector<512x512xi32>
    %convert_element_type3A_72 = arith.extui %eq3A_71 : vector<512x512xi1> to vector<512x512xi32>
    %convert_element_type3A_73 = arith.sitofp %convert_element_type3A_72 : vector<512x512xi32> to vector<512x512xf32>
    %reshape3A_74 = vector.shape_cast %convert_element_type3A_73 : vector<512x512xf32> to vector<16x32x512xf32>
    %reduce_sum3A_75 = arith.constant dense<0.000000e+00> : vector<16x512xf32>
    %reduce_sum3A_76 = vector.multi_reduction <add>, %reshape3A_74, %reduce_sum3A_75 [1] : vector<16x32x512xf32> to vector<16x512xf32>
    %dot_general3A_77 = arith.constant dense<0.000000e+00> : vector<16x16xf32>
    %dot_general3A_78 = tpu.matmul %reduce_sum3A_76, %convert_element_type3A_28, %dot_general3A_77 {dimension_numbers = #tpu.dot_dimension_numbers<[1], [0], [0], [1], [0, 0, 1, 1], [], []>, precision = #tpu.contract_precision<fp32>, transpose_lhs_hint = false} : vector<16x512xf32>, vector<512x16xf32>, vector<16x16xf32> -> vector<16x16xf32>
    %broadcast_in_dim3A_79 = vector.shape_cast %dot_general3A_78 : vector<16x16xf32> to vector<16x16x1xf32>
    %eq3A_80 = arith.constant 5 : i32
    %eq3A_81 = vector.broadcast %eq3A_80 : i32 to vector<512x512xi32>
    %eq3A_82 = arith.cmpi eq, %get3A_3, %eq3A_81 : vector<512x512xi32>
    %convert_element_type3A_83 = arith.extui %eq3A_82 : vector<512x512xi1> to vector<512x512xi32>
    %convert_element_type3A_84 = arith.sitofp %convert_element_type3A_83 : vector<512x512xi32> to vector<512x512xf32>
    %reshape3A_85 = vector.shape_cast %convert_element_type3A_84 : vector<512x512xf32> to vector<16x32x512xf32>
    %reduce_sum3A_86 = arith.constant dense<0.000000e+00> : vector<16x512xf32>
    %reduce_sum3A_87 = vector.multi_reduction <add>, %reshape3A_85, %reduce_sum3A_86 [1] : vector<16x32x512xf32> to vector<16x512xf32>
    %dot_general3A_88 = arith.constant dense<0.000000e+00> : vector<16x16xf32>
    %dot_general3A_89 = tpu.matmul %reduce_sum3A_87, %convert_element_type3A_28, %dot_general3A_88 {dimension_numbers = #tpu.dot_dimension_numbers<[1], [0], [0], [1], [0, 0, 1, 1], [], []>, precision = #tpu.contract_precision<fp32>, transpose_lhs_hint = false} : vector<16x512xf32>, vector<512x16xf32>, vector<16x16xf32> -> vector<16x16xf32>
    %broadcast_in_dim3A_90 = vector.shape_cast %dot_general3A_89 : vector<16x16xf32> to vector<16x16x1xf32>
    %eq3A_91 = arith.constant 6 : i32
    %eq3A_92 = vector.broadcast %eq3A_91 : i32 to vector<512x512xi32>
    %eq3A_93 = arith.cmpi eq, %get3A_3, %eq3A_92 : vector<512x512xi32>
    %convert_element_type3A_94 = arith.extui %eq3A_93 : vector<512x512xi1> to vector<512x512xi32>
    %convert_element_type3A_95 = arith.sitofp %convert_element_type3A_94 : vector<512x512xi32> to vector<512x512xf32>
    %reshape3A_96 = vector.shape_cast %convert_element_type3A_95 : vector<512x512xf32> to vector<16x32x512xf32>
    %reduce_sum3A_97 = arith.constant dense<0.000000e+00> : vector<16x512xf32>
    %reduce_sum3A_98 = vector.multi_reduction <add>, %reshape3A_96, %reduce_sum3A_97 [1] : vector<16x32x512xf32> to vector<16x512xf32>
    %dot_general3A_99 = arith.constant dense<0.000000e+00> : vector<16x16xf32>
    %dot_general3A_100 = tpu.matmul %reduce_sum3A_98, %convert_element_type3A_28, %dot_general3A_99 {dimension_numbers = #tpu.dot_dimension_numbers<[1], [0], [0], [1], [0, 0, 1, 1], [], []>, precision = #tpu.contract_precision<fp32>, transpose_lhs_hint = false} : vector<16x512xf32>, vector<512x16xf32>, vector<16x16xf32> -> vector<16x16xf32>
    %broadcast_in_dim3A_101 = vector.shape_cast %dot_general3A_100 : vector<16x16xf32> to vector<16x16x1xf32>
    %eq3A_102 = arith.constant 7 : i32
    %eq3A_103 = vector.broadcast %eq3A_102 : i32 to vector<512x512xi32>
    %eq3A_104 = arith.cmpi eq, %get3A_3, %eq3A_103 : vector<512x512xi32>
    %convert_element_type3A_105 = arith.extui %eq3A_104 : vector<512x512xi1> to vector<512x512xi32>
    %convert_element_type3A_106 = arith.sitofp %convert_element_type3A_105 : vector<512x512xi32> to vector<512x512xf32>
    %reshape3A_107 = vector.shape_cast %convert_element_type3A_106 : vector<512x512xf32> to vector<16x32x512xf32>
    %reduce_sum3A_108 = arith.constant dense<0.000000e+00> : vector<16x512xf32>
    %reduce_sum3A_109 = vector.multi_reduction <add>, %reshape3A_107, %reduce_sum3A_108 [1] : vector<16x32x512xf32> to vector<16x512xf32>
    %dot_general3A_110 = arith.constant dense<0.000000e+00> : vector<16x16xf32>
    %dot_general3A_111 = tpu.matmul %reduce_sum3A_109, %convert_element_type3A_28, %dot_general3A_110 {dimension_numbers = #tpu.dot_dimension_numbers<[1], [0], [0], [1], [0, 0, 1, 1], [], []>, precision = #tpu.contract_precision<fp32>, transpose_lhs_hint = false} : vector<16x512xf32>, vector<512x16xf32>, vector<16x16xf32> -> vector<16x16xf32>
    %broadcast_in_dim3A_112 = vector.shape_cast %dot_general3A_111 : vector<16x16xf32> to vector<16x16x1xf32>
    %eq3A_113 = arith.constant 8 : i32
    %eq3A_114 = vector.broadcast %eq3A_113 : i32 to vector<512x512xi32>
    %eq3A_115 = arith.cmpi eq, %get3A_3, %eq3A_114 : vector<512x512xi32>
    %convert_element_type3A_116 = arith.extui %eq3A_115 : vector<512x512xi1> to vector<512x512xi32>
    %convert_element_type3A_117 = arith.sitofp %convert_element_type3A_116 : vector<512x512xi32> to vector<512x512xf32>
    %reshape3A_118 = vector.shape_cast %convert_element_type3A_117 : vector<512x512xf32> to vector<16x32x512xf32>
    %reduce_sum3A_119 = arith.constant dense<0.000000e+00> : vector<16x512xf32>
    %reduce_sum3A_120 = vector.multi_reduction <add>, %reshape3A_118, %reduce_sum3A_119 [1] : vector<16x32x512xf32> to vector<16x512xf32>
    %dot_general3A_121 = arith.constant dense<0.000000e+00> : vector<16x16xf32>
    %dot_general3A_122 = tpu.matmul %reduce_sum3A_120, %convert_element_type3A_28, %dot_general3A_121 {dimension_numbers = #tpu.dot_dimension_numbers<[1], [0], [0], [1], [0, 0, 1, 1], [], []>, precision = #tpu.contract_precision<fp32>, transpose_lhs_hint = false} : vector<16x512xf32>, vector<512x16xf32>, vector<16x16xf32> -> vector<16x16xf32>
    %broadcast_in_dim3A_123 = vector.shape_cast %dot_general3A_122 : vector<16x16xf32> to vector<16x16x1xf32>
    %eq3A_124 = arith.constant 9 : i32
    %eq3A_125 = vector.broadcast %eq3A_124 : i32 to vector<512x512xi32>
    %eq3A_126 = arith.cmpi eq, %get3A_3, %eq3A_125 : vector<512x512xi32>
    %convert_element_type3A_127 = arith.extui %eq3A_126 : vector<512x512xi1> to vector<512x512xi32>
    %convert_element_type3A_128 = arith.sitofp %convert_element_type3A_127 : vector<512x512xi32> to vector<512x512xf32>
    %reshape3A_129 = vector.shape_cast %convert_element_type3A_128 : vector<512x512xf32> to vector<16x32x512xf32>
    %reduce_sum3A_130 = arith.constant dense<0.000000e+00> : vector<16x512xf32>
    %reduce_sum3A_131 = vector.multi_reduction <add>, %reshape3A_129, %reduce_sum3A_130 [1] : vector<16x32x512xf32> to vector<16x512xf32>
    %dot_general3A_132 = arith.constant dense<0.000000e+00> : vector<16x16xf32>
    %dot_general3A_133 = tpu.matmul %reduce_sum3A_131, %convert_element_type3A_28, %dot_general3A_132 {dimension_numbers = #tpu.dot_dimension_numbers<[1], [0], [0], [1], [0, 0, 1, 1], [], []>, precision = #tpu.contract_precision<fp32>, transpose_lhs_hint = false} : vector<16x512xf32>, vector<512x16xf32>, vector<16x16xf32> -> vector<16x16xf32>
    %broadcast_in_dim3A_134 = vector.shape_cast %dot_general3A_133 : vector<16x16xf32> to vector<16x16x1xf32>
    %eq3A_135 = arith.constant 10 : i32
    %eq3A_136 = vector.broadcast %eq3A_135 : i32 to vector<512x512xi32>
    %eq3A_137 = arith.cmpi eq, %get3A_3, %eq3A_136 : vector<512x512xi32>
    %convert_element_type3A_138 = arith.extui %eq3A_137 : vector<512x512xi1> to vector<512x512xi32>
    %convert_element_type3A_139 = arith.sitofp %convert_element_type3A_138 : vector<512x512xi32> to vector<512x512xf32>
    %reshape3A_140 = vector.shape_cast %convert_element_type3A_139 : vector<512x512xf32> to vector<16x32x512xf32>
    %reduce_sum3A_141 = arith.constant dense<0.000000e+00> : vector<16x512xf32>
    %reduce_sum3A_142 = vector.multi_reduction <add>, %reshape3A_140, %reduce_sum3A_141 [1] : vector<16x32x512xf32> to vector<16x512xf32>
    %dot_general3A_143 = arith.constant dense<0.000000e+00> : vector<16x16xf32>
    %dot_general3A_144 = tpu.matmul %reduce_sum3A_142, %convert_element_type3A_28, %dot_general3A_143 {dimension_numbers = #tpu.dot_dimension_numbers<[1], [0], [0], [1], [0, 0, 1, 1], [], []>, precision = #tpu.contract_precision<fp32>, transpose_lhs_hint = false} : vector<16x512xf32>, vector<512x16xf32>, vector<16x16xf32> -> vector<16x16xf32>
    %broadcast_in_dim3A_145 = vector.shape_cast %dot_general3A_144 : vector<16x16xf32> to vector<16x16x1xf32>
    %eq3A_146 = arith.constant 11 : i32
    %eq3A_147 = vector.broadcast %eq3A_146 : i32 to vector<512x512xi32>
    %eq3A_148 = arith.cmpi eq, %get3A_3, %eq3A_147 : vector<512x512xi32>
    %convert_element_type3A_149 = arith.extui %eq3A_148 : vector<512x512xi1> to vector<512x512xi32>
    %convert_element_type3A_150 = arith.sitofp %convert_element_type3A_149 : vector<512x512xi32> to vector<512x512xf32>
    %reshape3A_151 = vector.shape_cast %convert_element_type3A_150 : vector<512x512xf32> to vector<16x32x512xf32>
    %reduce_sum3A_152 = arith.constant dense<0.000000e+00> : vector<16x512xf32>
    %reduce_sum3A_153 = vector.multi_reduction <add>, %reshape3A_151, %reduce_sum3A_152 [1] : vector<16x32x512xf32> to vector<16x512xf32>
    %dot_general3A_154 = arith.constant dense<0.000000e+00> : vector<16x16xf32>
    %dot_general3A_155 = tpu.matmul %reduce_sum3A_153, %convert_element_type3A_28, %dot_general3A_154 {dimension_numbers = #tpu.dot_dimension_numbers<[1], [0], [0], [1], [0, 0, 1, 1], [], []>, precision = #tpu.contract_precision<fp32>, transpose_lhs_hint = false} : vector<16x512xf32>, vector<512x16xf32>, vector<16x16xf32> -> vector<16x16xf32>
    %broadcast_in_dim3A_156 = vector.shape_cast %dot_general3A_155 : vector<16x16xf32> to vector<16x16x1xf32>
    %eq3A_157 = arith.constant 12 : i32
    %eq3A_158 = vector.broadcast %eq3A_157 : i32 to vector<512x512xi32>
    %eq3A_159 = arith.cmpi eq, %get3A_3, %eq3A_158 : vector<512x512xi32>
    %convert_element_type3A_160 = arith.extui %eq3A_159 : vector<512x512xi1> to vector<512x512xi32>
    %convert_element_type3A_161 = arith.sitofp %convert_element_type3A_160 : vector<512x512xi32> to vector<512x512xf32>
    %reshape3A_162 = vector.shape_cast %convert_element_type3A_161 : vector<512x512xf32> to vector<16x32x512xf32>
    %reduce_sum3A_163 = arith.constant dense<0.000000e+00> : vector<16x512xf32>
    %reduce_sum3A_164 = vector.multi_reduction <add>, %reshape3A_162, %reduce_sum3A_163 [1] : vector<16x32x512xf32> to vector<16x512xf32>
    %dot_general3A_165 = arith.constant dense<0.000000e+00> : vector<16x16xf32>
    %dot_general3A_166 = tpu.matmul %reduce_sum3A_164, %convert_element_type3A_28, %dot_general3A_165 {dimension_numbers = #tpu.dot_dimension_numbers<[1], [0], [0], [1], [0, 0, 1, 1], [], []>, precision = #tpu.contract_precision<fp32>, transpose_lhs_hint = false} : vector<16x512xf32>, vector<512x16xf32>, vector<16x16xf32> -> vector<16x16xf32>
    %broadcast_in_dim3A_167 = vector.shape_cast %dot_general3A_166 : vector<16x16xf32> to vector<16x16x1xf32>
    %eq3A_168 = arith.constant 13 : i32
    %eq3A_169 = vector.broadcast %eq3A_168 : i32 to vector<512x512xi32>
    %eq3A_170 = arith.cmpi eq, %get3A_3, %eq3A_169 : vector<512x512xi32>
    %convert_element_type3A_171 = arith.extui %eq3A_170 : vector<512x512xi1> to vector<512x512xi32>
    %convert_element_type3A_172 = arith.sitofp %convert_element_type3A_171 : vector<512x512xi32> to vector<512x512xf32>
    %reshape3A_173 = vector.shape_cast %convert_element_type3A_172 : vector<512x512xf32> to vector<16x32x512xf32>
    %reduce_sum3A_174 = arith.constant dense<0.000000e+00> : vector<16x512xf32>
    %reduce_sum3A_175 = vector.multi_reduction <add>, %reshape3A_173, %reduce_sum3A_174 [1] : vector<16x32x512xf32> to vector<16x512xf32>
    %dot_general3A_176 = arith.constant dense<0.000000e+00> : vector<16x16xf32>
    %dot_general3A_177 = tpu.matmul %reduce_sum3A_175, %convert_element_type3A_28, %dot_general3A_176 {dimension_numbers = #tpu.dot_dimension_numbers<[1], [0], [0], [1], [0, 0, 1, 1], [], []>, precision = #tpu.contract_precision<fp32>, transpose_lhs_hint = false} : vector<16x512xf32>, vector<512x16xf32>, vector<16x16xf32> -> vector<16x16xf32>
    %broadcast_in_dim3A_178 = vector.shape_cast %dot_general3A_177 : vector<16x16xf32> to vector<16x16x1xf32>
    %eq3A_179 = arith.constant 14 : i32
    %eq3A_180 = vector.broadcast %eq3A_179 : i32 to vector<512x512xi32>
    %eq3A_181 = arith.cmpi eq, %get3A_3, %eq3A_180 : vector<512x512xi32>
    %convert_element_type3A_182 = arith.extui %eq3A_181 : vector<512x512xi1> to vector<512x512xi32>
    %convert_element_type3A_183 = arith.sitofp %convert_element_type3A_182 : vector<512x512xi32> to vector<512x512xf32>
    %reshape3A_184 = vector.shape_cast %convert_element_type3A_183 : vector<512x512xf32> to vector<16x32x512xf32>
    %reduce_sum3A_185 = arith.constant dense<0.000000e+00> : vector<16x512xf32>
    %reduce_sum3A_186 = vector.multi_reduction <add>, %reshape3A_184, %reduce_sum3A_185 [1] : vector<16x32x512xf32> to vector<16x512xf32>
    %dot_general3A_187 = arith.constant dense<0.000000e+00> : vector<16x16xf32>
    %dot_general3A_188 = tpu.matmul %reduce_sum3A_186, %convert_element_type3A_28, %dot_general3A_187 {dimension_numbers = #tpu.dot_dimension_numbers<[1], [0], [0], [1], [0, 0, 1, 1], [], []>, precision = #tpu.contract_precision<fp32>, transpose_lhs_hint = false} : vector<16x512xf32>, vector<512x16xf32>, vector<16x16xf32> -> vector<16x16xf32>
    %broadcast_in_dim3A_189 = vector.shape_cast %dot_general3A_188 : vector<16x16xf32> to vector<16x16x1xf32>
    %eq3A_190 = arith.constant 15 : i32
    %eq3A_191 = vector.broadcast %eq3A_190 : i32 to vector<512x512xi32>
    %eq3A_192 = arith.cmpi eq, %get3A_3, %eq3A_191 : vector<512x512xi32>
    %convert_element_type3A_193 = arith.extui %eq3A_192 : vector<512x512xi1> to vector<512x512xi32>
    %convert_element_type3A_194 = arith.sitofp %convert_element_type3A_193 : vector<512x512xi32> to vector<512x512xf32>
    %reshape3A_195 = vector.shape_cast %convert_element_type3A_194 : vector<512x512xf32> to vector<16x32x512xf32>
    %reduce_sum3A_196 = arith.constant dense<0.000000e+00> : vector<16x512xf32>
    %reduce_sum3A_197 = vector.multi_reduction <add>, %reshape3A_195, %reduce_sum3A_196 [1] : vector<16x32x512xf32> to vector<16x512xf32>
    %dot_general3A_198 = arith.constant dense<0.000000e+00> : vector<16x16xf32>
    %dot_general3A_199 = tpu.matmul %reduce_sum3A_197, %convert_element_type3A_28, %dot_general3A_198 {dimension_numbers = #tpu.dot_dimension_numbers<[1], [0], [0], [1], [0, 0, 1, 1], [], []>, precision = #tpu.contract_precision<fp32>, transpose_lhs_hint = false} : vector<16x512xf32>, vector<512x16xf32>, vector<16x16xf32> -> vector<16x16xf32>
    %broadcast_in_dim3A_200 = vector.shape_cast %dot_general3A_199 : vector<16x16xf32> to vector<16x16x1xf32>
    %eq3A_201 = arith.constant 16 : i32
    %eq3A_202 = vector.broadcast %eq3A_201 : i32 to vector<512x512xi32>
    %eq3A_203 = arith.cmpi eq, %get3A_3, %eq3A_202 : vector<512x512xi32>
    %convert_element_type3A_204 = arith.extui %eq3A_203 : vector<512x512xi1> to vector<512x512xi32>
    %convert_element_type3A_205 = arith.sitofp %convert_element_type3A_204 : vector<512x512xi32> to vector<512x512xf32>
    %reshape3A_206 = vector.shape_cast %convert_element_type3A_205 : vector<512x512xf32> to vector<16x32x512xf32>
    %reduce_sum3A_207 = arith.constant dense<0.000000e+00> : vector<16x512xf32>
    %reduce_sum3A_208 = vector.multi_reduction <add>, %reshape3A_206, %reduce_sum3A_207 [1] : vector<16x32x512xf32> to vector<16x512xf32>
    %dot_general3A_209 = arith.constant dense<0.000000e+00> : vector<16x16xf32>
    %dot_general3A_210 = tpu.matmul %reduce_sum3A_208, %convert_element_type3A_28, %dot_general3A_209 {dimension_numbers = #tpu.dot_dimension_numbers<[1], [0], [0], [1], [0, 0, 1, 1], [], []>, precision = #tpu.contract_precision<fp32>, transpose_lhs_hint = false} : vector<16x512xf32>, vector<512x16xf32>, vector<16x16xf32> -> vector<16x16xf32>
    %broadcast_in_dim3A_211 = vector.shape_cast %dot_general3A_210 : vector<16x16xf32> to vector<16x16x1xf32>
    %eq3A_212 = arith.constant 17 : i32
    %eq3A_213 = vector.broadcast %eq3A_212 : i32 to vector<512x512xi32>
    %eq3A_214 = arith.cmpi eq, %get3A_3, %eq3A_213 : vector<512x512xi32>
    %convert_element_type3A_215 = arith.extui %eq3A_214 : vector<512x512xi1> to vector<512x512xi32>
    %convert_element_type3A_216 = arith.sitofp %convert_element_type3A_215 : vector<512x512xi32> to vector<512x512xf32>
    %reshape3A_217 = vector.shape_cast %convert_element_type3A_216 : vector<512x512xf32> to vector<16x32x512xf32>
    %reduce_sum3A_218 = arith.constant dense<0.000000e+00> : vector<16x512xf32>
    %reduce_sum3A_219 = vector.multi_reduction <add>, %reshape3A_217, %reduce_sum3A_218 [1] : vector<16x32x512xf32> to vector<16x512xf32>
    %dot_general3A_220 = arith.constant dense<0.000000e+00> : vector<16x16xf32>
    %dot_general3A_221 = tpu.matmul %reduce_sum3A_219, %convert_element_type3A_28, %dot_general3A_220 {dimension_numbers = #tpu.dot_dimension_numbers<[1], [0], [0], [1], [0, 0, 1, 1], [], []>, precision = #tpu.contract_precision<fp32>, transpose_lhs_hint = false} : vector<16x512xf32>, vector<512x16xf32>, vector<16x16xf32> -> vector<16x16xf32>
    %broadcast_in_dim3A_222 = vector.shape_cast %dot_general3A_221 : vector<16x16xf32> to vector<16x16x1xf32>
    %eq3A_223 = arith.constant 18 : i32
    %eq3A_224 = vector.broadcast %eq3A_223 : i32 to vector<512x512xi32>
    %eq3A_225 = arith.cmpi eq, %get3A_3, %eq3A_224 : vector<512x512xi32>
    %convert_element_type3A_226 = arith.extui %eq3A_225 : vector<512x512xi1> to vector<512x512xi32>
    %convert_element_type3A_227 = arith.sitofp %convert_element_type3A_226 : vector<512x512xi32> to vector<512x512xf32>
    %reshape3A_228 = vector.shape_cast %convert_element_type3A_227 : vector<512x512xf32> to vector<16x32x512xf32>
    %reduce_sum3A_229 = arith.constant dense<0.000000e+00> : vector<16x512xf32>
    %reduce_sum3A_230 = vector.multi_reduction <add>, %reshape3A_228, %reduce_sum3A_229 [1] : vector<16x32x512xf32> to vector<16x512xf32>
    %dot_general3A_231 = arith.constant dense<0.000000e+00> : vector<16x16xf32>
    %dot_general3A_232 = tpu.matmul %reduce_sum3A_230, %convert_element_type3A_28, %dot_general3A_231 {dimension_numbers = #tpu.dot_dimension_numbers<[1], [0], [0], [1], [0, 0, 1, 1], [], []>, precision = #tpu.contract_precision<fp32>, transpose_lhs_hint = false} : vector<16x512xf32>, vector<512x16xf32>, vector<16x16xf32> -> vector<16x16xf32>
    %broadcast_in_dim3A_233 = vector.shape_cast %dot_general3A_232 : vector<16x16xf32> to vector<16x16x1xf32>
    %eq3A_234 = arith.constant 19 : i32
    %eq3A_235 = vector.broadcast %eq3A_234 : i32 to vector<512x512xi32>
    %eq3A_236 = arith.cmpi eq, %get3A_3, %eq3A_235 : vector<512x512xi32>
    %convert_element_type3A_237 = arith.extui %eq3A_236 : vector<512x512xi1> to vector<512x512xi32>
    %convert_element_type3A_238 = arith.sitofp %convert_element_type3A_237 : vector<512x512xi32> to vector<512x512xf32>
    %reshape3A_239 = vector.shape_cast %convert_element_type3A_238 : vector<512x512xf32> to vector<16x32x512xf32>
    %reduce_sum3A_240 = arith.constant dense<0.000000e+00> : vector<16x512xf32>
    %reduce_sum3A_241 = vector.multi_reduction <add>, %reshape3A_239, %reduce_sum3A_240 [1] : vector<16x32x512xf32> to vector<16x512xf32>
    %dot_general3A_242 = arith.constant dense<0.000000e+00> : vector<16x16xf32>
    %dot_general3A_243 = tpu.matmul %reduce_sum3A_241, %convert_element_type3A_28, %dot_general3A_242 {dimension_numbers = #tpu.dot_dimension_numbers<[1], [0], [0], [1], [0, 0, 1, 1], [], []>, precision = #tpu.contract_precision<fp32>, transpose_lhs_hint = false} : vector<16x512xf32>, vector<512x16xf32>, vector<16x16xf32> -> vector<16x16xf32>
    %broadcast_in_dim3A_244 = vector.shape_cast %dot_general3A_243 : vector<16x16xf32> to vector<16x16x1xf32>
    %eq3A_245 = arith.constant 20 : i32
    %eq3A_246 = vector.broadcast %eq3A_245 : i32 to vector<512x512xi32>
    %eq3A_247 = arith.cmpi eq, %get3A_3, %eq3A_246 : vector<512x512xi32>
    %convert_element_type3A_248 = arith.extui %eq3A_247 : vector<512x512xi1> to vector<512x512xi32>
    %convert_element_type3A_249 = arith.sitofp %convert_element_type3A_248 : vector<512x512xi32> to vector<512x512xf32>
    %reshape3A_250 = vector.shape_cast %convert_element_type3A_249 : vector<512x512xf32> to vector<16x32x512xf32>
    %reduce_sum3A_251 = arith.constant dense<0.000000e+00> : vector<16x512xf32>
    %reduce_sum3A_252 = vector.multi_reduction <add>, %reshape3A_250, %reduce_sum3A_251 [1] : vector<16x32x512xf32> to vector<16x512xf32>
    %dot_general3A_253 = arith.constant dense<0.000000e+00> : vector<16x16xf32>
    %dot_general3A_254 = tpu.matmul %reduce_sum3A_252, %convert_element_type3A_28, %dot_general3A_253 {dimension_numbers = #tpu.dot_dimension_numbers<[1], [0], [0], [1], [0, 0, 1, 1], [], []>, precision = #tpu.contract_precision<fp32>, transpose_lhs_hint = false} : vector<16x512xf32>, vector<512x16xf32>, vector<16x16xf32> -> vector<16x16xf32>
    %broadcast_in_dim3A_255 = vector.shape_cast %dot_general3A_254 : vector<16x16xf32> to vector<16x16x1xf32>
    %eq3A_256 = arith.constant 21 : i32
    %eq3A_257 = vector.broadcast %eq3A_256 : i32 to vector<512x512xi32>
    %eq3A_258 = arith.cmpi eq, %get3A_3, %eq3A_257 : vector<512x512xi32>
    %convert_element_type3A_259 = arith.extui %eq3A_258 : vector<512x512xi1> to vector<512x512xi32>
    %convert_element_type3A_260 = arith.sitofp %convert_element_type3A_259 : vector<512x512xi32> to vector<512x512xf32>
    %reshape3A_261 = vector.shape_cast %convert_element_type3A_260 : vector<512x512xf32> to vector<16x32x512xf32>
    %reduce_sum3A_262 = arith.constant dense<0.000000e+00> : vector<16x512xf32>
    %reduce_sum3A_263 = vector.multi_reduction <add>, %reshape3A_261, %reduce_sum3A_262 [1] : vector<16x32x512xf32> to vector<16x512xf32>
    %dot_general3A_264 = arith.constant dense<0.000000e+00> : vector<16x16xf32>
    %dot_general3A_265 = tpu.matmul %reduce_sum3A_263, %convert_element_type3A_28, %dot_general3A_264 {dimension_numbers = #tpu.dot_dimension_numbers<[1], [0], [0], [1], [0, 0, 1, 1], [], []>, precision = #tpu.contract_precision<fp32>, transpose_lhs_hint = false} : vector<16x512xf32>, vector<512x16xf32>, vector<16x16xf32> -> vector<16x16xf32>
    %broadcast_in_dim3A_266 = vector.shape_cast %dot_general3A_265 : vector<16x16xf32> to vector<16x16x1xf32>
    %eq3A_267 = arith.constant 22 : i32
    %eq3A_268 = vector.broadcast %eq3A_267 : i32 to vector<512x512xi32>
    %eq3A_269 = arith.cmpi eq, %get3A_3, %eq3A_268 : vector<512x512xi32>
    %convert_element_type3A_270 = arith.extui %eq3A_269 : vector<512x512xi1> to vector<512x512xi32>
    %convert_element_type3A_271 = arith.sitofp %convert_element_type3A_270 : vector<512x512xi32> to vector<512x512xf32>
    %reshape3A_272 = vector.shape_cast %convert_element_type3A_271 : vector<512x512xf32> to vector<16x32x512xf32>
    %reduce_sum3A_273 = arith.constant dense<0.000000e+00> : vector<16x512xf32>
    %reduce_sum3A_274 = vector.multi_reduction <add>, %reshape3A_272, %reduce_sum3A_273 [1] : vector<16x32x512xf32> to vector<16x512xf32>
    %dot_general3A_275 = arith.constant dense<0.000000e+00> : vector<16x16xf32>
    %dot_general3A_276 = tpu.matmul %reduce_sum3A_274, %convert_element_type3A_28, %dot_general3A_275 {dimension_numbers = #tpu.dot_dimension_numbers<[1], [0], [0], [1], [0, 0, 1, 1], [], []>, precision = #tpu.contract_precision<fp32>, transpose_lhs_hint = false} : vector<16x512xf32>, vector<512x16xf32>, vector<16x16xf32> -> vector<16x16xf32>
    %broadcast_in_dim3A_277 = vector.shape_cast %dot_general3A_276 : vector<16x16xf32> to vector<16x16x1xf32>
    %eq3A_278 = arith.constant 23 : i32
    %eq3A_279 = vector.broadcast %eq3A_278 : i32 to vector<512x512xi32>
    %eq3A_280 = arith.cmpi eq, %get3A_3, %eq3A_279 : vector<512x512xi32>
    %convert_element_type3A_281 = arith.extui %eq3A_280 : vector<512x512xi1> to vector<512x512xi32>
    %convert_element_type3A_282 = arith.sitofp %convert_element_type3A_281 : vector<512x512xi32> to vector<512x512xf32>
    %reshape3A_283 = vector.shape_cast %convert_element_type3A_282 : vector<512x512xf32> to vector<16x32x512xf32>
    %reduce_sum3A_284 = arith.constant dense<0.000000e+00> : vector<16x512xf32>
    %reduce_sum3A_285 = vector.multi_reduction <add>, %reshape3A_283, %reduce_sum3A_284 [1] : vector<16x32x512xf32> to vector<16x512xf32>
    %dot_general3A_286 = arith.constant dense<0.000000e+00> : vector<16x16xf32>
    %dot_general3A_287 = tpu.matmul %reduce_sum3A_285, %convert_element_type3A_28, %dot_general3A_286 {dimension_numbers = #tpu.dot_dimension_numbers<[1], [0], [0], [1], [0, 0, 1, 1], [], []>, precision = #tpu.contract_precision<fp32>, transpose_lhs_hint = false} : vector<16x512xf32>, vector<512x16xf32>, vector<16x16xf32> -> vector<16x16xf32>
    %broadcast_in_dim3A_288 = vector.shape_cast %dot_general3A_287 : vector<16x16xf32> to vector<16x16x1xf32>
    %eq3A_289 = arith.constant 24 : i32
    %eq3A_290 = vector.broadcast %eq3A_289 : i32 to vector<512x512xi32>
    %eq3A_291 = arith.cmpi eq, %get3A_3, %eq3A_290 : vector<512x512xi32>
    %convert_element_type3A_292 = arith.extui %eq3A_291 : vector<512x512xi1> to vector<512x512xi32>
    %convert_element_type3A_293 = arith.sitofp %convert_element_type3A_292 : vector<512x512xi32> to vector<512x512xf32>
    %reshape3A_294 = vector.shape_cast %convert_element_type3A_293 : vector<512x512xf32> to vector<16x32x512xf32>
    %reduce_sum3A_295 = arith.constant dense<0.000000e+00> : vector<16x512xf32>
    %reduce_sum3A_296 = vector.multi_reduction <add>, %reshape3A_294, %reduce_sum3A_295 [1] : vector<16x32x512xf32> to vector<16x512xf32>
    %dot_general3A_297 = arith.constant dense<0.000000e+00> : vector<16x16xf32>
    %dot_general3A_298 = tpu.matmul %reduce_sum3A_296, %convert_element_type3A_28, %dot_general3A_297 {dimension_numbers = #tpu.dot_dimension_numbers<[1], [0], [0], [1], [0, 0, 1, 1], [], []>, precision = #tpu.contract_precision<fp32>, transpose_lhs_hint = false} : vector<16x512xf32>, vector<512x16xf32>, vector<16x16xf32> -> vector<16x16xf32>
    %broadcast_in_dim3A_299 = vector.shape_cast %dot_general3A_298 : vector<16x16xf32> to vector<16x16x1xf32>
    %eq3A_300 = arith.constant 25 : i32
    %eq3A_301 = vector.broadcast %eq3A_300 : i32 to vector<512x512xi32>
    %eq3A_302 = arith.cmpi eq, %get3A_3, %eq3A_301 : vector<512x512xi32>
    %convert_element_type3A_303 = arith.extui %eq3A_302 : vector<512x512xi1> to vector<512x512xi32>
    %convert_element_type3A_304 = arith.sitofp %convert_element_type3A_303 : vector<512x512xi32> to vector<512x512xf32>
    %reshape3A_305 = vector.shape_cast %convert_element_type3A_304 : vector<512x512xf32> to vector<16x32x512xf32>
    %reduce_sum3A_306 = arith.constant dense<0.000000e+00> : vector<16x512xf32>
    %reduce_sum3A_307 = vector.multi_reduction <add>, %reshape3A_305, %reduce_sum3A_306 [1] : vector<16x32x512xf32> to vector<16x512xf32>
    %dot_general3A_308 = arith.constant dense<0.000000e+00> : vector<16x16xf32>
    %dot_general3A_309 = tpu.matmul %reduce_sum3A_307, %convert_element_type3A_28, %dot_general3A_308 {dimension_numbers = #tpu.dot_dimension_numbers<[1], [0], [0], [1], [0, 0, 1, 1], [], []>, precision = #tpu.contract_precision<fp32>, transpose_lhs_hint = false} : vector<16x512xf32>, vector<512x16xf32>, vector<16x16xf32> -> vector<16x16xf32>
    %broadcast_in_dim3A_310 = vector.shape_cast %dot_general3A_309 : vector<16x16xf32> to vector<16x16x1xf32>
    %eq3A_311 = arith.constant 26 : i32
    %eq3A_312 = vector.broadcast %eq3A_311 : i32 to vector<512x512xi32>
    %eq3A_313 = arith.cmpi eq, %get3A_3, %eq3A_312 : vector<512x512xi32>
    %convert_element_type3A_314 = arith.extui %eq3A_313 : vector<512x512xi1> to vector<512x512xi32>
    %convert_element_type3A_315 = arith.sitofp %convert_element_type3A_314 : vector<512x512xi32> to vector<512x512xf32>
    %reshape3A_316 = vector.shape_cast %convert_element_type3A_315 : vector<512x512xf32> to vector<16x32x512xf32>
    %reduce_sum3A_317 = arith.constant dense<0.000000e+00> : vector<16x512xf32>
    %reduce_sum3A_318 = vector.multi_reduction <add>, %reshape3A_316, %reduce_sum3A_317 [1] : vector<16x32x512xf32> to vector<16x512xf32>
    %dot_general3A_319 = arith.constant dense<0.000000e+00> : vector<16x16xf32>
    %dot_general3A_320 = tpu.matmul %reduce_sum3A_318, %convert_element_type3A_28, %dot_general3A_319 {dimension_numbers = #tpu.dot_dimension_numbers<[1], [0], [0], [1], [0, 0, 1, 1], [], []>, precision = #tpu.contract_precision<fp32>, transpose_lhs_hint = false} : vector<16x512xf32>, vector<512x16xf32>, vector<16x16xf32> -> vector<16x16xf32>
    %broadcast_in_dim3A_321 = vector.shape_cast %dot_general3A_320 : vector<16x16xf32> to vector<16x16x1xf32>
    %eq3A_322 = arith.constant 27 : i32
    %eq3A_323 = vector.broadcast %eq3A_322 : i32 to vector<512x512xi32>
    %eq3A_324 = arith.cmpi eq, %get3A_3, %eq3A_323 : vector<512x512xi32>
    %convert_element_type3A_325 = arith.extui %eq3A_324 : vector<512x512xi1> to vector<512x512xi32>
    %convert_element_type3A_326 = arith.sitofp %convert_element_type3A_325 : vector<512x512xi32> to vector<512x512xf32>
    %reshape3A_327 = vector.shape_cast %convert_element_type3A_326 : vector<512x512xf32> to vector<16x32x512xf32>
    %reduce_sum3A_328 = arith.constant dense<0.000000e+00> : vector<16x512xf32>
    %reduce_sum3A_329 = vector.multi_reduction <add>, %reshape3A_327, %reduce_sum3A_328 [1] : vector<16x32x512xf32> to vector<16x512xf32>
    %dot_general3A_330 = arith.constant dense<0.000000e+00> : vector<16x16xf32>
    %dot_general3A_331 = tpu.matmul %reduce_sum3A_329, %convert_element_type3A_28, %dot_general3A_330 {dimension_numbers = #tpu.dot_dimension_numbers<[1], [0], [0], [1], [0, 0, 1, 1], [], []>, precision = #tpu.contract_precision<fp32>, transpose_lhs_hint = false} : vector<16x512xf32>, vector<512x16xf32>, vector<16x16xf32> -> vector<16x16xf32>
    %broadcast_in_dim3A_332 = vector.shape_cast %dot_general3A_331 : vector<16x16xf32> to vector<16x16x1xf32>
    %eq3A_333 = arith.constant 28 : i32
    %eq3A_334 = vector.broadcast %eq3A_333 : i32 to vector<512x512xi32>
    %eq3A_335 = arith.cmpi eq, %get3A_3, %eq3A_334 : vector<512x512xi32>
    %convert_element_type3A_336 = arith.extui %eq3A_335 : vector<512x512xi1> to vector<512x512xi32>
    %convert_element_type3A_337 = arith.sitofp %convert_element_type3A_336 : vector<512x512xi32> to vector<512x512xf32>
    %reshape3A_338 = vector.shape_cast %convert_element_type3A_337 : vector<512x512xf32> to vector<16x32x512xf32>
    %reduce_sum3A_339 = arith.constant dense<0.000000e+00> : vector<16x512xf32>
    %reduce_sum3A_340 = vector.multi_reduction <add>, %reshape3A_338, %reduce_sum3A_339 [1] : vector<16x32x512xf32> to vector<16x512xf32>
    %dot_general3A_341 = arith.constant dense<0.000000e+00> : vector<16x16xf32>
    %dot_general3A_342 = tpu.matmul %reduce_sum3A_340, %convert_element_type3A_28, %dot_general3A_341 {dimension_numbers = #tpu.dot_dimension_numbers<[1], [0], [0], [1], [0, 0, 1, 1], [], []>, precision = #tpu.contract_precision<fp32>, transpose_lhs_hint = false} : vector<16x512xf32>, vector<512x16xf32>, vector<16x16xf32> -> vector<16x16xf32>
    %broadcast_in_dim3A_343 = vector.shape_cast %dot_general3A_342 : vector<16x16xf32> to vector<16x16x1xf32>
    %eq3A_344 = arith.constant 29 : i32
    %eq3A_345 = vector.broadcast %eq3A_344 : i32 to vector<512x512xi32>
    %eq3A_346 = arith.cmpi eq, %get3A_3, %eq3A_345 : vector<512x512xi32>
    %convert_element_type3A_347 = arith.extui %eq3A_346 : vector<512x512xi1> to vector<512x512xi32>
    %convert_element_type3A_348 = arith.sitofp %convert_element_type3A_347 : vector<512x512xi32> to vector<512x512xf32>
    %reshape3A_349 = vector.shape_cast %convert_element_type3A_348 : vector<512x512xf32> to vector<16x32x512xf32>
    %reduce_sum3A_350 = arith.constant dense<0.000000e+00> : vector<16x512xf32>
    %reduce_sum3A_351 = vector.multi_reduction <add>, %reshape3A_349, %reduce_sum3A_350 [1] : vector<16x32x512xf32> to vector<16x512xf32>
    %dot_general3A_352 = arith.constant dense<0.000000e+00> : vector<16x16xf32>
    %dot_general3A_353 = tpu.matmul %reduce_sum3A_351, %convert_element_type3A_28, %dot_general3A_352 {dimension_numbers = #tpu.dot_dimension_numbers<[1], [0], [0], [1], [0, 0, 1, 1], [], []>, precision = #tpu.contract_precision<fp32>, transpose_lhs_hint = false} : vector<16x512xf32>, vector<512x16xf32>, vector<16x16xf32> -> vector<16x16xf32>
    %broadcast_in_dim3A_354 = vector.shape_cast %dot_general3A_353 : vector<16x16xf32> to vector<16x16x1xf32>
    %eq3A_355 = arith.constant 30 : i32
    %eq3A_356 = vector.broadcast %eq3A_355 : i32 to vector<512x512xi32>
    %eq3A_357 = arith.cmpi eq, %get3A_3, %eq3A_356 : vector<512x512xi32>
    %convert_element_type3A_358 = arith.extui %eq3A_357 : vector<512x512xi1> to vector<512x512xi32>
    %convert_element_type3A_359 = arith.sitofp %convert_element_type3A_358 : vector<512x512xi32> to vector<512x512xf32>
    %reshape3A_360 = vector.shape_cast %convert_element_type3A_359 : vector<512x512xf32> to vector<16x32x512xf32>
    %reduce_sum3A_361 = arith.constant dense<0.000000e+00> : vector<16x512xf32>
    %reduce_sum3A_362 = vector.multi_reduction <add>, %reshape3A_360, %reduce_sum3A_361 [1] : vector<16x32x512xf32> to vector<16x512xf32>
    %dot_general3A_363 = arith.constant dense<0.000000e+00> : vector<16x16xf32>
    %dot_general3A_364 = tpu.matmul %reduce_sum3A_362, %convert_element_type3A_28, %dot_general3A_363 {dimension_numbers = #tpu.dot_dimension_numbers<[1], [0], [0], [1], [0, 0, 1, 1], [], []>, precision = #tpu.contract_precision<fp32>, transpose_lhs_hint = false} : vector<16x512xf32>, vector<512x16xf32>, vector<16x16xf32> -> vector<16x16xf32>
    %broadcast_in_dim3A_365 = vector.shape_cast %dot_general3A_364 : vector<16x16xf32> to vector<16x16x1xf32>
    %eq3A_366 = arith.constant 31 : i32
    %eq3A_367 = vector.broadcast %eq3A_366 : i32 to vector<512x512xi32>
    %eq3A_368 = arith.cmpi eq, %get3A_3, %eq3A_367 : vector<512x512xi32>
    %convert_element_type3A_369 = arith.extui %eq3A_368 : vector<512x512xi1> to vector<512x512xi32>
    %convert_element_type3A_370 = arith.sitofp %convert_element_type3A_369 : vector<512x512xi32> to vector<512x512xf32>
    %reshape3A_371 = vector.shape_cast %convert_element_type3A_370 : vector<512x512xf32> to vector<16x32x512xf32>
    %reduce_sum3A_372 = arith.constant dense<0.000000e+00> : vector<16x512xf32>
    %reduce_sum3A_373 = vector.multi_reduction <add>, %reshape3A_371, %reduce_sum3A_372 [1] : vector<16x32x512xf32> to vector<16x512xf32>
    %dot_general3A_374 = arith.constant dense<0.000000e+00> : vector<16x16xf32>
    %dot_general3A_375 = tpu.matmul %reduce_sum3A_373, %convert_element_type3A_28, %dot_general3A_374 {dimension_numbers = #tpu.dot_dimension_numbers<[1], [0], [0], [1], [0, 0, 1, 1], [], []>, precision = #tpu.contract_precision<fp32>, transpose_lhs_hint = false} : vector<16x512xf32>, vector<512x16xf32>, vector<16x16xf32> -> vector<16x16xf32>
    %broadcast_in_dim3A_376 = vector.shape_cast %dot_general3A_375 : vector<16x16xf32> to vector<16x16x1xf32>
    %concatenate3A = tpu.concatenate %broadcast_in_dim3A, %broadcast_in_dim3A_46, %broadcast_in_dim3A_57, %broadcast_in_dim3A_68, %broadcast_in_dim3A_79, %broadcast_in_dim3A_90, %broadcast_in_dim3A_101, %broadcast_in_dim3A_112, %broadcast_in_dim3A_123, %broadcast_in_dim3A_134, %broadcast_in_dim3A_145, %broadcast_in_dim3A_156, %broadcast_in_dim3A_167, %broadcast_in_dim3A_178, %broadcast_in_dim3A_189, %broadcast_in_dim3A_200, %broadcast_in_dim3A_211, %broadcast_in_dim3A_222, %broadcast_in_dim3A_233, %broadcast_in_dim3A_244, %broadcast_in_dim3A_255, %broadcast_in_dim3A_266, %broadcast_in_dim3A_277, %broadcast_in_dim3A_288, %broadcast_in_dim3A_299, %broadcast_in_dim3A_310, %broadcast_in_dim3A_321, %broadcast_in_dim3A_332, %broadcast_in_dim3A_343, %broadcast_in_dim3A_354, %broadcast_in_dim3A_365, %broadcast_in_dim3A_376 in 2 : vector<16x16x1xf32>, vector<16x16x1xf32>, vector<16x16x1xf32>, vector<16x16x1xf32>, vector<16x16x1xf32>, vector<16x16x1xf32>, vector<16x16x1xf32>, vector<16x16x1xf32>, vector<16x16x1xf32>, vector<16x16x1xf32>, vector<16x16x1xf32>, vector<16x16x1xf32>, vector<16x16x1xf32>, vector<16x16x1xf32>, vector<16x16x1xf32>, vector<16x16x1xf32>, vector<16x16x1xf32>, vector<16x16x1xf32>, vector<16x16x1xf32>, vector<16x16x1xf32>, vector<16x16x1xf32>, vector<16x16x1xf32>, vector<16x16x1xf32>, vector<16x16x1xf32>, vector<16x16x1xf32>, vector<16x16x1xf32>, vector<16x16x1xf32>, vector<16x16x1xf32>, vector<16x16x1xf32>, vector<16x16x1xf32>, vector<16x16x1xf32>, vector<16x16x1xf32> -> vector<16x16x32xf32>
    %swap3A = arith.constant 0 : index
    %swap3A_377 = arith.constant 0 : index
    %swap3A_378 = arith.constant 0 : index
    %swap3A_379 = arith.constant 0 : index
    %swap3A_380 = vector.load %arg2[%swap3A, %swap3A_377, %swap3A_378, %swap3A_379] : memref<1x16x16x32xf32, #tpu.memory_space<vmem>>, vector<1x16x16x32xf32>
    %swap3A_381 = vector.shape_cast %swap3A_380 : vector<1x16x16x32xf32> to vector<16x16x32xf32>
    %swap3A_382 = vector.shape_cast %concatenate3A : vector<16x16x32xf32> to vector<1x16x16x32xf32>
    tpu.vector_store %arg2[%swap3A, %swap3A_377, %swap3A_378, %swap3A_379], %swap3A_382 {strides = array<i32>} : memref<1x16x16x32xf32, #tpu.memory_space<vmem>>, vector<1x16x16x32xf32>,
    return
  }
  func.func @transform_0(%arg0: i32) -> (i32, i32, i32) {
    %c0_i32 = arith.constant 0 : i32
    %c0_i32_0 = arith.constant 0 : i32
    %c0_i32_1 = arith.constant 0 : i32
    return %arg0, %c0_i32, %c0_i32_0 : i32, i32, i32
  }
  func.func @transform_1(%arg0: i32) -> (i32, i32, i32, i32) {
    %c0_i32 = arith.constant 0 : i32
    %c0_i32_0 = arith.constant 0 : i32
    %c0_i32_1 = arith.constant 0 : i32
    %c0_i32_2 = arith.constant 0 : i32
    return %arg0, %c0_i32, %c0_i32_0, %c0_i32_1 : i32, i32, i32, i32
  }
}

module attributes {stable_mosaic.version = 14 : i64} {
  func.func @_resize_body(%arg0: i32, %arg1: memref<1x3x512x512xf32, #tpu.memory_space<vmem>>, %arg2: memref<1x3x256x256xf32, #tpu.memory_space<vmem>>) attributes {dimension_semantics = [#tpu.dimension_semantics<arbitrary>], iteration_bounds = array<i64: 16>, scalar_prefetch = 0 : i64, scratch_operands = 0 : i64, tpu.core_type = #tpu.core_type<tc>, window_params = [{transform_indices = @transform_0, window_bounds = array<i64: 1, 3, 512, 512>}, {transform_indices = @transform_1, window_bounds = array<i64: 1, 3, 256, 256>}]} {
    %iota3A = tpu.iota {dimensions = array<i32: 0>} : vector<256x512xi32>
    %iota3A_0 = tpu.iota {dimensions = array<i32: 1>} : vector<256x512xi32>
    %eq3A = arith.constant 0 : i32
    %eq3A_1 = vector.broadcast %eq3A : i32 to vector<256x512xi32>
    %eq3A_2 = arith.cmpi eq, %iota3A, %eq3A_1 : vector<256x512xi32>
    %eq3A_3 = arith.constant 255 : i32
    %eq3A_4 = vector.broadcast %eq3A_3 : i32 to vector<256x512xi32>
    %eq3A_5 = arith.cmpi eq, %iota3A, %eq3A_4 : vector<256x512xi32>
    %or3A = arith.ori %eq3A_2, %eq3A_5 : vector<256x512xi1>
    %jit3A = arith.constant 7.000000e+00 : f32
    %jit3A_6 = arith.constant 8.000000e+00 : f32
    %broadcast_in_dim3A = vector.broadcast %jit3A : f32 to vector<256x512xf32>
    %broadcast_in_dim3A_7 = vector.broadcast %jit3A_6 : f32 to vector<256x512xf32>
    %select_n3A = arith.select %or3A, %broadcast_in_dim3A, %broadcast_in_dim3A_7 : vector<256x512xi1>, vector<256x512xf32>
    %mul3A = arith.constant 2 : i32
    %mul3A_8 = vector.broadcast %mul3A : i32 to vector<256x512xi32>
    %mul3A_9 = arith.muli %mul3A_8, %iota3A : vector<256x512xi32>
    %sub3A = arith.subi %iota3A_0, %mul3A_9 : vector<256x512xi32>
    %eq3A_10 = arith.constant 0 : i32
    %eq3A_11 = vector.broadcast %eq3A_10 : i32 to vector<256x512xi32>
    %eq3A_12 = arith.cmpi eq, %sub3A, %eq3A_11 : vector<256x512xi32>
    %eq3A_13 = arith.constant 1 : i32
    %eq3A_14 = vector.broadcast %eq3A_13 : i32 to vector<256x512xi32>
    %eq3A_15 = arith.cmpi eq, %sub3A, %eq3A_14 : vector<256x512xi32>
    %or3A_16 = arith.ori %eq3A_12, %eq3A_15 : vector<256x512xi1>
    %jit3A_17 = arith.constant 3.000000e+00 : f32
    %jit3A_18 = arith.constant 0.000000e+00 : f32
    %broadcast_in_dim3A_19 = vector.broadcast %jit3A_17 : f32 to vector<256x512xf32>
    %broadcast_in_dim3A_20 = vector.broadcast %jit3A_18 : f32 to vector<256x512xf32>
    %select_n3A_21 = arith.select %or3A_16, %broadcast_in_dim3A_19, %broadcast_in_dim3A_20 : vector<256x512xi1>, vector<256x512xf32>
    %eq3A_22 = arith.constant -1 : i32
    %eq3A_23 = vector.broadcast %eq3A_22 : i32 to vector<256x512xi32>
    %eq3A_24 = arith.cmpi eq, %sub3A, %eq3A_23 : vector<256x512xi32>
    %eq3A_25 = arith.constant 2 : i32
    %eq3A_26 = vector.broadcast %eq3A_25 : i32 to vector<256x512xi32>
    %eq3A_27 = arith.cmpi eq, %sub3A, %eq3A_26 : vector<256x512xi32>
    %or3A_28 = arith.ori %eq3A_24, %eq3A_27 : vector<256x512xi1>
    %jit3A_29 = arith.constant 1.000000e+00 : f32
    %jit3A_30 = arith.constant 0.000000e+00 : f32
    %broadcast_in_dim3A_31 = vector.broadcast %jit3A_29 : f32 to vector<256x512xf32>
    %broadcast_in_dim3A_32 = vector.broadcast %jit3A_30 : f32 to vector<256x512xf32>
    %select_n3A_33 = arith.select %or3A_28, %broadcast_in_dim3A_31, %broadcast_in_dim3A_32 : vector<256x512xi1>, vector<256x512xf32>
    %add3A = arith.addf %select_n3A_21, %select_n3A_33 : vector<256x512xf32>
    %div3A = arith.divf %add3A, %select_n3A : vector<256x512xf32>
    %iota3A_34 = tpu.iota {dimensions = array<i32: 1>} : vector<512x256xi32>
    %iota3A_35 = tpu.iota {dimensions = array<i32: 0>} : vector<512x256xi32>
    %eq3A_36 = arith.constant 0 : i32
    %eq3A_37 = vector.broadcast %eq3A_36 : i32 to vector<512x256xi32>
    %eq3A_38 = arith.cmpi eq, %iota3A_34, %eq3A_37 : vector<512x256xi32>
    %eq3A_39 = arith.constant 255 : i32
    %eq3A_40 = vector.broadcast %eq3A_39 : i32 to vector<512x256xi32>
    %eq3A_41 = arith.cmpi eq, %iota3A_34, %eq3A_40 : vector<512x256xi32>
    %or3A_42 = arith.ori %eq3A_38, %eq3A_41 : vector<512x256xi1>
    %jit3A_43 = arith.constant 7.000000e+00 : f32
    %jit3A_44 = arith.constant 8.000000e+00 : f32
    %broadcast_in_dim3A_45 = vector.broadcast %jit3A_43 : f32 to vector<512x256xf32>
    %broadcast_in_dim3A_46 = vector.broadcast %jit3A_44 : f32 to vector<512x256xf32>
    %select_n3A_47 = arith.select %or3A_42, %broadcast_in_dim3A_45, %broadcast_in_dim3A_46 : vector<512x256xi1>, vector<512x256xf32>
    %mul3A_48 = arith.constant 2 : i32
    %mul3A_49 = vector.broadcast %mul3A_48 : i32 to vector<512x256xi32>
    %mul3A_50 = arith.muli %mul3A_49, %iota3A_34 : vector<512x256xi32>
    %sub3A_51 = arith.subi %iota3A_35, %mul3A_50 : vector<512x256xi32>
    %eq3A_52 = arith.constant 0 : i32
    %eq3A_53 = vector.broadcast %eq3A_52 : i32 to vector<512x256xi32>
    %eq3A_54 = arith.cmpi eq, %sub3A_51, %eq3A_53 : vector<512x256xi32>
    %eq3A_55 = arith.constant 1 : i32
    %eq3A_56 = vector.broadcast %eq3A_55 : i32 to vector<512x256xi32>
    %eq3A_57 = arith.cmpi eq, %sub3A_51, %eq3A_56 : vector<512x256xi32>
    %or3A_58 = arith.ori %eq3A_54, %eq3A_57 : vector<512x256xi1>
    %jit3A_59 = arith.constant 3.000000e+00 : f32
    %jit3A_60 = arith.constant 0.000000e+00 : f32
    %broadcast_in_dim3A_61 = vector.broadcast %jit3A_59 : f32 to vector<512x256xf32>
    %broadcast_in_dim3A_62 = vector.broadcast %jit3A_60 : f32 to vector<512x256xf32>
    %select_n3A_63 = arith.select %or3A_58, %broadcast_in_dim3A_61, %broadcast_in_dim3A_62 : vector<512x256xi1>, vector<512x256xf32>
    %eq3A_64 = arith.constant -1 : i32
    %eq3A_65 = vector.broadcast %eq3A_64 : i32 to vector<512x256xi32>
    %eq3A_66 = arith.cmpi eq, %sub3A_51, %eq3A_65 : vector<512x256xi32>
    %eq3A_67 = arith.constant 2 : i32
    %eq3A_68 = vector.broadcast %eq3A_67 : i32 to vector<512x256xi32>
    %eq3A_69 = arith.cmpi eq, %sub3A_51, %eq3A_68 : vector<512x256xi32>
    %or3A_70 = arith.ori %eq3A_66, %eq3A_69 : vector<512x256xi1>
    %jit3A_71 = arith.constant 1.000000e+00 : f32
    %jit3A_72 = arith.constant 0.000000e+00 : f32
    %broadcast_in_dim3A_73 = vector.broadcast %jit3A_71 : f32 to vector<512x256xf32>
    %broadcast_in_dim3A_74 = vector.broadcast %jit3A_72 : f32 to vector<512x256xf32>
    %select_n3A_75 = arith.select %or3A_70, %broadcast_in_dim3A_73, %broadcast_in_dim3A_74 : vector<512x256xi1>, vector<512x256xf32>
    %add3A_76 = arith.addf %select_n3A_63, %select_n3A_75 : vector<512x256xf32>
    %div3A_77 = arith.divf %add3A_76, %select_n3A_47 : vector<512x256xf32>
    %get3A = arith.constant 0 : index
    %get3A_78 = arith.constant 0 : index
    %get3A_79 = arith.constant 0 : index
    %get3A_80 = arith.constant 0 : index
    %get3A_81 = vector.load %arg1[%get3A, %get3A_78, %get3A_79, %get3A_80] : memref<1x3x512x512xf32, #tpu.memory_space<vmem>>, vector<1x1x512x512xf32>
    %get3A_82 = vector.shape_cast %get3A_81 : vector<1x1x512x512xf32> to vector<512x512xf32>
    %dot_general3A = arith.constant dense<0.000000e+00> : vector<256x512xf32>
    %dot_general3A_83 = tpu.matmul %div3A, %get3A_82, %dot_general3A {dimension_numbers = #tpu.dot_dimension_numbers<[1], [0], [0], [1], [0, 0, 1, 1], [], []>, precision = #tpu.contract_precision<fp32>, transpose_lhs_hint = false} : vector<256x512xf32>, vector<512x512xf32>, vector<256x512xf32> -> vector<256x512xf32>
    %dot_general3A_84 = arith.constant dense<0.000000e+00> : vector<256x256xf32>
    %dot_general3A_85 = tpu.matmul %dot_general3A_83, %div3A_77, %dot_general3A_84 {dimension_numbers = #tpu.dot_dimension_numbers<[1], [0], [0], [1], [0, 0, 1, 1], [], []>, precision = #tpu.contract_precision<fp32>, transpose_lhs_hint = false} : vector<256x512xf32>, vector<512x256xf32>, vector<256x256xf32> -> vector<256x256xf32>
    %swap3A = arith.constant 0 : index
    %swap3A_86 = arith.constant 0 : index
    %swap3A_87 = arith.constant 0 : index
    %swap3A_88 = arith.constant 0 : index
    %swap3A_89 = vector.load %arg2[%swap3A, %swap3A_86, %swap3A_87, %swap3A_88] : memref<1x3x256x256xf32, #tpu.memory_space<vmem>>, vector<1x1x256x256xf32>
    %swap3A_90 = vector.shape_cast %swap3A_89 : vector<1x1x256x256xf32> to vector<256x256xf32>
    %swap3A_91 = vector.shape_cast %dot_general3A_85 : vector<256x256xf32> to vector<1x1x256x256xf32>
    tpu.vector_store %arg2[%swap3A, %swap3A_86, %swap3A_87, %swap3A_88], %swap3A_91 {strides = array<i32>} : memref<1x3x256x256xf32, #tpu.memory_space<vmem>>, vector<1x1x256x256xf32>,
    %get3A_92 = arith.constant 0 : index
    %get3A_93 = arith.constant 1 : index
    %get3A_94 = arith.constant 0 : index
    %get3A_95 = arith.constant 0 : index
    %get3A_96 = vector.load %arg1[%get3A_92, %get3A_93, %get3A_94, %get3A_95] : memref<1x3x512x512xf32, #tpu.memory_space<vmem>>, vector<1x1x512x512xf32>
    %get3A_97 = vector.shape_cast %get3A_96 : vector<1x1x512x512xf32> to vector<512x512xf32>
    %dot_general3A_98 = arith.constant dense<0.000000e+00> : vector<256x512xf32>
    %dot_general3A_99 = tpu.matmul %div3A, %get3A_97, %dot_general3A_98 {dimension_numbers = #tpu.dot_dimension_numbers<[1], [0], [0], [1], [0, 0, 1, 1], [], []>, precision = #tpu.contract_precision<fp32>, transpose_lhs_hint = false} : vector<256x512xf32>, vector<512x512xf32>, vector<256x512xf32> -> vector<256x512xf32>
    %dot_general3A_100 = arith.constant dense<0.000000e+00> : vector<256x256xf32>
    %dot_general3A_101 = tpu.matmul %dot_general3A_99, %div3A_77, %dot_general3A_100 {dimension_numbers = #tpu.dot_dimension_numbers<[1], [0], [0], [1], [0, 0, 1, 1], [], []>, precision = #tpu.contract_precision<fp32>, transpose_lhs_hint = false} : vector<256x512xf32>, vector<512x256xf32>, vector<256x256xf32> -> vector<256x256xf32>
    %swap3A_102 = arith.constant 0 : index
    %swap3A_103 = arith.constant 1 : index
    %swap3A_104 = arith.constant 0 : index
    %swap3A_105 = arith.constant 0 : index
    %swap3A_106 = vector.load %arg2[%swap3A_102, %swap3A_103, %swap3A_104, %swap3A_105] : memref<1x3x256x256xf32, #tpu.memory_space<vmem>>, vector<1x1x256x256xf32>
    %swap3A_107 = vector.shape_cast %swap3A_106 : vector<1x1x256x256xf32> to vector<256x256xf32>
    %swap3A_108 = vector.shape_cast %dot_general3A_101 : vector<256x256xf32> to vector<1x1x256x256xf32>
    tpu.vector_store %arg2[%swap3A_102, %swap3A_103, %swap3A_104, %swap3A_105], %swap3A_108 {strides = array<i32>} : memref<1x3x256x256xf32, #tpu.memory_space<vmem>>, vector<1x1x256x256xf32>,
    %get3A_109 = arith.constant 0 : index
    %get3A_110 = arith.constant 2 : index
    %get3A_111 = arith.constant 0 : index
    %get3A_112 = arith.constant 0 : index
    %get3A_113 = vector.load %arg1[%get3A_109, %get3A_110, %get3A_111, %get3A_112] : memref<1x3x512x512xf32, #tpu.memory_space<vmem>>, vector<1x1x512x512xf32>
    %get3A_114 = vector.shape_cast %get3A_113 : vector<1x1x512x512xf32> to vector<512x512xf32>
    %dot_general3A_115 = arith.constant dense<0.000000e+00> : vector<256x512xf32>
    %dot_general3A_116 = tpu.matmul %div3A, %get3A_114, %dot_general3A_115 {dimension_numbers = #tpu.dot_dimension_numbers<[1], [0], [0], [1], [0, 0, 1, 1], [], []>, precision = #tpu.contract_precision<fp32>, transpose_lhs_hint = false} : vector<256x512xf32>, vector<512x512xf32>, vector<256x512xf32> -> vector<256x512xf32>
    %dot_general3A_117 = arith.constant dense<0.000000e+00> : vector<256x256xf32>
    %dot_general3A_118 = tpu.matmul %dot_general3A_116, %div3A_77, %dot_general3A_117 {dimension_numbers = #tpu.dot_dimension_numbers<[1], [0], [0], [1], [0, 0, 1, 1], [], []>, precision = #tpu.contract_precision<fp32>, transpose_lhs_hint = false} : vector<256x512xf32>, vector<512x256xf32>, vector<256x256xf32> -> vector<256x256xf32>
    %swap3A_119 = arith.constant 0 : index
    %swap3A_120 = arith.constant 2 : index
    %swap3A_121 = arith.constant 0 : index
    %swap3A_122 = arith.constant 0 : index
    %swap3A_123 = vector.load %arg2[%swap3A_119, %swap3A_120, %swap3A_121, %swap3A_122] : memref<1x3x256x256xf32, #tpu.memory_space<vmem>>, vector<1x1x256x256xf32>
    %swap3A_124 = vector.shape_cast %swap3A_123 : vector<1x1x256x256xf32> to vector<256x256xf32>
    %swap3A_125 = vector.shape_cast %dot_general3A_118 : vector<256x256xf32> to vector<1x1x256x256xf32>
    tpu.vector_store %arg2[%swap3A_119, %swap3A_120, %swap3A_121, %swap3A_122], %swap3A_125 {strides = array<i32>} : memref<1x3x256x256xf32, #tpu.memory_space<vmem>>, vector<1x1x256x256xf32>,
    return
  }
  func.func @transform_0(%arg0: i32) -> (i32, i32, i32, i32) {
    %c0_i32 = arith.constant 0 : i32
    %c0_i32_0 = arith.constant 0 : i32
    %c0_i32_1 = arith.constant 0 : i32
    %c0_i32_2 = arith.constant 0 : i32
    return %arg0, %c0_i32, %c0_i32_0, %c0_i32_1 : i32, i32, i32, i32
  }
  func.func @transform_1(%arg0: i32) -> (i32, i32, i32, i32) {
    %c0_i32 = arith.constant 0 : i32
    %c0_i32_0 = arith.constant 0 : i32
    %c0_i32_1 = arith.constant 0 : i32
    %c0_i32_2 = arith.constant 0 : i32
    return %arg0, %c0_i32, %c0_i32_0, %c0_i32_1 : i32, i32, i32, i32
  }
}

module attributes {stable_mosaic.version = 14 : i64} {
  func.func @_select_body(%arg0: i32, %arg1: memref<1x1x256xf32, #tpu.memory_space<vmem>>, %arg2: memref<1x256x1xf32, #tpu.memory_space<vmem>>, %arg3: memref<1x340x48xi32, #tpu.memory_space<vmem>>, %arg4: memref<1x171x192xi32, #tpu.memory_space<vmem>>, %arg5: memref<1x171x48xi32, #tpu.memory_space<vmem>>, %arg6: memref<1x1x512xf32, #tpu.memory_space<vmem>>) attributes {dimension_semantics = [#tpu.dimension_semantics<arbitrary>], iteration_bounds = array<i64: 16>, scalar_prefetch = 0 : i64, scratch_operands = 0 : i64, tpu.core_type = #tpu.core_type<tc>, window_params = [{transform_indices = @transform_0, window_bounds = array<i64: 1, 1, 256>}, {transform_indices = @transform_1, window_bounds = array<i64: 1, 256, 1>}, {transform_indices = @transform_2, window_bounds = array<i64: 1, 340, 48>}, {transform_indices = @transform_3, window_bounds = array<i64: 1, 171, 192>}, {transform_indices = @transform_4, window_bounds = array<i64: 1, 171, 48>}, {transform_indices = @transform_5, window_bounds = array<i64: 1, 1, 512>}]} {
    %get3A = arith.constant 0 : index
    %get3A_0 = arith.constant 0 : index
    %get3A_1 = arith.constant 0 : index
    %get3A_2 = vector.load %arg1[%get3A, %get3A_0, %get3A_1] : memref<1x1x256xf32, #tpu.memory_space<vmem>>, vector<1x1x256xf32>
    %get3A_3 = vector.shape_cast %get3A_2 : vector<1x1x256xf32> to vector<1x256xf32>
    %get3A_4 = arith.constant 0 : index
    %get3A_5 = arith.constant 0 : index
    %get3A_6 = arith.constant 0 : index
    %get3A_7 = vector.load %arg2[%get3A_4, %get3A_5, %get3A_6] : memref<1x256x1xf32, #tpu.memory_space<vmem>>, vector<1x256x1xf32>
    %get3A_8 = vector.shape_cast %get3A_7 : vector<1x256x1xf32> to vector<256x1xf32>
    %iota3A = tpu.iota {dimensions = array<i32: 1>} : vector<256x256xi32>
    %iota3A_9 = tpu.iota {dimensions = array<i32: 0>} : vector<256x256xi32>
    %lt3A = arith.cmpi slt, %iota3A_9, %iota3A : vector<256x256xi32>
    %eq3A = vector.broadcast %get3A_8 : vector<256x1xf32> to vector<256x256xf32>
    %eq3A_10 = vector.broadcast %get3A_3 : vector<1x256xf32> to vector<256x256xf32>
    %eq3A_11 = arith.cmpf oeq, %eq3A, %eq3A_10 : vector<256x256xf32>
    %gt3A = vector.broadcast %get3A_8 : vector<256x1xf32> to vector<256x256xf32>
    %gt3A_12 = vector.broadcast %get3A_3 : vector<1x256xf32> to vector<256x256xf32>
    %gt3A_13 = arith.cmpf ogt, %gt3A, %gt3A_12 : vector<256x256xf32>
    %and3A = arith.andi %eq3A_11, %lt3A : vector<256x256xi1>
    %or3A = arith.ori %gt3A_13, %and3A : vector<256x256xi1>
    %convert_element_type3A = arith.extui %or3A : vector<256x256xi1> to vector<256x256xi32>
    %convert_element_type3A_14 = arith.sitofp %convert_element_type3A : vector<256x256xi32> to vector<256x256xf32>
    %reduce_sum3A = arith.constant dense<0.000000e+00> : vector<256xf32>
    %reduce_sum3A_15 = vector.multi_reduction <add>, %convert_element_type3A_14, %reduce_sum3A [0] : vector<256x256xf32> to vector<256xf32>
    %broadcast_in_dim3A = vector.shape_cast %reduce_sum3A_15 : vector<256xf32> to vector<1x256xf32>
    %lt3A_16 = vector.broadcast %get3A_8 : vector<256x1xf32> to vector<256x256xf32>
    %lt3A_17 = vector.broadcast %get3A_3 : vector<1x256xf32> to vector<256x256xf32>
    %lt3A_18 = arith.cmpf olt, %lt3A_16, %lt3A_17 : vector<256x256xf32>
    %and3A_19 = arith.andi %eq3A_11, %lt3A : vector<256x256xi1>
    %or3A_20 = arith.ori %lt3A_18, %and3A_19 : vector<256x256xi1>
    %convert_element_type3A_21 = arith.extui %or3A_20 : vector<256x256xi1> to vector<256x256xi32>
    %convert_element_type3A_22 = arith.sitofp %convert_element_type3A_21 : vector<256x256xi32> to vector<256x256xf32>
    %reduce_sum3A_23 = arith.constant dense<0.000000e+00> : vector<256xf32>
    %reduce_sum3A_24 = vector.multi_reduction <add>, %convert_element_type3A_22, %reduce_sum3A_23 [0] : vector<256x256xf32> to vector<256xf32>
    %broadcast_in_dim3A_25 = vector.shape_cast %reduce_sum3A_24 : vector<256xf32> to vector<1x256xf32>
    %lt3A_26 = arith.constant 8.500000e+01 : f32
    %lt3A_27 = vector.broadcast %lt3A_26 : f32 to vector<1x256xf32>
    %lt3A_28 = arith.cmpf olt, %broadcast_in_dim3A, %lt3A_27 : vector<1x256xf32>
    %convert_element_type3A_29 = arith.extui %lt3A_28 : vector<1x256xi1> to vector<1x256xi32>
    %convert_element_type3A_30 = arith.sitofp %convert_element_type3A_29 : vector<1x256xi32> to vector<1x256xf32>
    %lt3A_31 = arith.constant 1.710000e+02 : f32
    %lt3A_32 = vector.broadcast %lt3A_31 : f32 to vector<1x256xf32>
    %lt3A_33 = arith.cmpf olt, %broadcast_in_dim3A_25, %lt3A_32 : vector<1x256xf32>
    %convert_element_type3A_34 = arith.extui %lt3A_33 : vector<1x256xi1> to vector<1x256xi32>
    %convert_element_type3A_35 = arith.sitofp %convert_element_type3A_34 : vector<1x256xi32> to vector<1x256xf32>
    %iota3A_36 = tpu.iota {dimensions = array<i32: 1>} : vector<256x1024xi32>
    %iota3A_37 = tpu.iota {dimensions = array<i32: 0>} : vector<256x1024xi32>
    %jit3A = arith.constant 64 : i32
    %div3A = vector.broadcast %jit3A : i32 to vector<256x1024xi32>
    %div3A_38 = arith.divsi %iota3A_36, %div3A : vector<256x1024xi32>
    %sign3A = arith.constant 0 : i32
    %sign3A_39 = vector.broadcast %sign3A : i32 to vector<256x1024xi32>
    %sign3A_40 = arith.cmpi sgt, %iota3A_36, %sign3A_39 : vector<256x1024xi32>
    %sign3A_41 = arith.extui %sign3A_40 : vector<256x1024xi1> to vector<256x1024xi32>
    %sign3A_42 = arith.constant 0 : i32
    %sign3A_43 = vector.broadcast %sign3A_42 : i32 to vector<256x1024xi32>
    %sign3A_44 = arith.cmpi slt, %iota3A_36, %sign3A_43 : vector<256x1024xi32>
    %sign3A_45 = arith.extui %sign3A_44 : vector<256x1024xi1> to vector<256x1024xi32>
    %sign3A_46 = arith.subi %sign3A_41, %sign3A_45 : vector<256x1024xi32>
    %sign3A_47 = arith.constant 0 : i32
    %sign3A_48 = arith.cmpi sgt, %jit3A, %sign3A_47 : i32
    %sign3A_49 = arith.extui %sign3A_48 : i1 to i32
    %sign3A_50 = arith.constant 0 : i32
    %sign3A_51 = arith.cmpi slt, %jit3A, %sign3A_50 : i32
    %sign3A_52 = arith.extui %sign3A_51 : i1 to i32
    %sign3A_53 = arith.subi %sign3A_49, %sign3A_52 : i32
    %ne3A = vector.broadcast %sign3A_53 : i32 to vector<256x1024xi32>
    %ne3A_54 = arith.cmpi ne, %sign3A_46, %ne3A : vector<256x1024xi32>
    %rem3A = vector.broadcast %jit3A : i32 to vector<256x1024xi32>
    %rem3A_55 = arith.remsi %iota3A_36, %rem3A : vector<256x1024xi32>
    %ne3A_56 = arith.constant 0 : i32
    %ne3A_57 = vector.broadcast %ne3A_56 : i32 to vector<256x1024xi32>
    %ne3A_58 = arith.cmpi ne, %rem3A_55, %ne3A_57 : vector<256x1024xi32>
    %and3A_59 = arith.andi %ne3A_54, %ne3A_58 : vector<256x1024xi1>
    %sub3A = arith.constant 1 : i32
    %sub3A_60 = vector.broadcast %sub3A : i32 to vector<256x1024xi32>
    %sub3A_61 = arith.subi %div3A_38, %sub3A_60 : vector<256x1024xi32>
    %select_n3A = arith.select %and3A_59, %sub3A_61, %div3A_38 : vector<256x1024xi1>, vector<256x1024xi32>
    %mul3A = arith.constant 16 : i32
    %mul3A_62 = vector.broadcast %mul3A : i32 to vector<256x1024xi32>
    %mul3A_63 = arith.muli %select_n3A, %mul3A_62 : vector<256x1024xi32>
    %jit3A_64 = arith.constant 32 : i32
    %eq3A_65 = arith.constant 0 : i32
    %eq3A_66 = arith.cmpi eq, %jit3A_64, %eq3A_65 : i32
    %jit3A_67 = arith.constant 1 : i32
    %select_n3A_68 = arith.select %eq3A_66, %jit3A_67, %jit3A_64 : i32
    %rem3A_69 = vector.broadcast %select_n3A_68 : i32 to vector<256x1024xi32>
    %rem3A_70 = arith.remsi %iota3A_36, %rem3A_69 : vector<256x1024xi32>
    %ne3A_71 = arith.constant 0 : i32
    %ne3A_72 = vector.broadcast %ne3A_71 : i32 to vector<256x1024xi32>
    %ne3A_73 = arith.cmpi ne, %rem3A_70, %ne3A_72 : vector<256x1024xi32>
    %lt3A_74 = arith.constant 0 : i32
    %lt3A_75 = vector.broadcast %lt3A_74 : i32 to vector<256x1024xi32>
    %lt3A_76 = arith.cmpi slt, %rem3A_70, %lt3A_75 : vector<256x1024xi32>
    %lt3A_77 = arith.constant 0 : i32
    %lt3A_78 = arith.cmpi slt, %select_n3A_68, %lt3A_77 : i32
    %ne3A_79 = vector.broadcast %lt3A_78 : i1 to vector<256x1024xi1>
    %ne3A_80 = vector.broadcast %ne3A_79 : vector<256x1024xi1> to vector<256x1024xi1>
    %ne3A_81 = arith.xori %lt3A_76, %ne3A_80 : vector<256x1024xi1>
    %and3A_82 = arith.andi %ne3A_81, %ne3A_73 : vector<256x1024xi1>
    %add3A = vector.broadcast %select_n3A_68 : i32 to vector<256x1024xi32>
    %add3A_83 = arith.addi %rem3A_70, %add3A : vector<256x1024xi32>
    %select_n3A_84 = arith.select %and3A_82, %add3A_83, %rem3A_70 : vector<256x1024xi1>, vector<256x1024xi32>
    %jit3A_85 = arith.constant 2 : i32
    %div3A_86 = vector.broadcast %jit3A_85 : i32 to vector<256x1024xi32>
    %div3A_87 = arith.divsi %select_n3A_84, %div3A_86 : vector<256x1024xi32>
    %sign3A_88 = arith.constant 0 : i32
    %sign3A_89 = vector.broadcast %sign3A_88 : i32 to vector<256x1024xi32>
    %sign3A_90 = arith.cmpi sgt, %select_n3A_84, %sign3A_89 : vector<256x1024xi32>
    %sign3A_91 = arith.extui %sign3A_90 : vector<256x1024xi1> to vector<256x1024xi32>
    %sign3A_92 = arith.constant 0 : i32
    %sign3A_93 = vector.broadcast %sign3A_92 : i32 to vector<256x1024xi32>
    %sign3A_94 = arith.cmpi slt, %select_n3A_84, %sign3A_93 : vector<256x1024xi32>
    %sign3A_95 = arith.extui %sign3A_94 : vector<256x1024xi1> to vector<256x1024xi32>
    %sign3A_96 = arith.subi %sign3A_91, %sign3A_95 : vector<256x1024xi32>
    %sign3A_97 = arith.constant 0 : i32
    %sign3A_98 = arith.cmpi sgt, %jit3A_85, %sign3A_97 : i32
    %sign3A_99 = arith.extui %sign3A_98 : i1 to i32
    %sign3A_100 = arith.constant 0 : i32
    %sign3A_101 = arith.cmpi slt, %jit3A_85, %sign3A_100 : i32
    %sign3A_102 = arith.extui %sign3A_101 : i1 to i32
    %sign3A_103 = arith.subi %sign3A_99, %sign3A_102 : i32
    %ne3A_104 = vector.broadcast %sign3A_103 : i32 to vector<256x1024xi32>
    %ne3A_105 = arith.cmpi ne, %sign3A_96, %ne3A_104 : vector<256x1024xi32>
    %rem3A_106 = vector.broadcast %jit3A_85 : i32 to vector<256x1024xi32>
    %rem3A_107 = arith.remsi %select_n3A_84, %rem3A_106 : vector<256x1024xi32>
    %ne3A_108 = arith.constant 0 : i32
    %ne3A_109 = vector.broadcast %ne3A_108 : i32 to vector<256x1024xi32>
    %ne3A_110 = arith.cmpi ne, %rem3A_107, %ne3A_109 : vector<256x1024xi32>
    %and3A_111 = arith.andi %ne3A_105, %ne3A_110 : vector<256x1024xi1>
    %sub3A_112 = arith.constant 1 : i32
    %sub3A_113 = vector.broadcast %sub3A_112 : i32 to vector<256x1024xi32>
    %sub3A_114 = arith.subi %div3A_87, %sub3A_113 : vector<256x1024xi32>
    %select_n3A_115 = arith.select %and3A_111, %sub3A_114, %div3A_87 : vector<256x1024xi1>, vector<256x1024xi32>
    %add3A_116 = arith.addi %mul3A_63, %select_n3A_115 : vector<256x1024xi32>
    %eq3A_117 = arith.cmpi eq, %add3A_116, %iota3A_37 : vector<256x1024xi32>
    %convert_element_type3A_118 = arith.extui %eq3A_117 : vector<256x1024xi1> to vector<256x1024xi32>
    %convert_element_type3A_119 = arith.sitofp %convert_element_type3A_118 : vector<256x1024xi32> to vector<256x1024xf32>
    %dot_general3A = arith.constant dense<0.000000e+00> : vector<1x1024xf32>
    %dot_general3A_120 = tpu.matmul %convert_element_type3A_30, %convert_element_type3A_119, %dot_general3A {dimension_numbers = #tpu.dot_dimension_numbers<[1], [0], [0], [1], [0, 0, 1, 1], [], []>, precision = #tpu.contract_precision<fp32>, transpose_lhs_hint = false} : vector<1x256xf32>, vector<256x1024xf32>, vector<1x1024xf32> -> vector<1x1024xf32>
    %iota3A_121 = tpu.iota {dimensions = array<i32: 0>} : vector<1024x1024xi32>
    %iota3A_122 = tpu.iota {dimensions = array<i32: 1>} : vector<1024x1024xi32>
    %le3A = arith.cmpi sle, %iota3A_121, %iota3A_122 : vector<1024x1024xi32>
    %convert_element_type3A_123 = arith.extui %le3A : vector<1024x1024xi1> to vector<1024x1024xi32>
    %convert_element_type3A_124 = arith.sitofp %convert_element_type3A_123 : vector<1024x1024xi32> to vector<1024x1024xf32>
    %dot_general3A_125 = arith.constant dense<0.000000e+00> : vector<1x1024xf32>
    %dot_general3A_126 = tpu.matmul %dot_general3A_120, %convert_element_type3A_124, %dot_general3A_125 {dimension_numbers = #tpu.dot_dimension_numbers<[1], [0], [0], [1], [0, 0, 1, 1], [], []>, precision = #tpu.contract_precision<fp32>, transpose_lhs_hint = false} : vector<1x1024xf32>, vector<1024x1024xf32>, vector<1x1024xf32> -> vector<1x1024xf32>
    %iota3A_127 = tpu.iota {dimensions = array<i32: 0>} : vector<256x256xi32>
    %iota3A_128 = tpu.iota {dimensions = array<i32: 1>} : vector<256x256xi32>
    %le3A_129 = arith.cmpi sle, %iota3A_127, %iota3A_128 : vector<256x256xi32>
    %convert_element_type3A_130 = arith.extui %le3A_129 : vector<256x256xi1> to vector<256x256xi32>
    %convert_element_type3A_131 = arith.sitofp %convert_element_type3A_130 : vector<256x256xi32> to vector<256x256xf32>
    %dot_general3A_132 = arith.constant dense<0.000000e+00> : vector<1x256xf32>
    %dot_general3A_133 = tpu.matmul %convert_element_type3A_35, %convert_element_type3A_131, %dot_general3A_132 {dimension_numbers = #tpu.dot_dimension_numbers<[1], [0], [0], [1], [0, 0, 1, 1], [], []>, precision = #tpu.contract_precision<fp32>, transpose_lhs_hint = false} : vector<1x256xf32>, vector<256x256xf32>, vector<1x256xf32> -> vector<1x256xf32>
    %iota3A_134 = tpu.iota {dimensions = array<i32: 0>} : vector<340x1024xi32>
    %convert_element_type3A_135 = arith.sitofp %iota3A_134 : vector<340x1024xi32> to vector<340x1024xf32>
    %add3A_136 = arith.constant 1.000000e+00 : f32
    %add3A_137 = vector.broadcast %add3A_136 : f32 to vector<340x1024xf32>
    %add3A_138 = arith.addf %convert_element_type3A_135, %add3A_137 : vector<340x1024xf32>
    %eq3A_139 = vector.broadcast %dot_general3A_126 : vector<1x1024xf32> to vector<340x1024xf32>
    %eq3A_140 = arith.cmpf oeq, %eq3A_139, %add3A_138 : vector<340x1024xf32>
    %gt3A_141 = arith.constant 0.000000e+00 : f32
    %gt3A_142 = vector.broadcast %gt3A_141 : f32 to vector<1x1024xf32>
    %gt3A_143 = arith.cmpf ogt, %dot_general3A_120, %gt3A_142 : vector<1x1024xf32>
    %and3A_144 = vector.broadcast %gt3A_143 : vector<1x1024xi1> to vector<340x1024xi1>
    %and3A_145 = arith.andi %eq3A_140, %and3A_144 : vector<340x1024xi1>
    %convert_element_type3A_146 = arith.extui %and3A_145 : vector<340x1024xi1> to vector<340x1024xi32>
    %convert_element_type3A_147 = arith.sitofp %convert_element_type3A_146 : vector<340x1024xi32> to vector<340x1024xf32>
    %iota3A_148 = tpu.iota {dimensions = array<i32: 0>} : vector<1024x1xi32>
    %convert_element_type3A_149 = arith.sitofp %iota3A_148 : vector<1024x1xi32> to vector<1024x1xf32>
    %dot_general3A_150 = arith.constant dense<0.000000e+00> : vector<340x1xf32>
    %dot_general3A_151 = tpu.matmul %convert_element_type3A_147, %convert_element_type3A_149, %dot_general3A_150 {dimension_numbers = #tpu.dot_dimension_numbers<[1], [0], [0], [1], [0, 0, 1, 1], [], []>, precision = #tpu.contract_precision<fp32>, transpose_lhs_hint = false} : vector<340x1024xf32>, vector<1024x1xf32>, vector<340x1xf32> -> vector<340x1xf32>
    %convert_element_type3A_152 = arith.fptosi %dot_general3A_151 : vector<340x1xf32> to vector<340x1xi32>
    %iota3A_153 = tpu.iota {dimensions = array<i32: 0>} : vector<171x256xi32>
    %convert_element_type3A_154 = arith.sitofp %iota3A_153 : vector<171x256xi32> to vector<171x256xf32>
    %add3A_155 = arith.constant 1.000000e+00 : f32
    %add3A_156 = vector.broadcast %add3A_155 : f32 to vector<171x256xf32>
    %add3A_157 = arith.addf %convert_element_type3A_154, %add3A_156 : vector<171x256xf32>
    %eq3A_158 = vector.broadcast %dot_general3A_133 : vector<1x256xf32> to vector<171x256xf32>
    %eq3A_159 = arith.cmpf oeq, %eq3A_158, %add3A_157 : vector<171x256xf32>
    %gt3A_160 = arith.constant 0.000000e+00 : f32
    %gt3A_161 = vector.broadcast %gt3A_160 : f32 to vector<1x256xf32>
    %gt3A_162 = arith.cmpf ogt, %convert_element_type3A_35, %gt3A_161 : vector<1x256xf32>
    %and3A_163 = vector.broadcast %gt3A_162 : vector<1x256xi1> to vector<171x256xi1>
    %and3A_164 = arith.andi %eq3A_159, %and3A_163 : vector<171x256xi1>
    %convert_element_type3A_165 = arith.extui %and3A_164 : vector<171x256xi1> to vector<171x256xi32>
    %convert_element_type3A_166 = arith.sitofp %convert_element_type3A_165 : vector<171x256xi32> to vector<171x256xf32>
    %iota3A_167 = tpu.iota {dimensions = array<i32: 0>} : vector<256x1xi32>
    %convert_element_type3A_168 = arith.sitofp %iota3A_167 : vector<256x1xi32> to vector<256x1xf32>
    %dot_general3A_169 = arith.constant dense<0.000000e+00> : vector<171x1xf32>
    %dot_general3A_170 = tpu.matmul %convert_element_type3A_166, %convert_element_type3A_168, %dot_general3A_169 {dimension_numbers = #tpu.dot_dimension_numbers<[1], [0], [0], [1], [0, 0, 1, 1], [], []>, precision = #tpu.contract_precision<fp32>, transpose_lhs_hint = false} : vector<171x256xf32>, vector<256x1xf32>, vector<171x1xf32> -> vector<171x1xf32>
    %convert_element_type3A_171 = arith.fptosi %dot_general3A_170 : vector<171x1xf32> to vector<171x1xi32>
    %iota3A_172 = tpu.iota {dimensions = array<i32: 1>} : vector<1x48xi32>
    %jit3A_173 = arith.constant 16 : i32
    %div3A_174 = vector.broadcast %jit3A_173 : i32 to vector<1x48xi32>
    %div3A_175 = arith.divsi %iota3A_172, %div3A_174 : vector<1x48xi32>
    %sign3A_176 = arith.constant 0 : i32
    %sign3A_177 = vector.broadcast %sign3A_176 : i32 to vector<1x48xi32>
    %sign3A_178 = arith.cmpi sgt, %iota3A_172, %sign3A_177 : vector<1x48xi32>
    %sign3A_179 = arith.extui %sign3A_178 : vector<1x48xi1> to vector<1x48xi32>
    %sign3A_180 = arith.constant 0 : i32
    %sign3A_181 = vector.broadcast %sign3A_180 : i32 to vector<1x48xi32>
    %sign3A_182 = arith.cmpi slt, %iota3A_172, %sign3A_181 : vector<1x48xi32>
    %sign3A_183 = arith.extui %sign3A_182 : vector<1x48xi1> to vector<1x48xi32>
    %sign3A_184 = arith.subi %sign3A_179, %sign3A_183 : vector<1x48xi32>
    %sign3A_185 = arith.constant 0 : i32
    %sign3A_186 = arith.cmpi sgt, %jit3A_173, %sign3A_185 : i32
    %sign3A_187 = arith.extui %sign3A_186 : i1 to i32
    %sign3A_188 = arith.constant 0 : i32
    %sign3A_189 = arith.cmpi slt, %jit3A_173, %sign3A_188 : i32
    %sign3A_190 = arith.extui %sign3A_189 : i1 to i32
    %sign3A_191 = arith.subi %sign3A_187, %sign3A_190 : i32
    %ne3A_192 = vector.broadcast %sign3A_191 : i32 to vector<1x48xi32>
    %ne3A_193 = arith.cmpi ne, %sign3A_184, %ne3A_192 : vector<1x48xi32>
    %rem3A_194 = vector.broadcast %jit3A_173 : i32 to vector<1x48xi32>
    %rem3A_195 = arith.remsi %iota3A_172, %rem3A_194 : vector<1x48xi32>
    %ne3A_196 = arith.constant 0 : i32
    %ne3A_197 = vector.broadcast %ne3A_196 : i32 to vector<1x48xi32>
    %ne3A_198 = arith.cmpi ne, %rem3A_195, %ne3A_197 : vector<1x48xi32>
    %and3A_199 = arith.andi %ne3A_193, %ne3A_198 : vector<1x48xi1>
    %sub3A_200 = arith.constant 1 : i32
    %sub3A_201 = vector.broadcast %sub3A_200 : i32 to vector<1x48xi32>
    %sub3A_202 = arith.subi %div3A_175, %sub3A_201 : vector<1x48xi32>
    %select_n3A_203 = arith.select %and3A_199, %sub3A_202, %div3A_175 : vector<1x48xi1>, vector<1x48xi32>
    %jit3A_204 = arith.constant 16 : i32
    %eq3A_205 = arith.constant 0 : i32
    %eq3A_206 = arith.cmpi eq, %jit3A_204, %eq3A_205 : i32
    %jit3A_207 = arith.constant 1 : i32
    %select_n3A_208 = arith.select %eq3A_206, %jit3A_207, %jit3A_204 : i32
    %rem3A_209 = vector.broadcast %select_n3A_208 : i32 to vector<1x48xi32>
    %rem3A_210 = arith.remsi %iota3A_172, %rem3A_209 : vector<1x48xi32>
    %ne3A_211 = arith.constant 0 : i32
    %ne3A_212 = vector.broadcast %ne3A_211 : i32 to vector<1x48xi32>
    %ne3A_213 = arith.cmpi ne, %rem3A_210, %ne3A_212 : vector<1x48xi32>
    %lt3A_214 = arith.constant 0 : i32
    %lt3A_215 = vector.broadcast %lt3A_214 : i32 to vector<1x48xi32>
    %lt3A_216 = arith.cmpi slt, %rem3A_210, %lt3A_215 : vector<1x48xi32>
    %lt3A_217 = arith.constant 0 : i32
    %lt3A_218 = arith.cmpi slt, %select_n3A_208, %lt3A_217 : i32
    %ne3A_219 = vector.broadcast %lt3A_218 : i1 to vector<1x48xi1>
    %ne3A_220 = vector.broadcast %ne3A_219 : vector<1x48xi1> to vector<1x48xi1>
    %ne3A_221 = arith.xori %lt3A_216, %ne3A_220 : vector<1x48xi1>
    %and3A_222 = arith.andi %ne3A_221, %ne3A_213 : vector<1x48xi1>
    %add3A_223 = vector.broadcast %select_n3A_208 : i32 to vector<1x48xi32>
    %add3A_224 = arith.addi %rem3A_210, %add3A_223 : vector<1x48xi32>
    %select_n3A_225 = arith.select %and3A_222, %add3A_224, %rem3A_210 : vector<1x48xi1>, vector<1x48xi32>
    %mul3A_226 = arith.constant 49152 : i32
    %mul3A_227 = arith.muli %arg0, %mul3A_226 : i32
    %mul3A_228 = arith.constant 16384 : i32
    %mul3A_229 = vector.broadcast %mul3A_228 : i32 to vector<1x48xi32>
    %mul3A_230 = arith.muli %select_n3A_203, %mul3A_229 : vector<1x48xi32>
    %add3A_231 = vector.broadcast %mul3A_227 : i32 to vector<1x48xi32>
    %add3A_232 = arith.addi %add3A_231, %mul3A_230 : vector<1x48xi32>
    %jit3A_233 = arith.constant 32 : i32
    %div3A_234 = vector.broadcast %jit3A_233 : i32 to vector<340x1xi32>
    %div3A_235 = arith.divsi %convert_element_type3A_152, %div3A_234 : vector<340x1xi32>
    %sign3A_236 = arith.constant 0 : i32
    %sign3A_237 = vector.broadcast %sign3A_236 : i32 to vector<340x1xi32>
    %sign3A_238 = arith.cmpi sgt, %convert_element_type3A_152, %sign3A_237 : vector<340x1xi32>
    %sign3A_239 = arith.extui %sign3A_238 : vector<340x1xi1> to vector<340x1xi32>
    %sign3A_240 = arith.constant 0 : i32
    %sign3A_241 = vector.broadcast %sign3A_240 : i32 to vector<340x1xi32>
    %sign3A_242 = arith.cmpi slt, %convert_element_type3A_152, %sign3A_241 : vector<340x1xi32>
    %sign3A_243 = arith.extui %sign3A_242 : vector<340x1xi1> to vector<340x1xi32>
    %sign3A_244 = arith.subi %sign3A_239, %sign3A_243 : vector<340x1xi32>
    %sign3A_245 = arith.constant 0 : i32
    %sign3A_246 = arith.cmpi sgt, %jit3A_233, %sign3A_245 : i32
    %sign3A_247 = arith.extui %sign3A_246 : i1 to i32
    %sign3A_248 = arith.constant 0 : i32
    %sign3A_249 = arith.cmpi slt, %jit3A_233, %sign3A_248 : i32
    %sign3A_250 = arith.extui %sign3A_249 : i1 to i32
    %sign3A_251 = arith.subi %sign3A_247, %sign3A_250 : i32
    %ne3A_252 = vector.broadcast %sign3A_251 : i32 to vector<340x1xi32>
    %ne3A_253 = arith.cmpi ne, %sign3A_244, %ne3A_252 : vector<340x1xi32>
    %rem3A_254 = vector.broadcast %jit3A_233 : i32 to vector<340x1xi32>
    %rem3A_255 = arith.remsi %convert_element_type3A_152, %rem3A_254 : vector<340x1xi32>
    %ne3A_256 = arith.constant 0 : i32
    %ne3A_257 = vector.broadcast %ne3A_256 : i32 to vector<340x1xi32>
    %ne3A_258 = arith.cmpi ne, %rem3A_255, %ne3A_257 : vector<340x1xi32>
    %and3A_259 = arith.andi %ne3A_253, %ne3A_258 : vector<340x1xi1>
    %sub3A_260 = arith.constant 1 : i32
    %sub3A_261 = vector.broadcast %sub3A_260 : i32 to vector<340x1xi32>
    %sub3A_262 = arith.subi %div3A_235, %sub3A_261 : vector<340x1xi32>
    %select_n3A_263 = arith.select %and3A_259, %sub3A_262, %div3A_235 : vector<340x1xi1>, vector<340x1xi32>
    %mul3A_264 = arith.constant 512 : i32
    %mul3A_265 = vector.broadcast %mul3A_264 : i32 to vector<340x1xi32>
    %mul3A_266 = arith.muli %select_n3A_263, %mul3A_265 : vector<340x1xi32>
    %add3A_267 = vector.broadcast %add3A_232 : vector<1x48xi32> to vector<340x48xi32>
    %add3A_268 = vector.broadcast %mul3A_266 : vector<340x1xi32> to vector<340x48xi32>
    %add3A_269 = arith.addi %add3A_267, %add3A_268 : vector<340x48xi32>
    %mul3A_270 = arith.constant 32 : i32
    %mul3A_271 = vector.broadcast %mul3A_270 : i32 to vector<1x48xi32>
    %mul3A_272 = arith.muli %select_n3A_225, %mul3A_271 : vector<1x48xi32>
    %add3A_273 = vector.broadcast %mul3A_272 : vector<1x48xi32> to vector<340x48xi32>
    %add3A_274 = arith.addi %add3A_269, %add3A_273 : vector<340x48xi32>
    %jit3A_275 = arith.constant 32 : i32
    %eq3A_276 = arith.constant 0 : i32
    %eq3A_277 = arith.cmpi eq, %jit3A_275, %eq3A_276 : i32
    %jit3A_278 = arith.constant 1 : i32
    %select_n3A_279 = arith.select %eq3A_277, %jit3A_278, %jit3A_275 : i32
    %rem3A_280 = vector.broadcast %select_n3A_279 : i32 to vector<340x1xi32>
    %rem3A_281 = arith.remsi %convert_element_type3A_152, %rem3A_280 : vector<340x1xi32>
    %ne3A_282 = arith.constant 0 : i32
    %ne3A_283 = vector.broadcast %ne3A_282 : i32 to vector<340x1xi32>
    %ne3A_284 = arith.cmpi ne, %rem3A_281, %ne3A_283 : vector<340x1xi32>
    %lt3A_285 = arith.constant 0 : i32
    %lt3A_286 = vector.broadcast %lt3A_285 : i32 to vector<340x1xi32>
    %lt3A_287 = arith.cmpi slt, %rem3A_281, %lt3A_286 : vector<340x1xi32>
    %lt3A_288 = arith.constant 0 : i32
    %lt3A_289 = arith.cmpi slt, %select_n3A_279, %lt3A_288 : i32
    %ne3A_290 = vector.broadcast %lt3A_289 : i1 to vector<340x1xi1>
    %ne3A_291 = vector.broadcast %ne3A_290 : vector<340x1xi1> to vector<340x1xi1>
    %ne3A_292 = arith.xori %lt3A_287, %ne3A_291 : vector<340x1xi1>
    %and3A_293 = arith.andi %ne3A_292, %ne3A_284 : vector<340x1xi1>
    %add3A_294 = vector.broadcast %select_n3A_279 : i32 to vector<340x1xi32>
    %add3A_295 = arith.addi %rem3A_281, %add3A_294 : vector<340x1xi32>
    %select_n3A_296 = arith.select %and3A_293, %add3A_295, %rem3A_281 : vector<340x1xi1>, vector<340x1xi32>
    %add3A_297 = vector.broadcast %select_n3A_296 : vector<340x1xi32> to vector<340x48xi32>
    %add3A_298 = arith.addi %add3A_274, %add3A_297 : vector<340x48xi32>
    %swap3A = arith.constant 0 : index
    %swap3A_299 = arith.constant 0 : index
    %swap3A_300 = arith.constant 0 : index
    %swap3A_301 = vector.load %arg3[%swap3A, %swap3A_299, %swap3A_300] : memref<1x340x48xi32, #tpu.memory_space<vmem>>, vector<1x340x48xi32>
    %swap3A_302 = vector.shape_cast %swap3A_301 : vector<1x340x48xi32> to vector<340x48xi32>
    %swap3A_303 = vector.shape_cast %add3A_298 : vector<340x48xi32> to vector<1x340x48xi32>
    tpu.vector_store %arg3[%swap3A, %swap3A_299, %swap3A_300], %swap3A_303 {strides = array<i32>} : memref<1x340x48xi32, #tpu.memory_space<vmem>>, vector<1x340x48xi32>,
    %jit3A_304 = arith.constant 16 : i32
    %div3A_305 = vector.broadcast %jit3A_304 : i32 to vector<171x1xi32>
    %div3A_306 = arith.divsi %convert_element_type3A_171, %div3A_305 : vector<171x1xi32>
    %sign3A_307 = arith.constant 0 : i32
    %sign3A_308 = vector.broadcast %sign3A_307 : i32 to vector<171x1xi32>
    %sign3A_309 = arith.cmpi sgt, %convert_element_type3A_171, %sign3A_308 : vector<171x1xi32>
    %sign3A_310 = arith.extui %sign3A_309 : vector<171x1xi1> to vector<171x1xi32>
    %sign3A_311 = arith.constant 0 : i32
    %sign3A_312 = vector.broadcast %sign3A_311 : i32 to vector<171x1xi32>
    %sign3A_313 = arith.cmpi slt, %convert_element_type3A_171, %sign3A_312 : vector<171x1xi32>
    %sign3A_314 = arith.extui %sign3A_313 : vector<171x1xi1> to vector<171x1xi32>
    %sign3A_315 = arith.subi %sign3A_310, %sign3A_314 : vector<171x1xi32>
    %sign3A_316 = arith.constant 0 : i32
    %sign3A_317 = arith.cmpi sgt, %jit3A_304, %sign3A_316 : i32
    %sign3A_318 = arith.extui %sign3A_317 : i1 to i32
    %sign3A_319 = arith.constant 0 : i32
    %sign3A_320 = arith.cmpi slt, %jit3A_304, %sign3A_319 : i32
    %sign3A_321 = arith.extui %sign3A_320 : i1 to i32
    %sign3A_322 = arith.subi %sign3A_318, %sign3A_321 : i32
    %ne3A_323 = vector.broadcast %sign3A_322 : i32 to vector<171x1xi32>
    %ne3A_324 = arith.cmpi ne, %sign3A_315, %ne3A_323 : vector<171x1xi32>
    %rem3A_325 = vector.broadcast %jit3A_304 : i32 to vector<171x1xi32>
    %rem3A_326 = arith.remsi %convert_element_type3A_171, %rem3A_325 : vector<171x1xi32>
    %ne3A_327 = arith.constant 0 : i32
    %ne3A_328 = vector.broadcast %ne3A_327 : i32 to vector<171x1xi32>
    %ne3A_329 = arith.cmpi ne, %rem3A_326, %ne3A_328 : vector<171x1xi32>
    %and3A_330 = arith.andi %ne3A_324, %ne3A_329 : vector<171x1xi1>
    %sub3A_331 = arith.constant 1 : i32
    %sub3A_332 = vector.broadcast %sub3A_331 : i32 to vector<171x1xi32>
    %sub3A_333 = arith.subi %div3A_306, %sub3A_332 : vector<171x1xi32>
    %select_n3A_334 = arith.select %and3A_330, %sub3A_333, %div3A_306 : vector<171x1xi1>, vector<171x1xi32>
    %jit3A_335 = arith.constant 16 : i32
    %eq3A_336 = arith.constant 0 : i32
    %eq3A_337 = arith.cmpi eq, %jit3A_335, %eq3A_336 : i32
    %jit3A_338 = arith.constant 1 : i32
    %select_n3A_339 = arith.select %eq3A_337, %jit3A_338, %jit3A_335 : i32
    %rem3A_340 = vector.broadcast %select_n3A_339 : i32 to vector<171x1xi32>
    %rem3A_341 = arith.remsi %convert_element_type3A_171, %rem3A_340 : vector<171x1xi32>
    %ne3A_342 = arith.constant 0 : i32
    %ne3A_343 = vector.broadcast %ne3A_342 : i32 to vector<171x1xi32>
    %ne3A_344 = arith.cmpi ne, %rem3A_341, %ne3A_343 : vector<171x1xi32>
    %lt3A_345 = arith.constant 0 : i32
    %lt3A_346 = vector.broadcast %lt3A_345 : i32 to vector<171x1xi32>
    %lt3A_347 = arith.cmpi slt, %rem3A_341, %lt3A_346 : vector<171x1xi32>
    %lt3A_348 = arith.constant 0 : i32
    %lt3A_349 = arith.cmpi slt, %select_n3A_339, %lt3A_348 : i32
    %ne3A_350 = vector.broadcast %lt3A_349 : i1 to vector<171x1xi1>
    %ne3A_351 = vector.broadcast %ne3A_350 : vector<171x1xi1> to vector<171x1xi1>
    %ne3A_352 = arith.xori %lt3A_347, %ne3A_351 : vector<171x1xi1>
    %and3A_353 = arith.andi %ne3A_352, %ne3A_344 : vector<171x1xi1>
    %add3A_354 = vector.broadcast %select_n3A_339 : i32 to vector<171x1xi32>
    %add3A_355 = arith.addi %rem3A_341, %add3A_354 : vector<171x1xi32>
    %select_n3A_356 = arith.select %and3A_353, %add3A_355, %rem3A_341 : vector<171x1xi1>, vector<171x1xi32>
    %iota3A_357 = tpu.iota {dimensions = array<i32: 1>} : vector<1x192xi32>
    %jit3A_358 = arith.constant 48 : i32
    %div3A_359 = vector.broadcast %jit3A_358 : i32 to vector<1x192xi32>
    %div3A_360 = arith.divsi %iota3A_357, %div3A_359 : vector<1x192xi32>
    %sign3A_361 = arith.constant 0 : i32
    %sign3A_362 = vector.broadcast %sign3A_361 : i32 to vector<1x192xi32>
    %sign3A_363 = arith.cmpi sgt, %iota3A_357, %sign3A_362 : vector<1x192xi32>
    %sign3A_364 = arith.extui %sign3A_363 : vector<1x192xi1> to vector<1x192xi32>
    %sign3A_365 = arith.constant 0 : i32
    %sign3A_366 = vector.broadcast %sign3A_365 : i32 to vector<1x192xi32>
    %sign3A_367 = arith.cmpi slt, %iota3A_357, %sign3A_366 : vector<1x192xi32>
    %sign3A_368 = arith.extui %sign3A_367 : vector<1x192xi1> to vector<1x192xi32>
    %sign3A_369 = arith.subi %sign3A_364, %sign3A_368 : vector<1x192xi32>
    %sign3A_370 = arith.constant 0 : i32
    %sign3A_371 = arith.cmpi sgt, %jit3A_358, %sign3A_370 : i32
    %sign3A_372 = arith.extui %sign3A_371 : i1 to i32
    %sign3A_373 = arith.constant 0 : i32
    %sign3A_374 = arith.cmpi slt, %jit3A_358, %sign3A_373 : i32
    %sign3A_375 = arith.extui %sign3A_374 : i1 to i32
    %sign3A_376 = arith.subi %sign3A_372, %sign3A_375 : i32
    %ne3A_377 = vector.broadcast %sign3A_376 : i32 to vector<1x192xi32>
    %ne3A_378 = arith.cmpi ne, %sign3A_369, %ne3A_377 : vector<1x192xi32>
    %rem3A_379 = vector.broadcast %jit3A_358 : i32 to vector<1x192xi32>
    %rem3A_380 = arith.remsi %iota3A_357, %rem3A_379 : vector<1x192xi32>
    %ne3A_381 = arith.constant 0 : i32
    %ne3A_382 = vector.broadcast %ne3A_381 : i32 to vector<1x192xi32>
    %ne3A_383 = arith.cmpi ne, %rem3A_380, %ne3A_382 : vector<1x192xi32>
    %and3A_384 = arith.andi %ne3A_378, %ne3A_383 : vector<1x192xi1>
    %sub3A_385 = arith.constant 1 : i32
    %sub3A_386 = vector.broadcast %sub3A_385 : i32 to vector<1x192xi32>
    %sub3A_387 = arith.subi %div3A_360, %sub3A_386 : vector<1x192xi32>
    %select_n3A_388 = arith.select %and3A_384, %sub3A_387, %div3A_360 : vector<1x192xi1>, vector<1x192xi32>
    %jit3A_389 = arith.constant 48 : i32
    %eq3A_390 = arith.constant 0 : i32
    %eq3A_391 = arith.cmpi eq, %jit3A_389, %eq3A_390 : i32
    %jit3A_392 = arith.constant 1 : i32
    %select_n3A_393 = arith.select %eq3A_391, %jit3A_392, %jit3A_389 : i32
    %rem3A_394 = vector.broadcast %select_n3A_393 : i32 to vector<1x192xi32>
    %rem3A_395 = arith.remsi %iota3A_357, %rem3A_394 : vector<1x192xi32>
    %ne3A_396 = arith.constant 0 : i32
    %ne3A_397 = vector.broadcast %ne3A_396 : i32 to vector<1x192xi32>
    %ne3A_398 = arith.cmpi ne, %rem3A_395, %ne3A_397 : vector<1x192xi32>
    %lt3A_399 = arith.constant 0 : i32
    %lt3A_400 = vector.broadcast %lt3A_399 : i32 to vector<1x192xi32>
    %lt3A_401 = arith.cmpi slt, %rem3A_395, %lt3A_400 : vector<1x192xi32>
    %lt3A_402 = arith.constant 0 : i32
    %lt3A_403 = arith.cmpi slt, %select_n3A_393, %lt3A_402 : i32
    %ne3A_404 = vector.broadcast %lt3A_403 : i1 to vector<1x192xi1>
    %ne3A_405 = vector.broadcast %ne3A_404 : vector<1x192xi1> to vector<1x192xi1>
    %ne3A_406 = arith.xori %lt3A_401, %ne3A_405 : vector<1x192xi1>
    %and3A_407 = arith.andi %ne3A_406, %ne3A_398 : vector<1x192xi1>
    %add3A_408 = vector.broadcast %select_n3A_393 : i32 to vector<1x192xi32>
    %add3A_409 = arith.addi %rem3A_395, %add3A_408 : vector<1x192xi32>
    %select_n3A_410 = arith.select %and3A_407, %add3A_409, %rem3A_395 : vector<1x192xi1>, vector<1x192xi32>
    %jit3A_411 = arith.constant 16 : i32
    %div3A_412 = vector.broadcast %jit3A_411 : i32 to vector<1x192xi32>
    %div3A_413 = arith.divsi %select_n3A_410, %div3A_412 : vector<1x192xi32>
    %sign3A_414 = arith.constant 0 : i32
    %sign3A_415 = vector.broadcast %sign3A_414 : i32 to vector<1x192xi32>
    %sign3A_416 = arith.cmpi sgt, %select_n3A_410, %sign3A_415 : vector<1x192xi32>
    %sign3A_417 = arith.extui %sign3A_416 : vector<1x192xi1> to vector<1x192xi32>
    %sign3A_418 = arith.constant 0 : i32
    %sign3A_419 = vector.broadcast %sign3A_418 : i32 to vector<1x192xi32>
    %sign3A_420 = arith.cmpi slt, %select_n3A_410, %sign3A_419 : vector<1x192xi32>
    %sign3A_421 = arith.extui %sign3A_420 : vector<1x192xi1> to vector<1x192xi32>
    %sign3A_422 = arith.subi %sign3A_417, %sign3A_421 : vector<1x192xi32>
    %sign3A_423 = arith.constant 0 : i32
    %sign3A_424 = arith.cmpi sgt, %jit3A_411, %sign3A_423 : i32
    %sign3A_425 = arith.extui %sign3A_424 : i1 to i32
    %sign3A_426 = arith.constant 0 : i32
    %sign3A_427 = arith.cmpi slt, %jit3A_411, %sign3A_426 : i32
    %sign3A_428 = arith.extui %sign3A_427 : i1 to i32
    %sign3A_429 = arith.subi %sign3A_425, %sign3A_428 : i32
    %ne3A_430 = vector.broadcast %sign3A_429 : i32 to vector<1x192xi32>
    %ne3A_431 = arith.cmpi ne, %sign3A_422, %ne3A_430 : vector<1x192xi32>
    %rem3A_432 = vector.broadcast %jit3A_411 : i32 to vector<1x192xi32>
    %rem3A_433 = arith.remsi %select_n3A_410, %rem3A_432 : vector<1x192xi32>
    %ne3A_434 = arith.constant 0 : i32
    %ne3A_435 = vector.broadcast %ne3A_434 : i32 to vector<1x192xi32>
    %ne3A_436 = arith.cmpi ne, %rem3A_433, %ne3A_435 : vector<1x192xi32>
    %and3A_437 = arith.andi %ne3A_431, %ne3A_436 : vector<1x192xi1>
    %sub3A_438 = arith.constant 1 : i32
    %sub3A_439 = vector.broadcast %sub3A_438 : i32 to vector<1x192xi32>
    %sub3A_440 = arith.subi %div3A_413, %sub3A_439 : vector<1x192xi32>
    %select_n3A_441 = arith.select %and3A_437, %sub3A_440, %div3A_413 : vector<1x192xi1>, vector<1x192xi32>
    %jit3A_442 = arith.constant 16 : i32
    %eq3A_443 = arith.constant 0 : i32
    %eq3A_444 = arith.cmpi eq, %jit3A_442, %eq3A_443 : i32
    %jit3A_445 = arith.constant 1 : i32
    %select_n3A_446 = arith.select %eq3A_444, %jit3A_445, %jit3A_442 : i32
    %rem3A_447 = vector.broadcast %select_n3A_446 : i32 to vector<1x192xi32>
    %rem3A_448 = arith.remsi %iota3A_357, %rem3A_447 : vector<1x192xi32>
    %ne3A_449 = arith.constant 0 : i32
    %ne3A_450 = vector.broadcast %ne3A_449 : i32 to vector<1x192xi32>
    %ne3A_451 = arith.cmpi ne, %rem3A_448, %ne3A_450 : vector<1x192xi32>
    %lt3A_452 = arith.constant 0 : i32
    %lt3A_453 = vector.broadcast %lt3A_452 : i32 to vector<1x192xi32>
    %lt3A_454 = arith.cmpi slt, %rem3A_448, %lt3A_453 : vector<1x192xi32>
    %lt3A_455 = arith.constant 0 : i32
    %lt3A_456 = arith.cmpi slt, %select_n3A_446, %lt3A_455 : i32
    %ne3A_457 = vector.broadcast %lt3A_456 : i1 to vector<1x192xi1>
    %ne3A_458 = vector.broadcast %ne3A_457 : vector<1x192xi1> to vector<1x192xi1>
    %ne3A_459 = arith.xori %lt3A_454, %ne3A_458 : vector<1x192xi1>
    %and3A_460 = arith.andi %ne3A_459, %ne3A_451 : vector<1x192xi1>
    %add3A_461 = vector.broadcast %select_n3A_446 : i32 to vector<1x192xi32>
    %add3A_462 = arith.addi %rem3A_448, %add3A_461 : vector<1x192xi32>
    %select_n3A_463 = arith.select %and3A_460, %add3A_462, %rem3A_448 : vector<1x192xi1>, vector<1x192xi32>
    %mul3A_464 = arith.constant 49152 : i32
    %mul3A_465 = arith.muli %arg0, %mul3A_464 : i32
    %mul3A_466 = arith.constant 16384 : i32
    %mul3A_467 = vector.broadcast %mul3A_466 : i32 to vector<1x192xi32>
    %mul3A_468 = arith.muli %select_n3A_441, %mul3A_467 : vector<1x192xi32>
    %add3A_469 = vector.broadcast %mul3A_465 : i32 to vector<1x192xi32>
    %add3A_470 = arith.addi %add3A_469, %mul3A_468 : vector<1x192xi32>
    %mul3A_471 = arith.constant 2 : i32
    %mul3A_472 = vector.broadcast %mul3A_471 : i32 to vector<171x1xi32>
    %mul3A_473 = arith.muli %mul3A_472, %select_n3A_334 : vector<171x1xi32>
    %jit3A_474 = arith.constant 2 : i32
    %div3A_475 = vector.broadcast %jit3A_474 : i32 to vector<1x192xi32>
    %div3A_476 = arith.divsi %select_n3A_388, %div3A_475 : vector<1x192xi32>
    %sign3A_477 = arith.constant 0 : i32
    %sign3A_478 = vector.broadcast %sign3A_477 : i32 to vector<1x192xi32>
    %sign3A_479 = arith.cmpi sgt, %select_n3A_388, %sign3A_478 : vector<1x192xi32>
    %sign3A_480 = arith.extui %sign3A_479 : vector<1x192xi1> to vector<1x192xi32>
    %sign3A_481 = arith.constant 0 : i32
    %sign3A_482 = vector.broadcast %sign3A_481 : i32 to vector<1x192xi32>
    %sign3A_483 = arith.cmpi slt, %select_n3A_388, %sign3A_482 : vector<1x192xi32>
    %sign3A_484 = arith.extui %sign3A_483 : vector<1x192xi1> to vector<1x192xi32>
    %sign3A_485 = arith.subi %sign3A_480, %sign3A_484 : vector<1x192xi32>
    %sign3A_486 = arith.constant 0 : i32
    %sign3A_487 = arith.cmpi sgt, %jit3A_474, %sign3A_486 : i32
    %sign3A_488 = arith.extui %sign3A_487 : i1 to i32
    %sign3A_489 = arith.constant 0 : i32
    %sign3A_490 = arith.cmpi slt, %jit3A_474, %sign3A_489 : i32
    %sign3A_491 = arith.extui %sign3A_490 : i1 to i32
    %sign3A_492 = arith.subi %sign3A_488, %sign3A_491 : i32
    %ne3A_493 = vector.broadcast %sign3A_492 : i32 to vector<1x192xi32>
    %ne3A_494 = arith.cmpi ne, %sign3A_485, %ne3A_493 : vector<1x192xi32>
    %rem3A_495 = vector.broadcast %jit3A_474 : i32 to vector<1x192xi32>
    %rem3A_496 = arith.remsi %select_n3A_388, %rem3A_495 : vector<1x192xi32>
    %ne3A_497 = arith.constant 0 : i32
    %ne3A_498 = vector.broadcast %ne3A_497 : i32 to vector<1x192xi32>
    %ne3A_499 = arith.cmpi ne, %rem3A_496, %ne3A_498 : vector<1x192xi32>
    %and3A_500 = arith.andi %ne3A_494, %ne3A_499 : vector<1x192xi1>
    %sub3A_501 = arith.constant 1 : i32
    %sub3A_502 = vector.broadcast %sub3A_501 : i32 to vector<1x192xi32>
    %sub3A_503 = arith.subi %div3A_476, %sub3A_502 : vector<1x192xi32>
    %select_n3A_504 = arith.select %and3A_500, %sub3A_503, %div3A_476 : vector<1x192xi1>, vector<1x192xi32>
    %add3A_505 = vector.broadcast %mul3A_473 : vector<171x1xi32> to vector<171x192xi32>
    %add3A_506 = vector.broadcast %select_n3A_504 : vector<1x192xi32> to vector<171x192xi32>
    %add3A_507 = arith.addi %add3A_505, %add3A_506 : vector<171x192xi32>
    %mul3A_508 = arith.constant 512 : i32
    %mul3A_509 = vector.broadcast %mul3A_508 : i32 to vector<171x192xi32>
    %mul3A_510 = arith.muli %add3A_507, %mul3A_509 : vector<171x192xi32>
    %add3A_511 = vector.broadcast %add3A_470 : vector<1x192xi32> to vector<171x192xi32>
    %add3A_512 = arith.addi %add3A_511, %mul3A_510 : vector<171x192xi32>
    %mul3A_513 = arith.constant 32 : i32
    %mul3A_514 = vector.broadcast %mul3A_513 : i32 to vector<1x192xi32>
    %mul3A_515 = arith.muli %select_n3A_463, %mul3A_514 : vector<1x192xi32>
    %add3A_516 = vector.broadcast %mul3A_515 : vector<1x192xi32> to vector<171x192xi32>
    %add3A_517 = arith.addi %add3A_512, %add3A_516 : vector<171x192xi32>
    %mul3A_518 = arith.constant 2 : i32
    %mul3A_519 = vector.broadcast %mul3A_518 : i32 to vector<171x1xi32>
    %mul3A_520 = arith.muli %mul3A_519, %select_n3A_356 : vector<171x1xi32>
    %jit3A_521 = arith.constant 2 : i32
    %eq3A_522 = arith.constant 0 : i32
    %eq3A_523 = arith.cmpi eq, %jit3A_521, %eq3A_522 : i32
    %jit3A_524 = arith.constant 1 : i32
    %select_n3A_525 = arith.select %eq3A_523, %jit3A_524, %jit3A_521 : i32
    %rem3A_526 = vector.broadcast %select_n3A_525 : i32 to vector<1x192xi32>
    %rem3A_527 = arith.remsi %select_n3A_388, %rem3A_526 : vector<1x192xi32>
    %ne3A_528 = arith.constant 0 : i32
    %ne3A_529 = vector.broadcast %ne3A_528 : i32 to vector<1x192xi32>
    %ne3A_530 = arith.cmpi ne, %rem3A_527, %ne3A_529 : vector<1x192xi32>
    %lt3A_531 = arith.constant 0 : i32
    %lt3A_532 = vector.broadcast %lt3A_531 : i32 to vector<1x192xi32>
    %lt3A_533 = arith.cmpi slt, %rem3A_527, %lt3A_532 : vector<1x192xi32>
    %lt3A_534 = arith.constant 0 : i32
    %lt3A_535 = arith.cmpi slt, %select_n3A_525, %lt3A_534 : i32
    %ne3A_536 = vector.broadcast %lt3A_535 : i1 to vector<1x192xi1>
    %ne3A_537 = vector.broadcast %ne3A_536 : vector<1x192xi1> to vector<1x192xi1>
    %ne3A_538 = arith.xori %lt3A_533, %ne3A_537 : vector<1x192xi1>
    %and3A_539 = arith.andi %ne3A_538, %ne3A_530 : vector<1x192xi1>
    %add3A_540 = vector.broadcast %select_n3A_525 : i32 to vector<1x192xi32>
    %add3A_541 = arith.addi %rem3A_527, %add3A_540 : vector<1x192xi32>
    %select_n3A_542 = arith.select %and3A_539, %add3A_541, %rem3A_527 : vector<1x192xi1>, vector<1x192xi32>
    %add3A_543 = vector.broadcast %mul3A_520 : vector<171x1xi32> to vector<171x192xi32>
    %add3A_544 = vector.broadcast %select_n3A_542 : vector<1x192xi32> to vector<171x192xi32>
    %add3A_545 = arith.addi %add3A_543, %add3A_544 : vector<171x192xi32>
    %add3A_546 = arith.addi %add3A_517, %add3A_545 : vector<171x192xi32>
    %swap3A_547 = arith.constant 0 : index
    %swap3A_548 = arith.constant 0 : index
    %swap3A_549 = arith.constant 0 : index
    %swap3A_550 = vector.load %arg4[%swap3A_547, %swap3A_548, %swap3A_549] : memref<1x171x192xi32, #tpu.memory_space<vmem>>, vector<1x171x192xi32>
    %swap3A_551 = vector.shape_cast %swap3A_550 : vector<1x171x192xi32> to vector<171x192xi32>
    %swap3A_552 = vector.shape_cast %add3A_546 : vector<171x192xi32> to vector<1x171x192xi32>
    tpu.vector_store %arg4[%swap3A_547, %swap3A_548, %swap3A_549], %swap3A_552 {strides = array<i32>} : memref<1x171x192xi32, #tpu.memory_space<vmem>>, vector<1x171x192xi32>,
    %mul3A_553 = arith.constant 12288 : i32
    %mul3A_554 = arith.muli %arg0, %mul3A_553 : i32
    %mul3A_555 = arith.constant 4096 : i32
    %mul3A_556 = vector.broadcast %mul3A_555 : i32 to vector<1x48xi32>
    %mul3A_557 = arith.muli %select_n3A_203, %mul3A_556 : vector<1x48xi32>
    %add3A_558 = vector.broadcast %mul3A_554 : i32 to vector<1x48xi32>
    %add3A_559 = arith.addi %add3A_558, %mul3A_557 : vector<1x48xi32>
    %mul3A_560 = arith.constant 256 : i32
    %mul3A_561 = vector.broadcast %mul3A_560 : i32 to vector<171x1xi32>
    %mul3A_562 = arith.muli %select_n3A_334, %mul3A_561 : vector<171x1xi32>
    %add3A_563 = vector.broadcast %add3A_559 : vector<1x48xi32> to vector<171x48xi32>
    %add3A_564 = vector.broadcast %mul3A_562 : vector<171x1xi32> to vector<171x48xi32>
    %add3A_565 = arith.addi %add3A_563, %add3A_564 : vector<171x48xi32>
    %mul3A_566 = arith.constant 16 : i32
    %mul3A_567 = vector.broadcast %mul3A_566 : i32 to vector<1x48xi32>
    %mul3A_568 = arith.muli %select_n3A_225, %mul3A_567 : vector<1x48xi32>
    %add3A_569 = vector.broadcast %mul3A_568 : vector<1x48xi32> to vector<171x48xi32>
    %add3A_570 = arith.addi %add3A_565, %add3A_569 : vector<171x48xi32>
    %add3A_571 = vector.broadcast %select_n3A_356 : vector<171x1xi32> to vector<171x48xi32>
    %add3A_572 = arith.addi %add3A_570, %add3A_571 : vector<171x48xi32>
    %swap3A_573 = arith.constant 0 : index
    %swap3A_574 = arith.constant 0 : index
    %swap3A_575 = arith.constant 0 : index
    %swap3A_576 = vector.load %arg5[%swap3A_573, %swap3A_574, %swap3A_575] : memref<1x171x48xi32, #tpu.memory_space<vmem>>, vector<1x171x48xi32>
    %swap3A_577 = vector.shape_cast %swap3A_576 : vector<1x171x48xi32> to vector<171x48xi32>
    %swap3A_578 = vector.shape_cast %add3A_572 : vector<171x48xi32> to vector<1x171x48xi32>
    tpu.vector_store %arg5[%swap3A_573, %swap3A_574, %swap3A_575], %swap3A_578 {strides = array<i32>} : memref<1x171x48xi32, #tpu.memory_space<vmem>>, vector<1x171x48xi32>,
    %iota3A_579 = tpu.iota {dimensions = array<i32: 1>} : vector<1x512xi32>
    %eq3A_580 = arith.constant 0 : i32
    %eq3A_581 = vector.broadcast %eq3A_580 : i32 to vector<1x512xi32>
    %eq3A_582 = arith.cmpi eq, %iota3A_579, %eq3A_581 : vector<1x512xi32>
    %le3A_583 = arith.constant 340 : i32
    %le3A_584 = vector.broadcast %le3A_583 : i32 to vector<1x512xi32>
    %le3A_585 = arith.cmpi sle, %iota3A_579, %le3A_584 : vector<1x512xi32>
    %jit3A_586 = arith.constant 1.000000e+00 : f32
    %jit3A_587 = arith.constant 2.000000e+00 : f32
    %broadcast_in_dim3A_588 = vector.broadcast %jit3A_586 : f32 to vector<1x512xf32>
    %broadcast_in_dim3A_589 = vector.broadcast %jit3A_587 : f32 to vector<1x512xf32>
    %select_n3A_590 = arith.select %le3A_585, %broadcast_in_dim3A_588, %broadcast_in_dim3A_589 : vector<1x512xi1>, vector<1x512xf32>
    %jit3A_591 = arith.constant -1.000000e+00 : f32
    %broadcast_in_dim3A_592 = vector.broadcast %jit3A_591 : f32 to vector<1x512xf32>
    %select_n3A_593 = arith.select %eq3A_582, %broadcast_in_dim3A_592, %select_n3A_590 : vector<1x512xi1>, vector<1x512xf32>
    %swap3A_594 = arith.constant 0 : index
    %swap3A_595 = arith.constant 0 : index
    %swap3A_596 = arith.constant 0 : index
    %swap3A_597 = vector.load %arg6[%swap3A_594, %swap3A_595, %swap3A_596] : memref<1x1x512xf32, #tpu.memory_space<vmem>>, vector<1x1x512xf32>
    %swap3A_598 = vector.shape_cast %swap3A_597 : vector<1x1x512xf32> to vector<1x512xf32>
    %swap3A_599 = vector.shape_cast %select_n3A_593 : vector<1x512xf32> to vector<1x1x512xf32>
    tpu.vector_store %arg6[%swap3A_594, %swap3A_595, %swap3A_596], %swap3A_599 {strides = array<i32>} : memref<1x1x512xf32, #tpu.memory_space<vmem>>, vector<1x1x512xf32>,
    return
  }
  func.func @transform_0(%arg0: i32) -> (i32, i32, i32) {
    %c0_i32 = arith.constant 0 : i32
    %c0_i32_0 = arith.constant 0 : i32
    %c0_i32_1 = arith.constant 0 : i32
    return %arg0, %c0_i32, %c0_i32_0 : i32, i32, i32
  }
  func.func @transform_1(%arg0: i32) -> (i32, i32, i32) {
    %c0_i32 = arith.constant 0 : i32
    %c0_i32_0 = arith.constant 0 : i32
    %c0_i32_1 = arith.constant 0 : i32
    return %arg0, %c0_i32, %c0_i32_0 : i32, i32, i32
  }
  func.func @transform_2(%arg0: i32) -> (i32, i32, i32) {
    %c0_i32 = arith.constant 0 : i32
    %c0_i32_0 = arith.constant 0 : i32
    %c0_i32_1 = arith.constant 0 : i32
    return %arg0, %c0_i32, %c0_i32_0 : i32, i32, i32
  }
  func.func @transform_3(%arg0: i32) -> (i32, i32, i32) {
    %c0_i32 = arith.constant 0 : i32
    %c0_i32_0 = arith.constant 0 : i32
    %c0_i32_1 = arith.constant 0 : i32
    return %arg0, %c0_i32, %c0_i32_0 : i32, i32, i32
  }
  func.func @transform_4(%arg0: i32) -> (i32, i32, i32) {
    %c0_i32 = arith.constant 0 : i32
    %c0_i32_0 = arith.constant 0 : i32
    %c0_i32_1 = arith.constant 0 : i32
    return %arg0, %c0_i32, %c0_i32_0 : i32, i32, i32
  }
  func.func @transform_5(%arg0: i32) -> (i32, i32, i32) {
    %c0_i32 = arith.constant 0 : i32
    %c0_i32_0 = arith.constant 0 : i32
    %c0_i32_1 = arith.constant 0 : i32
    return %arg0, %c0_i32, %c0_i32_0 : i32, i32, i32
  }
}

</mosaic_0001>

<sc_bundles>
// kernel: kernel.6.cloned.1.call-start
scs
__scs_entry_jumppad:
0x0: {  	(pc) =	sbr.rel $0x88, $3  }
0x1: {  	(tag) =	ssettag $0x0;
	lr =	simm.s32 $0x1  }
0x2: {  	[smem:$0x3FA0] =	sst lr;
	_ =	strace $0xD0000000  }
0x3: {  	_ = 	snop  }
0x4: {  	_ = 	snop  }
0x5: {  	_ = 	snop  }
0x6: {  	_ = 	snop  }
0x7: {  	_ = 	snop  }
__scs_overlays_trampoline_lowered:
0x8: {  	[smem:$0x3FAF] =	sst s0  }
0x9: {  	[smem:$0x3FB0] =	sst s1  }
0xa: {  	[smem:$0x3FB1] =	sst s2  }
0xb: {  	[smem:$0x3FB2] =	sst s3  }
0xc: {  	[smem:$0x3FB3] =	sst s4  }
0xd: {  	[smem:$0x3FB4] =	sst s5  }
0xe: {  	[smem:$0x3FB5] =	sst s6  }
0xf: {  	[smem:$0x3FB6] =	sst s7  }
0x10: {  	[smem:$0x3FB7] =	sst s8  }
0x11: {  	[smem:$0x3FB8] =	sst s9;
	s0 =	simm.s32 @!p0 $0x0  }
0x12: {  	s1 =	sld [smem:$0x3F9E];
	s0 =	simm.s32 @p0 $0x1  }
0x13: {  	[smem:$0x3FB9] =	sst s0;
	s0 =	simm.s32 @!p1 $0x0  }
0x14: {  	s2 =	sld [smem:$0x3F9D];
	s0 =	simm.s32 @p1 $0x1  }
0x15: {  	[smem:$0x3FBA] =	sst s0;
	s0 =	simm.s32 @!p2 $0x0  }
0x16: {  	s3 =	sld [smem:$0x3FDB];
	s0 =	simm.s32 @p2 $0x1  }
0x17: {  	s4 =	simm.s32 $0x1BF5;
	[smem:$0x3FBC] =	sst s0  }
0x18: {  	s0 =	sld [smem:$0x3F9F];
	_ =	swait.ge [sflag:s4], $0x0  }
0x19: {  	s7 =	sld [smem:$0x3FA0]  }
0x1a: {  	s8 =	sadd.s32 $0xFFFFE003, lr  }
0x1b: {  	s9 =	sadd.s32 $0xFFFFFEF7, lr;
	s5 =	simm.s32 $0xFFFFFFFF;
	p2 =	slt.u32 s8, $0xFFFFF086  }
0x1c: {  	p1 =	slt.u32 s9, $0xF7A;
	s5 =	simm.s32 @!p2 $0x0  }
0x1d: {  	s5 =	simm.s32 @p1 $0x1;
	p0 =	seq.s32 s7, s2  }
0x1e: {  	s7 =	smul.u32 @!p0 $0xF7A, s2;
	p2 =	seq.s32 @!p0 s5, $0x0  }
0x1f: {  	s9 =	smul.u32 $0xF7A, s1;
	s8 =	simm.s32 @!p0 $0x1BF5;
	p2 =	por !p2, p0  }
0x20: {  	[sflag:s8] =	ssyncset.s32 @!p0 $0xFFFFF086;
	s6 =	sadd.s32 @!p0 s3, s7;
	s7 =	simm.s32 @!p0 $0x108  }
0x21: {  	s3 =	sadd.s32 s3, s9;
	s6 =	sadd.s32 @!p0 $0x88, s6;
	s7 =	simm.s32 @p2 $0x1082  }
0x22: {  	[simem:s7], [sflag:s8] =	dma.local @!p0 [hbm:s6], $0xF7A  }
0x23: {  	s9 =	sor.u32 $0xD0000000, s2;
	s6 =	simm.s32 $0x108;
	_ =	swait.ge @!p0 [sflag:s8], $0x0  }
0x24: {  	s3 =	sadd.s32 $0x88, s3;
	s6 =	simm.s32 @!p1 $0x1082;
	[sflag:s4] =	ssyncset.s32 $0xFFFFF086  }
0x25: {  	[simem:s6], [sflag:s4] =	dma.local [hbm:s3], $0xF7A  }
0x26: {  	[smem:$0x3FA0] =	sst s1;
	(tag) =	ssettag s2;
	_ =	strace s9  }
0x27: {  	s1 =	sld [smem:$0x3FB0]  }
0x28: {  	s2 =	sld [smem:$0x3FB1]  }
0x29: {  	s4 =	sld [smem:$0x3FB3]  }
0x2a: {  	p0 =	seq.s32 s5, $0x0;
	s5 =	sld [smem:$0x3FB4]  }
0x2b: {  	s6 =	sld [smem:$0x3FB5]  }
0x2c: {  	s7 =	sld [smem:$0x3FB6]  }
0x2d: {  	s3 =	simm.s32 $0x108;
	s8 =	sld [smem:$0x3FB7]  }
0x2e: {  	s3 =	simm.s32 @!p0 $0x1082;
	s9 =	sld [smem:$0x3FB8]  }
0x2f: {  	lr =	sadd.s32 s0, s3;
	s0 =	sld [smem:$0x3FAF]  }
0x30: {  	s3 =	sld [smem:$0x3FB2]  }
0x31: {  	[smem:$0x3FBB] =	sst s10  }
0x32: {  	s10 =	sld [smem:$0x3FB9];
	_ =	sdelay $0x3  }
0x33: {  	p0 =	seq.s32 s10, $0x1;
	s10 =	sld [smem:$0x3FBB];
	_ =	sdelay $0x3  }
0x34: {  	[smem:$0x3FBB] =	sst s10  }
0x35: {  	s10 =	sld [smem:$0x3FBA];
	_ =	sdelay $0x3  }
0x36: {  	p1 =	seq.s32 s10, $0x1;
	s10 =	sld [smem:$0x3FBB];
	_ =	sdelay $0x3  }
0x37: {  	[smem:$0x3FBB] =	sst s10  }
0x38: {  	s10 =	sld [smem:$0x3FBC]  }
0x39: {  	_ = 	snop;
	(pc) =	sbr.ind lr, $3  }
0x3a: {  	_ = 	snop  }
0x3b: {  	_ = 	snop  }
0x3c: {  	p2 =	seq.s32 s10, $0x1;
	s10 =	sld [smem:$0x3FBB]  }
0x3d: {  	_ =	shalt  }
0x3e: {  	_ =	shalt  }
0x3f: {  	_ =	shalt  }
0x40: {  	_ =	shalt  }
0x41: {  	_ =	shalt  }
0x42: {  	_ =	shalt  }
0x43: {  	_ =	shalt  }
0x44: {  	_ =	shalt  }
0x45: {  	_ =	shalt  }
0x46: {  	_ =	shalt  }
0x47: {  	_ =	shalt  }
0x48: {  	_ =	shalt  }
0x49: {  	_ =	shalt  }
0x4a: {  	_ =	shalt  }
0x4b: {  	_ =	shalt  }
0x4c: {  	_ =	shalt  }
0x4d: {  	_ =	shalt  }
0x4e: {  	_ =	shalt  }
0x4f: {  	_ =	shalt  }
0x50: {  	_ =	shalt  }
0x51: {  	_ =	shalt  }
0x52: {  	_ =	shalt  }
0x53: {  	_ =	shalt  }
0x54: {  	_ =	shalt  }
0x55: {  	_ =	shalt  }
0x56: {  	_ =	shalt  }
0x57: {  	_ =	shalt  }
0x58: {  	_ =	shalt  }
0x59: {  	_ =	shalt  }
0x5a: {  	_ =	shalt  }
0x5b: {  	_ =	shalt  }
0x5c: {  	_ =	shalt  }
0x5d: {  	_ =	shalt  }
0x5e: {  	_ =	shalt  }
0x5f: {  	_ =	shalt  }
0x60: {  	_ =	shalt  }
0x61: {  	_ =	shalt  }
0x62: {  	_ =	shalt  }
0x63: {  	_ =	shalt  }
0x64: {  	_ =	shalt  }
0x65: {  	_ =	shalt  }
0x66: {  	_ =	shalt  }
0x67: {  	_ =	shalt  }
0x68: {  	_ =	shalt  }
0x69: {  	_ =	shalt  }
0x6a: {  	_ =	shalt  }
0x6b: {  	_ =	shalt  }
0x6c: {  	_ =	shalt  }
0x6d: {  	_ =	shalt  }
0x6e: {  	_ =	shalt  }
0x6f: {  	_ =	shalt  }
0x70: {  	_ =	shalt  }
0x71: {  	_ =	shalt  }
0x72: {  	_ =	shalt  }
0x73: {  	_ =	shalt  }
0x74: {  	_ =	shalt  }
0x75: {  	_ =	shalt  }
0x76: {  	_ =	shalt  }
0x77: {  	_ =	shalt  }
0x78: {  	_ =	shalt  }
0x79: {  	_ =	shalt  }
0x7a: {  	_ =	shalt  }
0x7b: {  	_ =	shalt  }
0x7c: {  	_ =	shalt  }
0x7d: {  	_ =	shalt  }
0x7e: {  	_ =	shalt  }
0x7f: {  	_ =	shalt  }
0x80: {  	_ =	shalt  }
0x81: {  	_ =	shalt  }
0x82: {  	_ =	shalt  }
0x83: {  	_ =	shalt  }
0x84: {  	_ =	shalt  }
0x85: {  	_ =	shalt  }
0x86: {  	_ =	shalt  }
0x87: {  	_ =	shalt  }
.Lfunc_end0:
.L_simem_size_0:
called_computation.2_lowered:
.L_overlay_start_0:
0x88: {  	s2 =	sld [smem:$0x3FD9]  }
0x89: {  	s3 =	sld [smem:$0x3FFE];
	_ =	sdelay $0x1  }
0x8a: {  	s1 =	srdreg.scid  }
0x8b: {  	s0 =	sand.u32 $0x1, s1  }
0x8c: {  	s14 =	sshll.u32 s0, $0xA;
	s2 =	sadd.s32 s3, s2  }
0x8d: {  	s2 =	sadd.s32 s2, s14  }
0x8e: {  	[smem:$0x3FC7] =	sst s2  }
0x8f: {  	_ = 	snop  }
0x90: {  	s2 =	sld [smem:$0x3FD0];
	_ =	sdelay $0x2  }
0x91: {  	s15 =	simm.s32 $0xA;
	s4 =	simm.s32 $0x10  }
0x92: {  	[smem:s4], [sflag:s15] =	dma.local [hbm:s2], $0x1  }
0x93: {  	_ =	swait.eq [sflag:s15], $0x1  }
0x94: {  	s16 =	sld [smem:$0x10];
	[sflag:s15] =	ssyncset.done $0x0  }
0x95: {  	s17 =	sld [smem:$0x11];
	[sflag:s15] =	ssyncadd.s32 $0xFFFFFFFF  }
0x96: {  	s18 =	sld [smem:$0x12];
	(tm) =	ssettm $0x1  }
0x97: {  	s5 =	sld [smem:$0x3FFB];
	_ =	sdelay $0x3  }
0x98: {  	_ =	strace s5  }
0x99: {  	s5 =	sld [smem:$0x3FFC];
	_ =	sdelay $0x3  }
0x9a: {  	_ =	strace s5  }
0x9b: {  	s5 =	sld [smem:$0x3FFD];
	_ =	sdelay $0x3  }
0x9c: {  	_ =	strace s5  }
0x9d: {  	_ =	strace $0x8FFFFFFF  }
0x9e: {  	s19 =	sld [smem:$0x3FDB];
	_ =	sdelay $0x1  }
0x9f: {  	s6 =	simm.s32 $_scs_section_size  }
0xa0: {  	s7 =	simm.s32 $_size__tile_overlayer_lowered;
	s8 =	simm.s32 $_tile_overlayer_lowered  }
0xa1: {  	s22 =	simm.s32 $0x1BFF;
	s21 =	sshll.u32 s8, $0x1;
	s5 =	sadd.s32 s6, s19  }
0xa2: {  	s9 =	simm.s32 $0x0;
	s20 =	sshll.u32 s7, $0x1;
	s7 =	sadd.s32 s21, s5  }
0xa3: {  	[timem:s9], [sflag:s22] =	dma.local [hbm:s7], s20  }
0xa4: {  	_ =	swait.ge [sflag:s22], s20  }
0xa5: {  	s6 =	ssub.s32 $0x0, s20;
	[sflag:s22] =	ssyncset.done $0x0  }
0xa6: {  	[sflag:s22] =	ssyncadd.s32 s6;
	_ =	sdelay $0x1  }
0xa7: {  	s23 =	simm.s32 $0x1B8B  }
0xa8: {  	_ =	swait.ge [sflag:s23], $0x1  }
0xa9: {  	[sflag:s23] =	ssyncset.done $0x0  }
0xaa: {  	s25 =	simm.s32 $0x1B8E;
	s24 =	sld [smem:$0x3FFE];
	[sflag:s23] =	ssyncadd.s32 $0xFFFFFFFF  }
0xab: {  	s26 =	simm.s32 $execute0_lowered;
	[smem:$0x3FD2] =	sst s25  }
0xac: {  	s7 =	sshll.u32 s26, $0x1;
	_ =	strace $0x80000049;
	[dreg:$0x1] =	wrdreg $0xFFFFFFFF  }
0xad: {  	s28 =	simm.s32 $_size_execute0_lowered;
	s5 =	sadd.s32 s5, s7;
	[dreg:$0x0] =	wrdreg $0x0  }
0xae: {  	s7 =	sshll.u32 s28, $0x1;
	[dreg:$0x2] =	wrdreg s5  }
0xaf: {  	[dreg:$0x3] =	wrdreg s7  }
0xb0: {  	[dreg:$0x4] =	wrdreg $0xC0  }
0xb1: {  	_ =	task [dreg:s9], $0x5FFFF  }
0xb2: {  	[dreg:$0x1] =	wrdreg $0xFFFFFFFF  }
0xb3: {  	[dreg:$0x0] =	wrdreg $0x60  }
0xb4: {  	[dreg:$0x2] =	wrdreg s24  }
0xb5: {  	[dreg:$0x3] =	wrdreg s16  }
0xb6: {  	[dreg:$0x4] =	wrdreg s18  }
0xb7: {  	[dreg:$0x5] =	wrdreg s17  }
0xb8: {  	[dreg:$0x6] =	wrdreg $0x9  }
0xb9: {  	_ =	task.clear_ibuf [dreg:s9], $0x7FFFF;
	_ =	strace $0x90000049  }
0xba: {  	s29 =	simm.s32 $0x9;
	_ =	strace $0x8000004B  }
0xbb: {  	_ =	swait.ge [sflag:s29], $0x1  }
0xbc: {  	[sflag:s29] =	ssyncadd.s32 $0xFFFFFFFF  }
0xbd: {  	_ =	strace $0x9000004B  }
0xbe: {  	_ =	sfence  }
0xbf: {  	s30 =	sld [smem:$0x0];
	_ =	sdelay $0x2  }
0xc0: {  	s31 =	sshll.u32 s1, $0xD;
	s1 =	sshrl.u32 s1, $0x2  }
0xc1: {  	s3 =	sand.u32 $0x4000, s31;
	s1 =	sadd.s32 s1, s30  }
0xc2: {  	s0 =	sor.u32 s3, s0;
	s1 =	sshll.u32 s1, $0x11  }
0xc3: {  	s0 =	sor.u32 s1, s0  }
0xc4: {  	s0 =	sadd.s32 $0x8F2B, s0  }
0xc5: {  	[sflag:s0] =	ssyncadd.remote.s32 $0x1  }
0xc6: {  	_ =	sfence.sel $0xFFFF  }
0xc7: {  	[dreg:$0x0] =	wrdreg $0xFFFFFFFF;
	(pc) =	sbr.abs _section_cstart, $3  }
0xc8: {  	[dreg:$0x1] =	wrdreg $0xFFFFFFFF  }
0xc9: {  	_ =	task.clear_ibuf [dreg:s9], $0x2FFFF;
	_ =	strace $0x9FFFFFFF  }
0xca: {  	(tm) =	ssettm $0x7FFFFFFF  }
0xcb: {  	_ =	shalt  }
tec
execute0_lowered:
.L_overlay_start_1:
0x0: {  	(tag) =	ssettag $0x1  }
0x1: {  	s5 =	rddreg [dreg:$0x0]  }
0x2: {  	s6 =	rddreg [dreg:$0x1]  }
0x3: {  	s10 =	rddreg [dreg:$0x2]  }
0x4: {  	s11 =	rddreg [dreg:$0x3]  }
0x5: {  	s0 =	rddreg [dreg:$0x4];
	s1 =	simm.s32 $0x0;
	s2 =	srdreg.scid  }
0x6: {  	[smem:$0x7FF] =	sst s1;
	s8 =	sand.u32 $0x1, s2;
	s3 =	sadd.s32 $0x1000, s5  }
0x7: {  	s2 =	stileid.u32;
	s4 =	sadd.s32 $0x199200, s5;
	_ =	strace $0x8000004A  }
0x8: {  	s7 =	ssub.s32 $0x2, s8;
	s9 =	sshll.u32 s2, $0x8;
	s28 =	sshll.u32 s2, $0x1  }
0x9: {  	s29 =	sshll.u32 s8, $0x7;
	s13 =	sshll.u32 s2, $0xC;
	s15 =	sshll.u32 s8, $0xB  }
0xa: {  	s12 =	sshrl.u32 s7, $0x1;
	s9 =	sadd.s32 s9, s5;
	s30 =	sadd.s32 s13, s6  }
0xb: {  	s8 =	sor.u32 s8, s28;
	s10 =	sadd.s32 s13, s10;
	s31 =	sadd.s32 s13, s11  }
0xc: {  	s26 =	ssub.s32 s7, s12;
	s14 =	sadd.s32 s29, s9;
	s7 =	sadd.s32 s15, s30  }
0xd: {  	s10 =	sadd.s32 s15, s10;
	s12 =	sadd.s32 s15, s31;
	s6 =	sadd.s32 $0x191200, s14  }
0xe: {  	s5 =	smax.u32 s26, $0x1;
	s9 =	sadd.s32 $0x181000, s14;
	s11 =	sadd.s32 $0x1F9200, s14  }
.LBB2_1:
0xf: {  	s13 =	sadd.s32 $0x0, s8  }
0x10: {  	p0 =	sgt.u32 s13, $0xFE  }
0x11: {  	s13 =	simm.s32 @!p0 $0x0;
	s14 =	simm.s32 @!p0 $0x3  }
0x12: {  	[tilespmem:s13], [sflag:$0x3] =	stream.linear.gather @!p0 [hbm4b:s6+s13], $0x400, $0x38;
	[tilespmem:$0x4400] =	vst v63  }
0x13: {  	_ =	swait.ge @!p0 [sflag:s14], $0x400  }
0x14: {  	[sflag:s14] =	ssyncset.done @!p0 $0x0;
	p0 =	por p0, p0  }
0x15: {  	[sflag:s14] =	ssyncadd.s32 @!p0 $0xFFFFFC00;
	s14 =	simm.s32 @!p0 $0x80;
	s15 =	simm.s32 @!p0 $0x400  }
0x16: {  	[tilespmem:s15], [sflag:$0x1] =	stream.indirect.gather @!p0 [hbm4b:s3+s14], $0x10, s13, s14, $0xb8;
	[tilespmem:$0x4400] =	vst v63  }
0x17: {  	s16 =	simm.s32 @!p0 $0xC00  }
0x18: {  	[tilespmem:s16], [sflag:$0x1] =	stream.indirect.gather @!p0 [hbm4b:s3+s14], $0x10, s14, s14, $0xb8;
	[tilespmem:$0x4400] =	vst v63  }
0x19: {  	s17 =	simm.s32 @!p0 $0x1400;
	s16 =	simm.s32 @!p0 $0x100  }
0x1a: {  	[tilespmem:s17], [sflag:$0x1] =	stream.indirect.gather @!p0 [hbm4b:s3+s14], $0x10, s16, s14, $0xb8;
	[tilespmem:$0x4400] =	vst v63  }
0x1b: {  	s16 =	simm.s32 @!p0 $0x180;
	s17 =	simm.s32 @!p0 $0x1C00  }
0x1c: {  	[tilespmem:s17], [sflag:$0x1] =	stream.indirect.gather @!p0 [hbm4b:s3+s14], $0x10, s16, s14, $0xb8;
	[tilespmem:$0x4400] =	vst v63  }
0x1d: {  	s16 =	simm.s32 @!p0 $0x200;
	s17 =	simm.s32 @!p0 $0x2400  }
0x1e: {  	[tilespmem:s17], [sflag:$0x1] =	stream.indirect.gather @!p0 [hbm4b:s3+s14], $0x10, s16, s14, $0xb8;
	[tilespmem:$0x4400] =	vst v63  }
0x1f: {  	s16 =	simm.s32 @!p0 $0x280;
	s17 =	simm.s32 @!p0 $0x2C00  }
0x20: {  	[tilespmem:s17], [sflag:$0x1] =	stream.indirect.gather @!p0 [hbm4b:s3+s14], $0x10, s16, s14, $0xb8;
	[tilespmem:$0x4400] =	vst v63  }
0x21: {  	s16 =	simm.s32 @!p0 $0x300;
	s17 =	simm.s32 @!p0 $0x3400  }
0x22: {  	[tilespmem:s17], [sflag:$0x1] =	stream.indirect.gather @!p0 [hbm4b:s3+s14], $0x10, s16, s14, $0xb8;
	[tilespmem:$0x4400] =	vst v63  }
0x23: {  	s18 =	simm.s32 @!p0 $0x1;
	s16 =	simm.s32 @!p0 $0x380;
	s17 =	simm.s32 @!p0 $0x3C00  }
0x24: {  	[tilespmem:s17], [sflag:$0x1] =	stream.indirect.gather @!p0 [hbm4b:s3+s14], $0x10, s16, s14, $0xb8;
	[tilespmem:$0x4400] =	vst v63  }
0x25: {  	_ =	swait.ge @!p0 [sflag:s18], $0x800  }
0x26: {  	[sflag:s18] =	ssyncset.done @!p0 $0x0  }
0x27: {  	[sflag:s18] =	ssyncadd.s32 @!p0 $0xFFFFF800  }
0x28: {  	_ =	swait.ge @!p0 [sflag:s18], $0x800  }
0x29: {  	[sflag:s18] =	ssyncset.done @!p0 $0x0  }
0x2a: {  	[sflag:s18] =	ssyncadd.s32 @!p0 $0xFFFFF800  }
0x2b: {  	_ =	swait.ge @!p0 [sflag:s18], $0x800  }
0x2c: {  	[sflag:s18] =	ssyncset.done @!p0 $0x0  }
0x2d: {  	[sflag:s18] =	ssyncadd.s32 @!p0 $0xFFFFF800  }
0x2e: {  	_ =	swait.ge @!p0 [sflag:s18], $0x800  }
0x2f: {  	[sflag:s18] =	ssyncset.done @!p0 $0x0  }
0x30: {  	[sflag:s18] =	ssyncadd.s32 @!p0 $0xFFFFF800  }
0x31: {  	_ =	swait.ge @!p0 [sflag:s18], $0x800  }
0x32: {  	[sflag:s18] =	ssyncset.done @!p0 $0x0  }
0x33: {  	[sflag:s18] =	ssyncadd.s32 @!p0 $0xFFFFF800  }
0x34: {  	_ =	swait.ge @!p0 [sflag:s18], $0x800  }
0x35: {  	[sflag:s18] =	ssyncset.done @!p0 $0x0  }
0x36: {  	[sflag:s18] =	ssyncadd.s32 @!p0 $0xFFFFF800  }
0x37: {  	_ =	swait.ge @!p0 [sflag:s18], $0x800  }
0x38: {  	[sflag:s18] =	ssyncset.done @!p0 $0x0  }
0x39: {  	[sflag:s18] =	ssyncadd.s32 @!p0 $0xFFFFF800  }
0x3a: {  	_ =	swait.ge @!p0 [sflag:s18], $0x800  }
0x3b: {  	[sflag:s18] =	ssyncset.done @!p0 $0x0  }
0x3c: {  	s31 =	sadd.s32 $0x20, s8;
	s19 =	simm.s32 @!p0 $0x2;
	[sflag:s18] =	ssyncadd.s32 @!p0 $0xFFFFF800  }
0x3d: {  	[hbm4b:s7+s13] =	stream.linear.scatter @!p0 [tilespmem:s15], [sflag:$0x2], $0x4000, $0x38;
	[tilespmem:$0x4400] =	vst v63  }
0x3e: {  	p2 =	sgt.u32 s31, $0xFE;
	s14 =	simm.s32 $0x40;
	_ =	swait.ge @!p0 [sflag:s19], $0x4000  }
0x3f: {  	s13 =	sadd.s32 $0x10000, s7;
	s15 =	sadd.s32 $0x1000, s6;
	[sflag:s19] =	ssyncset.done @!p0 $0x0  }
.LBB2_2:
0x40: {  	s16 =	simm.s32 @!p2 $0x0;
	s18 =	simm.s32 @!p2 $0x3;
	[sflag:s19] =	ssyncadd.s32 @!p0 $0xFFFFC000  }
0x41: {  	[tilespmem:s16], [sflag:$0x3] =	stream.linear.gather @!p2 [hbm4b:s15+s16], $0x400, $0x38;
	[tilespmem:$0x4400] =	vst v63  }
0x42: {  	s17 =	smov.u32 s14;
	s14 =	sadd.s32 $0x20, s14;
	_ =	swait.ge @!p2 [sflag:s18], $0x400  }
0x43: {  	p0 =	por p2, p2;
	p1 =	sne.s32 s14, $0x100;
	[sflag:s18] =	ssyncset.done @!p2 $0x0  }
0x44: {  	s19 =	simm.s32 @!p0 $0x80;
	[sflag:s18] =	ssyncadd.s32 @!p0 $0xFFFFFC00;
	s18 =	simm.s32 @!p0 $0x400  }
0x45: {  	[tilespmem:s18], [sflag:$0x1] =	stream.indirect.gather @!p0 [hbm4b:s3+s19], $0x10, s16, s19, $0xb8;
	[tilespmem:$0x4400] =	vst v63  }
0x46: {  	s20 =	simm.s32 @!p0 $0xC00  }
0x47: {  	[tilespmem:s20], [sflag:$0x1] =	stream.indirect.gather @!p0 [hbm4b:s3+s19], $0x10, s19, s19, $0xb8;
	[tilespmem:$0x4400] =	vst v63  }
0x48: {  	s21 =	simm.s32 @!p0 $0x1400;
	s20 =	simm.s32 @!p0 $0x100  }
0x49: {  	[tilespmem:s21], [sflag:$0x1] =	stream.indirect.gather @!p0 [hbm4b:s3+s19], $0x10, s20, s19, $0xb8;
	[tilespmem:$0x4400] =	vst v63  }
0x4a: {  	s20 =	simm.s32 @!p0 $0x180;
	s21 =	simm.s32 @!p0 $0x1C00  }
0x4b: {  	[tilespmem:s21], [sflag:$0x1] =	stream.indirect.gather @!p0 [hbm4b:s3+s19], $0x10, s20, s19, $0xb8;
	[tilespmem:$0x4400] =	vst v63  }
0x4c: {  	s20 =	simm.s32 @!p0 $0x200;
	s21 =	simm.s32 @!p0 $0x2400  }
0x4d: {  	[tilespmem:s21], [sflag:$0x1] =	stream.indirect.gather @!p0 [hbm4b:s3+s19], $0x10, s20, s19, $0xb8;
	[tilespmem:$0x4400] =	vst v63  }
0x4e: {  	s20 =	simm.s32 @!p0 $0x280;
	s21 =	simm.s32 @!p0 $0x2C00  }
0x4f: {  	[tilespmem:s21], [sflag:$0x1] =	stream.indirect.gather @!p0 [hbm4b:s3+s19], $0x10, s20, s19, $0xb8;
	[tilespmem:$0x4400] =	vst v63  }
0x50: {  	s20 =	simm.s32 @!p0 $0x300;
	s21 =	simm.s32 @!p0 $0x3400  }
0x51: {  	[tilespmem:s21], [sflag:$0x1] =	stream.indirect.gather @!p0 [hbm4b:s3+s19], $0x10, s20, s19, $0xb8;
	[tilespmem:$0x4400] =	vst v63  }
0x52: {  	s22 =	simm.s32 @!p0 $0x1;
	s20 =	simm.s32 @!p0 $0x380;
	s21 =	simm.s32 @!p0 $0x3C00  }
0x53: {  	[tilespmem:s21], [sflag:$0x1] =	stream.indirect.gather @!p0 [hbm4b:s3+s19], $0x10, s20, s19, $0xb8;
	[tilespmem:$0x4400] =	vst v63  }
0x54: {  	_ =	swait.ge @!p0 [sflag:s22], $0x800  }
0x55: {  	[sflag:s22] =	ssyncset.done @!p0 $0x0  }
0x56: {  	[sflag:s22] =	ssyncadd.s32 @!p0 $0xFFFFF800  }
0x57: {  	_ =	swait.ge @!p0 [sflag:s22], $0x800  }
0x58: {  	[sflag:s22] =	ssyncset.done @!p0 $0x0  }
0x59: {  	[sflag:s22] =	ssyncadd.s32 @!p0 $0xFFFFF800  }
0x5a: {  	_ =	swait.ge @!p0 [sflag:s22], $0x800  }
0x5b: {  	[sflag:s22] =	ssyncset.done @!p0 $0x0  }
0x5c: {  	[sflag:s22] =	ssyncadd.s32 @!p0 $0xFFFFF800  }
0x5d: {  	_ =	swait.ge @!p0 [sflag:s22], $0x800  }
0x5e: {  	[sflag:s22] =	ssyncset.done @!p0 $0x0  }
0x5f: {  	[sflag:s22] =	ssyncadd.s32 @!p0 $0xFFFFF800  }
0x60: {  	_ =	swait.ge @!p0 [sflag:s22], $0x800  }
0x61: {  	[sflag:s22] =	ssyncset.done @!p0 $0x0  }
0x62: {  	[sflag:s22] =	ssyncadd.s32 @!p0 $0xFFFFF800  }
0x63: {  	_ =	swait.ge @!p0 [sflag:s22], $0x800  }
0x64: {  	[sflag:s22] =	ssyncset.done @!p0 $0x0  }
0x65: {  	[sflag:s22] =	ssyncadd.s32 @!p0 $0xFFFFF800  }
0x66: {  	_ =	swait.ge @!p0 [sflag:s22], $0x800  }
0x67: {  	[sflag:s22] =	ssyncset.done @!p0 $0x0  }
0x68: {  	[sflag:s22] =	ssyncadd.s32 @!p0 $0xFFFFF800  }
0x69: {  	_ =	swait.ge @!p0 [sflag:s22], $0x800  }
.Ltmp0:
0x6a: {  	[sflag:s22] =	ssyncset.done @!p0 $0x0;
	(pc) =	sbr.rel @p1 .LBB2_2-.Ltmp0, $4  }
0x6b: {  	s19 =	simm.s32 @!p0 $0x2;
	[sflag:s22] =	ssyncadd.s32 @!p0 $0xFFFFF800  }
0x6c: {  	[hbm4b:s13+s16] =	stream.linear.scatter @!p0 [tilespmem:s18], [sflag:$0x2], $0x4000, $0x38;
	[tilespmem:$0x4400] =	vst v63  }
0x6d: {  	s16 =	sadd.s32 s17, s8;
	s13 =	sadd.s32 $0x10000, s13;
	_ =	swait.ge @!p0 [sflag:s19], $0x4000  }
0x6e: {  	s15 =	sadd.s32 $0x1000, s15;
	p2 =	sgt.u32 s16, $0xFE;
	[sflag:s19] =	ssyncset.done @!p0 $0x0  }
0x6f: {  	s14 =	simm.s32 @!p2 $0x0;
	s16 =	simm.s32 @!p2 $0x3;
	[sflag:s19] =	ssyncadd.s32 @!p0 $0xFFFFC000  }
0x70: {  	[tilespmem:s14], [sflag:$0x3] =	stream.linear.gather @!p2 [hbm4b:s15+s14], $0x400, $0x38;
	[tilespmem:$0x4400] =	vst v63  }
0x71: {  	_ =	swait.ge @!p2 [sflag:s16], $0x400  }
0x72: {  	p0 =	por p2, p2;
	[sflag:s16] =	ssyncset.done @!p2 $0x0  }
0x73: {  	s15 =	simm.s32 @!p0 $0x80;
	[sflag:s16] =	ssyncadd.s32 @!p0 $0xFFFFFC00;
	s16 =	simm.s32 @!p0 $0x400  }
0x74: {  	[tilespmem:s16], [sflag:$0x1] =	stream.indirect.gather @!p0 [hbm4b:s3+s15], $0x10, s14, s15, $0xb8;
	[tilespmem:$0x4400] =	vst v63  }
0x75: {  	s17 =	simm.s32 @!p0 $0xC00  }
0x76: {  	[tilespmem:s17], [sflag:$0x1] =	stream.indirect.gather @!p0 [hbm4b:s3+s15], $0x10, s15, s15, $0xb8;
	[tilespmem:$0x4400] =	vst v63  }
0x77: {  	s18 =	simm.s32 @!p0 $0x1400;
	s17 =	simm.s32 @!p0 $0x100  }
0x78: {  	[tilespmem:s18], [sflag:$0x1] =	stream.indirect.gather @!p0 [hbm4b:s3+s15], $0x10, s17, s15, $0xb8;
	[tilespmem:$0x4400] =	vst v63  }
0x79: {  	s17 =	simm.s32 @!p0 $0x180;
	s18 =	simm.s32 @!p0 $0x1C00  }
0x7a: {  	[tilespmem:s18], [sflag:$0x1] =	stream.indirect.gather @!p0 [hbm4b:s3+s15], $0x10, s17, s15, $0xb8;
	[tilespmem:$0x4400] =	vst v63  }
0x7b: {  	s17 =	simm.s32 @!p0 $0x200;
	s18 =	simm.s32 @!p0 $0x2400  }
0x7c: {  	[tilespmem:s18], [sflag:$0x1] =	stream.indirect.gather @!p0 [hbm4b:s3+s15], $0x10, s17, s15, $0xb8;
	[tilespmem:$0x4400] =	vst v63  }
0x7d: {  	s17 =	simm.s32 @!p0 $0x280;
	s18 =	simm.s32 @!p0 $0x2C00  }
0x7e: {  	[tilespmem:s18], [sflag:$0x1] =	stream.indirect.gather @!p0 [hbm4b:s3+s15], $0x10, s17, s15, $0xb8;
	[tilespmem:$0x4400] =	vst v63  }
0x7f: {  	s17 =	simm.s32 @!p0 $0x300;
	s18 =	simm.s32 @!p0 $0x3400  }
0x80: {  	[tilespmem:s18], [sflag:$0x1] =	stream.indirect.gather @!p0 [hbm4b:s3+s15], $0x10, s17, s15, $0xb8;
	[tilespmem:$0x4400] =	vst v63  }
0x81: {  	s19 =	simm.s32 @!p0 $0x1;
	s17 =	simm.s32 @!p0 $0x380;
	s18 =	simm.s32 @!p0 $0x3C00  }
0x82: {  	[tilespmem:s18], [sflag:$0x1] =	stream.indirect.gather @!p0 [hbm4b:s3+s15], $0x10, s17, s15, $0xb8;
	[tilespmem:$0x4400] =	vst v63  }
0x83: {  	_ =	swait.ge @!p0 [sflag:s19], $0x800  }
0x84: {  	[sflag:s19] =	ssyncset.done @!p0 $0x0  }
0x85: {  	[sflag:s19] =	ssyncadd.s32 @!p0 $0xFFFFF800  }
0x86: {  	_ =	swait.ge @!p0 [sflag:s19], $0x800  }
0x87: {  	[sflag:s19] =	ssyncset.done @!p0 $0x0  }
0x88: {  	[sflag:s19] =	ssyncadd.s32 @!p0 $0xFFFFF800  }
0x89: {  	_ =	swait.ge @!p0 [sflag:s19], $0x800  }
0x8a: {  	[sflag:s19] =	ssyncset.done @!p0 $0x0  }
0x8b: {  	[sflag:s19] =	ssyncadd.s32 @!p0 $0xFFFFF800  }
0x8c: {  	_ =	swait.ge @!p0 [sflag:s19], $0x800  }
0x8d: {  	[sflag:s19] =	ssyncset.done @!p0 $0x0  }
0x8e: {  	[sflag:s19] =	ssyncadd.s32 @!p0 $0xFFFFF800  }
0x8f: {  	_ =	swait.ge @!p0 [sflag:s19], $0x800  }
0x90: {  	[sflag:s19] =	ssyncset.done @!p0 $0x0  }
0x91: {  	[sflag:s19] =	ssyncadd.s32 @!p0 $0xFFFFF800  }
0x92: {  	_ =	swait.ge @!p0 [sflag:s19], $0x800  }
0x93: {  	[sflag:s19] =	ssyncset.done @!p0 $0x0  }
0x94: {  	[sflag:s19] =	ssyncadd.s32 @!p0 $0xFFFFF800  }
0x95: {  	_ =	swait.ge @!p0 [sflag:s19], $0x800  }
0x96: {  	[sflag:s19] =	ssyncset.done @!p0 $0x0  }
0x97: {  	[sflag:s19] =	ssyncadd.s32 @!p0 $0xFFFFF800  }
0x98: {  	_ =	swait.ge @!p0 [sflag:s19], $0x800  }
0x99: {  	p1 =	por $0x1, $0x1;
	[sflag:s19] =	ssyncset.done @!p0 $0x0  }
.Ltmp1:
0x9a: {  	s15 =	simm.s32 @!p0 $0x2;
	[sflag:s19] =	ssyncadd.s32 @!p0 $0xFFFFF800;
	(pc) =	sbr.rel @!p1 .LBB2_4-.Ltmp1, $4  }
0x9b: {  	[hbm4b:s13+s14] =	stream.linear.scatter @!p0 [tilespmem:s16], [sflag:$0x2], $0x4000, $0x38;
	[tilespmem:$0x4400] =	vst v63  }
0x9c: {  	_ =	swait.ge @!p0 [sflag:s15], $0x4000  }
0x9d: {  	s13 =	sadd.s32 $0x0, s8;
	[sflag:s15] =	ssyncset.done @!p0 $0x0  }
0x9e: {  	p4 =	sgt.u32 s13, $0x200;
	[sflag:s15] =	ssyncadd.s32 @!p0 $0xFFFFC000;
	p0 =	por $0x0, $0x0  }
0x9f: {  	s14 =	simm.s32 @!p4 $0x0;
	s15 =	simm.s32 @!p4 $0x3  }
0xa0: {  	[tilespmem:s14], [sflag:$0x3] =	stream.linear.gather @!p4 [hbm4b:s9+s14], $0x400, $0x38;
	[tilespmem:$0x4400] =	vst v63  }
0xa1: {  	_ =	swait.ge @!p4 [sflag:s15], $0x400  }
0xa2: {  	p1 =	por p4, p4;
	[sflag:s15] =	ssyncset.done @!p4 $0x0  }
0xa3: {  	s17 =	simm.s32 @!p1 $0x400;
	[sflag:s15] =	ssyncadd.s32 @!p1 $0xFFFFFC00;
	s15 =	simm.s32 @!p1 $0x80  }
0xa4: {  	[tilespmem:s17], [sflag:$0x1] =	stream.indirect.gather @!p1 [hbm4b:s3+s15], $0x10, s14, s15, $0xb8;
	[tilespmem:$0x4400] =	vst v63  }
0xa5: {  	s16 =	simm.s32 @!p1 $0xC00  }
0xa6: {  	[tilespmem:s16], [sflag:$0x1] =	stream.indirect.gather @!p1 [hbm4b:s3+s15], $0x10, s15, s15, $0xb8;
	[tilespmem:$0x4400] =	vst v63  }
0xa7: {  	s18 =	simm.s32 @!p1 $0x1400;
	s16 =	simm.s32 @!p1 $0x100  }
0xa8: {  	[tilespmem:s18], [sflag:$0x1] =	stream.indirect.gather @!p1 [hbm4b:s3+s15], $0x10, s16, s15, $0xb8;
	[tilespmem:$0x4400] =	vst v63  }
0xa9: {  	s16 =	simm.s32 @!p1 $0x180;
	s18 =	simm.s32 @!p1 $0x1C00  }
0xaa: {  	[tilespmem:s18], [sflag:$0x1] =	stream.indirect.gather @!p1 [hbm4b:s3+s15], $0x10, s16, s15, $0xb8;
	[tilespmem:$0x4400] =	vst v63  }
0xab: {  	s16 =	simm.s32 @!p1 $0x200;
	s18 =	simm.s32 @!p1 $0x2400  }
0xac: {  	[tilespmem:s18], [sflag:$0x1] =	stream.indirect.gather @!p1 [hbm4b:s3+s15], $0x10, s16, s15, $0xb8;
	[tilespmem:$0x4400] =	vst v63  }
0xad: {  	s16 =	simm.s32 @!p1 $0x280;
	s18 =	simm.s32 @!p1 $0x2C00  }
0xae: {  	[tilespmem:s18], [sflag:$0x1] =	stream.indirect.gather @!p1 [hbm4b:s3+s15], $0x10, s16, s15, $0xb8;
	[tilespmem:$0x4400] =	vst v63  }
0xaf: {  	s16 =	simm.s32 @!p1 $0x300;
	s18 =	simm.s32 @!p1 $0x3400  }
0xb0: {  	[tilespmem:s18], [sflag:$0x1] =	stream.indirect.gather @!p1 [hbm4b:s3+s15], $0x10, s16, s15, $0xb8;
	[tilespmem:$0x4400] =	vst v63  }
0xb1: {  	s19 =	simm.s32 @!p1 $0x1;
	s16 =	simm.s32 @!p1 $0x380;
	s18 =	simm.s32 @!p1 $0x3C00  }
0xb2: {  	[tilespmem:s18], [sflag:$0x1] =	stream.indirect.gather @!p1 [hbm4b:s3+s15], $0x10, s16, s15, $0xb8;
	[tilespmem:$0x4400] =	vst v63  }
0xb3: {  	_ =	swait.ge @!p1 [sflag:s19], $0x800  }
0xb4: {  	[sflag:s19] =	ssyncset.done @!p1 $0x0  }
0xb5: {  	[sflag:s19] =	ssyncadd.s32 @!p1 $0xFFFFF800  }
0xb6: {  	_ =	swait.ge @!p1 [sflag:s19], $0x800  }
0xb7: {  	[sflag:s19] =	ssyncset.done @!p1 $0x0  }
0xb8: {  	[sflag:s19] =	ssyncadd.s32 @!p1 $0xFFFFF800  }
0xb9: {  	_ =	swait.ge @!p1 [sflag:s19], $0x800  }
0xba: {  	[sflag:s19] =	ssyncset.done @!p1 $0x0  }
0xbb: {  	[sflag:s19] =	ssyncadd.s32 @!p1 $0xFFFFF800  }
0xbc: {  	_ =	swait.ge @!p1 [sflag:s19], $0x800  }
0xbd: {  	[sflag:s19] =	ssyncset.done @!p1 $0x0  }
0xbe: {  	[sflag:s19] =	ssyncadd.s32 @!p1 $0xFFFFF800  }
0xbf: {  	_ =	swait.ge @!p1 [sflag:s19], $0x800  }
0xc0: {  	[sflag:s19] =	ssyncset.done @!p1 $0x0  }
0xc1: {  	[sflag:s19] =	ssyncadd.s32 @!p1 $0xFFFFF800  }
0xc2: {  	_ =	swait.ge @!p1 [sflag:s19], $0x800  }
0xc3: {  	[sflag:s19] =	ssyncset.done @!p1 $0x0  }
0xc4: {  	[sflag:s19] =	ssyncadd.s32 @!p1 $0xFFFFF800  }
0xc5: {  	_ =	swait.ge @!p1 [sflag:s19], $0x800  }
0xc6: {  	[sflag:s19] =	ssyncset.done @!p1 $0x0  }
0xc7: {  	[sflag:s19] =	ssyncadd.s32 @!p1 $0xFFFFF800  }
0xc8: {  	p3 =	por $0x1, $0x1;
	_ =	swait.ge @!p1 [sflag:s19], $0x800  }
.Ltmp2:
0xc9: {  	s31 =	sadd.s32 $0x20, s8;
	[sflag:s19] =	ssyncset.done @!p1 $0x0;
	(pc) =	sbr.rel @!p3 .LBB2_7-.Ltmp2, $4  }
0xca: {  	p2 =	por $0x1, $0x1;
	s20 =	simm.s32 @!p1 $0x2;
	[sflag:s19] =	ssyncadd.s32 @!p1 $0xFFFFF800  }
0xcb: {  	[hbm4b:s10+s14] =	stream.linear.scatter @!p1 [tilespmem:s17], [sflag:$0x2], $0x4000, $0x38;
	[tilespmem:$0x4400] =	vst v63  }
0xcc: {  	p4 =	sgt.u32 s31, $0x200;
	s16 =	simm.s32 $0x40;
	_ =	swait.ge @!p1 [sflag:s20], $0x4000  }
0xcd: {  	s15 =	sadd.s32 $0x1000, s9;
	s14 =	sadd.s32 $0x10000, s10;
	[sflag:s20] =	ssyncset.done @!p1 $0x0  }
.LBB2_6:
0xce: {  	s17 =	simm.s32 @!p4 $0x0;
	s19 =	simm.s32 @!p4 $0x3;
	[sflag:s20] =	ssyncadd.s32 @!p1 $0xFFFFC000  }
0xcf: {  	[tilespmem:s17], [sflag:$0x3] =	stream.linear.gather @!p4 [hbm4b:s15+s17], $0x400, $0x38;
	[tilespmem:$0x4400] =	vst v63  }
0xd0: {  	s18 =	smov.u32 s16;
	s16 =	sadd.s32 $0x20, s16;
	_ =	swait.ge @!p4 [sflag:s19], $0x400  }
0xd1: {  	p1 =	por p4, p4;
	p3 =	sne.s32 s16, $0x220;
	[sflag:s19] =	ssyncset.done @!p4 $0x0  }
0xd2: {  	s20 =	simm.s32 @!p1 $0x80;
	[sflag:s19] =	ssyncadd.s32 @!p1 $0xFFFFFC00;
	s19 =	simm.s32 @!p1 $0x400  }
0xd3: {  	[tilespmem:s19], [sflag:$0x1] =	stream.indirect.gather @!p1 [hbm4b:s3+s20], $0x10, s17, s20, $0xb8;
	[tilespmem:$0x4400] =	vst v63  }
0xd4: {  	s21 =	simm.s32 @!p1 $0xC00  }
0xd5: {  	[tilespmem:s21], [sflag:$0x1] =	stream.indirect.gather @!p1 [hbm4b:s3+s20], $0x10, s20, s20, $0xb8;
	[tilespmem:$0x4400] =	vst v63  }
0xd6: {  	s22 =	simm.s32 @!p1 $0x1400;
	s21 =	simm.s32 @!p1 $0x100  }
0xd7: {  	[tilespmem:s22], [sflag:$0x1] =	stream.indirect.gather @!p1 [hbm4b:s3+s20], $0x10, s21, s20, $0xb8;
	[tilespmem:$0x4400] =	vst v63  }
0xd8: {  	s21 =	simm.s32 @!p1 $0x180;
	s22 =	simm.s32 @!p1 $0x1C00  }
0xd9: {  	[tilespmem:s22], [sflag:$0x1] =	stream.indirect.gather @!p1 [hbm4b:s3+s20], $0x10, s21, s20, $0xb8;
	[tilespmem:$0x4400] =	vst v63  }
0xda: {  	s21 =	simm.s32 @!p1 $0x200;
	s22 =	simm.s32 @!p1 $0x2400  }
0xdb: {  	[tilespmem:s22], [sflag:$0x1] =	stream.indirect.gather @!p1 [hbm4b:s3+s20], $0x10, s21, s20, $0xb8;
	[tilespmem:$0x4400] =	vst v63  }
0xdc: {  	s21 =	simm.s32 @!p1 $0x280;
	s22 =	simm.s32 @!p1 $0x2C00  }
0xdd: {  	[tilespmem:s22], [sflag:$0x1] =	stream.indirect.gather @!p1 [hbm4b:s3+s20], $0x10, s21, s20, $0xb8;
	[tilespmem:$0x4400] =	vst v63  }
0xde: {  	s21 =	simm.s32 @!p1 $0x300;
	s22 =	simm.s32 @!p1 $0x3400  }
0xdf: {  	[tilespmem:s22], [sflag:$0x1] =	stream.indirect.gather @!p1 [hbm4b:s3+s20], $0x10, s21, s20, $0xb8;
	[tilespmem:$0x4400] =	vst v63  }
0xe0: {  	s23 =	simm.s32 @!p1 $0x1;
	s21 =	simm.s32 @!p1 $0x380;
	s22 =	simm.s32 @!p1 $0x3C00  }
0xe1: {  	[tilespmem:s22], [sflag:$0x1] =	stream.indirect.gather @!p1 [hbm4b:s3+s20], $0x10, s21, s20, $0xb8;
	[tilespmem:$0x4400] =	vst v63  }
0xe2: {  	_ =	swait.ge @!p1 [sflag:s23], $0x800  }
0xe3: {  	[sflag:s23] =	ssyncset.done @!p1 $0x0  }
0xe4: {  	[sflag:s23] =	ssyncadd.s32 @!p1 $0xFFFFF800  }
0xe5: {  	_ =	swait.ge @!p1 [sflag:s23], $0x800  }
0xe6: {  	[sflag:s23] =	ssyncset.done @!p1 $0x0  }
0xe7: {  	[sflag:s23] =	ssyncadd.s32 @!p1 $0xFFFFF800  }
0xe8: {  	_ =	swait.ge @!p1 [sflag:s23], $0x800  }
0xe9: {  	[sflag:s23] =	ssyncset.done @!p1 $0x0  }
0xea: {  	[sflag:s23] =	ssyncadd.s32 @!p1 $0xFFFFF800  }
0xeb: {  	_ =	swait.ge @!p1 [sflag:s23], $0x800  }
0xec: {  	[sflag:s23] =	ssyncset.done @!p1 $0x0  }
0xed: {  	[sflag:s23] =	ssyncadd.s32 @!p1 $0xFFFFF800  }
0xee: {  	_ =	swait.ge @!p1 [sflag:s23], $0x800  }
0xef: {  	[sflag:s23] =	ssyncset.done @!p1 $0x0  }
0xf0: {  	[sflag:s23] =	ssyncadd.s32 @!p1 $0xFFFFF800  }
0xf1: {  	_ =	swait.ge @!p1 [sflag:s23], $0x800  }
0xf2: {  	[sflag:s23] =	ssyncset.done @!p1 $0x0  }
0xf3: {  	[sflag:s23] =	ssyncadd.s32 @!p1 $0xFFFFF800  }
0xf4: {  	_ =	swait.ge @!p1 [sflag:s23], $0x800  }
0xf5: {  	[sflag:s23] =	ssyncset.done @!p1 $0x0  }
0xf6: {  	[sflag:s23] =	ssyncadd.s32 @!p1 $0xFFFFF800  }
0xf7: {  	_ =	swait.ge @!p1 [sflag:s23], $0x800  }
.Ltmp3:
0xf8: {  	[sflag:s23] =	ssyncset.done @!p1 $0x0;
	(pc) =	sbr.rel @p3 .LBB2_6-.Ltmp3, $4  }
0xf9: {  	s20 =	simm.s32 @!p1 $0x2;
	[sflag:s23] =	ssyncadd.s32 @!p1 $0xFFFFF800  }
0xfa: {  	[hbm4b:s14+s17] =	stream.linear.scatter @!p1 [tilespmem:s19], [sflag:$0x2], $0x4000, $0x38;
	[tilespmem:$0x4400] =	vst v63  }
0xfb: {  	s17 =	sadd.s32 s18, s8;
	s14 =	sadd.s32 $0x10000, s14;
	_ =	swait.ge @!p1 [sflag:s20], $0x4000  }
0xfc: {  	s15 =	sadd.s32 $0x1000, s15;
	p4 =	sgt.u32 s17, $0x200;
	[sflag:s20] =	ssyncset.done @!p1 $0x0  }
.LBB2_7:
0xfd: {  	p1 =	por p1, !p2  }
0xfe: {  	s16 =	simm.s32 @!p4 $0x0;
	s17 =	simm.s32 @!p4 $0x3;
	[sflag:s20] =	ssyncadd.s32 @!p1 $0xFFFFC000  }
0xff: {  	[tilespmem:s16], [sflag:$0x3] =	stream.linear.gather @!p4 [hbm4b:s15+s16], $0x400, $0x38;
	[tilespmem:$0x4400] =	vst v63  }
0x100: {  	_ =	swait.ge @!p4 [sflag:s17], $0x400  }
0x101: {  	p1 =	por p4, p4;
	[sflag:s17] =	ssyncset.done @!p4 $0x0  }
0x102: {  	s15 =	simm.s32 @!p1 $0x80;
	[sflag:s17] =	ssyncadd.s32 @!p1 $0xFFFFFC00;
	s17 =	simm.s32 @!p1 $0x400  }
0x103: {  	[tilespmem:s17], [sflag:$0x1] =	stream.indirect.gather @!p1 [hbm4b:s3+s15], $0x10, s16, s15, $0xb8;
	[tilespmem:$0x4400] =	vst v63  }
0x104: {  	s18 =	simm.s32 @!p1 $0xC00  }
0x105: {  	[tilespmem:s18], [sflag:$0x1] =	stream.indirect.gather @!p1 [hbm4b:s3+s15], $0x10, s15, s15, $0xb8;
	[tilespmem:$0x4400] =	vst v63  }
0x106: {  	s19 =	simm.s32 @!p1 $0x1400;
	s18 =	simm.s32 @!p1 $0x100  }
0x107: {  	[tilespmem:s19], [sflag:$0x1] =	stream.indirect.gather @!p1 [hbm4b:s3+s15], $0x10, s18, s15, $0xb8;
	[tilespmem:$0x4400] =	vst v63  }
0x108: {  	s18 =	simm.s32 @!p1 $0x180;
	s19 =	simm.s32 @!p1 $0x1C00  }
0x109: {  	[tilespmem:s19], [sflag:$0x1] =	stream.indirect.gather @!p1 [hbm4b:s3+s15], $0x10, s18, s15, $0xb8;
	[tilespmem:$0x4400] =	vst v63  }
0x10a: {  	s18 =	simm.s32 @!p1 $0x200;
	s19 =	simm.s32 @!p1 $0x2400  }
0x10b: {  	[tilespmem:s19], [sflag:$0x1] =	stream.indirect.gather @!p1 [hbm4b:s3+s15], $0x10, s18, s15, $0xb8;
	[tilespmem:$0x4400] =	vst v63  }
0x10c: {  	s18 =	simm.s32 @!p1 $0x280;
	s19 =	simm.s32 @!p1 $0x2C00  }
0x10d: {  	[tilespmem:s19], [sflag:$0x1] =	stream.indirect.gather @!p1 [hbm4b:s3+s15], $0x10, s18, s15, $0xb8;
	[tilespmem:$0x4400] =	vst v63  }
0x10e: {  	s18 =	simm.s32 @!p1 $0x300;
	s19 =	simm.s32 @!p1 $0x3400  }
0x10f: {  	[tilespmem:s19], [sflag:$0x1] =	stream.indirect.gather @!p1 [hbm4b:s3+s15], $0x10, s18, s15, $0xb8;
	[tilespmem:$0x4400] =	vst v63  }
0x110: {  	s20 =	simm.s32 @!p1 $0x1;
	s18 =	simm.s32 @!p1 $0x380;
	s19 =	simm.s32 @!p1 $0x3C00  }
0x111: {  	[tilespmem:s19], [sflag:$0x1] =	stream.indirect.gather @!p1 [hbm4b:s3+s15], $0x10, s18, s15, $0xb8;
	[tilespmem:$0x4400] =	vst v63  }
0x112: {  	_ =	swait.ge @!p1 [sflag:s20], $0x800  }
0x113: {  	[sflag:s20] =	ssyncset.done @!p1 $0x0  }
0x114: {  	[sflag:s20] =	ssyncadd.s32 @!p1 $0xFFFFF800  }
0x115: {  	_ =	swait.ge @!p1 [sflag:s20], $0x800  }
0x116: {  	[sflag:s20] =	ssyncset.done @!p1 $0x0  }
0x117: {  	[sflag:s20] =	ssyncadd.s32 @!p1 $0xFFFFF800  }
0x118: {  	_ =	swait.ge @!p1 [sflag:s20], $0x800  }
0x119: {  	[sflag:s20] =	ssyncset.done @!p1 $0x0  }
0x11a: {  	[sflag:s20] =	ssyncadd.s32 @!p1 $0xFFFFF800  }
0x11b: {  	_ =	swait.ge @!p1 [sflag:s20], $0x800  }
0x11c: {  	[sflag:s20] =	ssyncset.done @!p1 $0x0  }
0x11d: {  	[sflag:s20] =	ssyncadd.s32 @!p1 $0xFFFFF800  }
0x11e: {  	_ =	swait.ge @!p1 [sflag:s20], $0x800  }
0x11f: {  	[sflag:s20] =	ssyncset.done @!p1 $0x0  }
0x120: {  	[sflag:s20] =	ssyncadd.s32 @!p1 $0xFFFFF800  }
0x121: {  	_ =	swait.ge @!p1 [sflag:s20], $0x800  }
0x122: {  	[sflag:s20] =	ssyncset.done @!p1 $0x0  }
0x123: {  	[sflag:s20] =	ssyncadd.s32 @!p1 $0xFFFFF800  }
0x124: {  	_ =	swait.ge @!p1 [sflag:s20], $0x800  }
0x125: {  	[sflag:s20] =	ssyncset.done @!p1 $0x0  }
0x126: {  	[sflag:s20] =	ssyncadd.s32 @!p1 $0xFFFFF800  }
0x127: {  	_ =	swait.ge @!p1 [sflag:s20], $0x800  }
0x128: {  	p2 =	por $0x1, $0x1;
	[sflag:s20] =	ssyncset.done @!p1 $0x0  }
.Ltmp4:
0x129: {  	s15 =	simm.s32 @!p1 $0x2;
	[sflag:s20] =	ssyncadd.s32 @!p1 $0xFFFFF800;
	(pc) =	sbr.rel @!p2 .LBB2_8-.Ltmp4, $4  }
0x12a: {  	[hbm4b:s14+s16] =	stream.linear.scatter @!p1 [tilespmem:s17], [sflag:$0x2], $0x4000, $0x38;
	[tilespmem:$0x4400] =	vst v63  }
0x12b: {  	_ =	swait.ge @!p1 [sflag:s15], $0x4000  }
0x12c: {  	[sflag:s15] =	ssyncset.done @!p1 $0x0  }
0x12d: {  	p3 =	sgt.u32 s13, $0x80;
	[sflag:s15] =	ssyncadd.s32 @!p1 $0xFFFFC000  }
0x12e: {  	s13 =	simm.s32 @!p3 $0x0;
	s14 =	simm.s32 @!p3 $0x3  }
0x12f: {  	[tilespmem:s13], [sflag:$0x3] =	stream.linear.gather @!p3 [hbm4b:s11+s13], $0x400, $0x38;
	[tilespmem:$0x4400] =	vst v63  }
0x130: {  	_ =	swait.ge @!p3 [sflag:s14], $0x400  }
0x131: {  	p1 =	por p3, p3;
	[sflag:s14] =	ssyncset.done @!p3 $0x0  }
0x132: {  	s16 =	simm.s32 @!p1 $0x400;
	[sflag:s14] =	ssyncadd.s32 @!p1 $0xFFFFFC00;
	s14 =	simm.s32 @!p1 $0x80  }
0x133: {  	[tilespmem:s16], [sflag:$0x1] =	stream.indirect.gather @!p1 [hbm4b:s4+s14], $0x10, s13, s14, $0xb8;
	[tilespmem:$0x4400] =	vst v63  }
0x134: {  	s15 =	simm.s32 @!p1 $0xC00  }
0x135: {  	[tilespmem:s15], [sflag:$0x1] =	stream.indirect.gather @!p1 [hbm4b:s4+s14], $0x10, s14, s14, $0xb8;
	[tilespmem:$0x4400] =	vst v63  }
0x136: {  	s17 =	simm.s32 @!p1 $0x1400;
	s15 =	simm.s32 @!p1 $0x100  }
0x137: {  	[tilespmem:s17], [sflag:$0x1] =	stream.indirect.gather @!p1 [hbm4b:s4+s14], $0x10, s15, s14, $0xb8;
	[tilespmem:$0x4400] =	vst v63  }
0x138: {  	s15 =	simm.s32 @!p1 $0x180;
	s17 =	simm.s32 @!p1 $0x1C00  }
0x139: {  	[tilespmem:s17], [sflag:$0x1] =	stream.indirect.gather @!p1 [hbm4b:s4+s14], $0x10, s15, s14, $0xb8;
	[tilespmem:$0x4400] =	vst v63  }
0x13a: {  	s15 =	simm.s32 @!p1 $0x200;
	s17 =	simm.s32 @!p1 $0x2400  }
0x13b: {  	[tilespmem:s17], [sflag:$0x1] =	stream.indirect.gather @!p1 [hbm4b:s4+s14], $0x10, s15, s14, $0xb8;
	[tilespmem:$0x4400] =	vst v63  }
0x13c: {  	s15 =	simm.s32 @!p1 $0x280;
	s17 =	simm.s32 @!p1 $0x2C00  }
0x13d: {  	[tilespmem:s17], [sflag:$0x1] =	stream.indirect.gather @!p1 [hbm4b:s4+s14], $0x10, s15, s14, $0xb8;
	[tilespmem:$0x4400] =	vst v63  }
0x13e: {  	s15 =	simm.s32 @!p1 $0x300;
	s17 =	simm.s32 @!p1 $0x3400  }
0x13f: {  	[tilespmem:s17], [sflag:$0x1] =	stream.indirect.gather @!p1 [hbm4b:s4+s14], $0x10, s15, s14, $0xb8;
	[tilespmem:$0x4400] =	vst v63  }
0x140: {  	s18 =	simm.s32 @!p1 $0x1;
	s15 =	simm.s32 @!p1 $0x380;
	s17 =	simm.s32 @!p1 $0x3C00  }
0x141: {  	[tilespmem:s17], [sflag:$0x1] =	stream.indirect.gather @!p1 [hbm4b:s4+s14], $0x10, s15, s14, $0xb8;
	[tilespmem:$0x4400] =	vst v63  }
0x142: {  	_ =	swait.ge @!p1 [sflag:s18], $0x800  }
0x143: {  	[sflag:s18] =	ssyncset.done @!p1 $0x0  }
0x144: {  	[sflag:s18] =	ssyncadd.s32 @!p1 $0xFFFFF800  }
0x145: {  	_ =	swait.ge @!p1 [sflag:s18], $0x800  }
0x146: {  	[sflag:s18] =	ssyncset.done @!p1 $0x0  }
0x147: {  	[sflag:s18] =	ssyncadd.s32 @!p1 $0xFFFFF800  }
0x148: {  	_ =	swait.ge @!p1 [sflag:s18], $0x800  }
0x149: {  	[sflag:s18] =	ssyncset.done @!p1 $0x0  }
0x14a: {  	[sflag:s18] =	ssyncadd.s32 @!p1 $0xFFFFF800  }
0x14b: {  	_ =	swait.ge @!p1 [sflag:s18], $0x800  }
0x14c: {  	[sflag:s18] =	ssyncset.done @!p1 $0x0  }
0x14d: {  	[sflag:s18] =	ssyncadd.s32 @!p1 $0xFFFFF800  }
0x14e: {  	_ =	swait.ge @!p1 [sflag:s18], $0x800  }
0x14f: {  	[sflag:s18] =	ssyncset.done @!p1 $0x0  }
0x150: {  	[sflag:s18] =	ssyncadd.s32 @!p1 $0xFFFFF800  }
0x151: {  	_ =	swait.ge @!p1 [sflag:s18], $0x800  }
0x152: {  	[sflag:s18] =	ssyncset.done @!p1 $0x0  }
0x153: {  	[sflag:s18] =	ssyncadd.s32 @!p1 $0xFFFFF800  }
0x154: {  	_ =	swait.ge @!p1 [sflag:s18], $0x800  }
0x155: {  	[sflag:s18] =	ssyncset.done @!p1 $0x0  }
0x156: {  	[sflag:s18] =	ssyncadd.s32 @!p1 $0xFFFFF800  }
0x157: {  	p2 =	por $0x1, $0x1;
	_ =	swait.ge @!p1 [sflag:s18], $0x800  }
.Ltmp5:
0x158: {  	s31 =	sadd.s32 $0x20, s8;
	[sflag:s18] =	ssyncset.done @!p1 $0x0;
	(pc) =	sbr.rel @!p2 .LBB2_11-.Ltmp5, $4  }
0x159: {  	p0 =	por $0x1, $0x1;
	s19 =	simm.s32 @!p1 $0x2;
	[sflag:s18] =	ssyncadd.s32 @!p1 $0xFFFFF800  }
0x15a: {  	[hbm4b:s12+s13] =	stream.linear.scatter @!p1 [tilespmem:s16], [sflag:$0x2], $0x4000, $0x38;
	[tilespmem:$0x4400] =	vst v63  }
0x15b: {  	p3 =	sgt.u32 s31, $0x80;
	s15 =	simm.s32 $0x40;
	_ =	swait.ge @!p1 [sflag:s19], $0x4000  }
0x15c: {  	s14 =	sadd.s32 $0x1000, s11;
	s13 =	sadd.s32 $0x10000, s12;
	[sflag:s19] =	ssyncset.done @!p1 $0x0  }
.LBB2_10:
0x15d: {  	s16 =	simm.s32 @!p3 $0x0;
	s18 =	simm.s32 @!p3 $0x3;
	[sflag:s19] =	ssyncadd.s32 @!p1 $0xFFFFC000  }
0x15e: {  	[tilespmem:s16], [sflag:$0x3] =	stream.linear.gather @!p3 [hbm4b:s14+s16], $0x400, $0x38;
	[tilespmem:$0x4400] =	vst v63  }
0x15f: {  	s17 =	smov.u32 s15;
	s15 =	sadd.s32 $0x20, s15;
	_ =	swait.ge @!p3 [sflag:s18], $0x400  }
0x160: {  	p1 =	por p3, p3;
	p2 =	sne.s32 s15, $0xA0;
	[sflag:s18] =	ssyncset.done @!p3 $0x0  }
0x161: {  	s19 =	simm.s32 @!p1 $0x80;
	[sflag:s18] =	ssyncadd.s32 @!p1 $0xFFFFFC00;
	s18 =	simm.s32 @!p1 $0x400  }
0x162: {  	[tilespmem:s18], [sflag:$0x1] =	stream.indirect.gather @!p1 [hbm4b:s4+s19], $0x10, s16, s19, $0xb8;
	[tilespmem:$0x4400] =	vst v63  }
0x163: {  	s20 =	simm.s32 @!p1 $0xC00  }
0x164: {  	[tilespmem:s20], [sflag:$0x1] =	stream.indirect.gather @!p1 [hbm4b:s4+s19], $0x10, s19, s19, $0xb8;
	[tilespmem:$0x4400] =	vst v63  }
0x165: {  	s21 =	simm.s32 @!p1 $0x1400;
	s20 =	simm.s32 @!p1 $0x100  }
0x166: {  	[tilespmem:s21], [sflag:$0x1] =	stream.indirect.gather @!p1 [hbm4b:s4+s19], $0x10, s20, s19, $0xb8;
	[tilespmem:$0x4400] =	vst v63  }
0x167: {  	s20 =	simm.s32 @!p1 $0x180;
	s21 =	simm.s32 @!p1 $0x1C00  }
0x168: {  	[tilespmem:s21], [sflag:$0x1] =	stream.indirect.gather @!p1 [hbm4b:s4+s19], $0x10, s20, s19, $0xb8;
	[tilespmem:$0x4400] =	vst v63  }
0x169: {  	s20 =	simm.s32 @!p1 $0x200;
	s21 =	simm.s32 @!p1 $0x2400  }
0x16a: {  	[tilespmem:s21], [sflag:$0x1] =	stream.indirect.gather @!p1 [hbm4b:s4+s19], $0x10, s20, s19, $0xb8;
	[tilespmem:$0x4400] =	vst v63  }
0x16b: {  	s20 =	simm.s32 @!p1 $0x280;
	s21 =	simm.s32 @!p1 $0x2C00  }
0x16c: {  	[tilespmem:s21], [sflag:$0x1] =	stream.indirect.gather @!p1 [hbm4b:s4+s19], $0x10, s20, s19, $0xb8;
	[tilespmem:$0x4400] =	vst v63  }
0x16d: {  	s20 =	simm.s32 @!p1 $0x300;
	s21 =	simm.s32 @!p1 $0x3400  }
0x16e: {  	[tilespmem:s21], [sflag:$0x1] =	stream.indirect.gather @!p1 [hbm4b:s4+s19], $0x10, s20, s19, $0xb8;
	[tilespmem:$0x4400] =	vst v63  }
0x16f: {  	s22 =	simm.s32 @!p1 $0x1;
	s20 =	simm.s32 @!p1 $0x380;
	s21 =	simm.s32 @!p1 $0x3C00  }
0x170: {  	[tilespmem:s21], [sflag:$0x1] =	stream.indirect.gather @!p1 [hbm4b:s4+s19], $0x10, s20, s19, $0xb8;
	[tilespmem:$0x4400] =	vst v63  }
0x171: {  	_ =	swait.ge @!p1 [sflag:s22], $0x800  }
0x172: {  	[sflag:s22] =	ssyncset.done @!p1 $0x0  }
0x173: {  	[sflag:s22] =	ssyncadd.s32 @!p1 $0xFFFFF800  }
0x174: {  	_ =	swait.ge @!p1 [sflag:s22], $0x800  }
0x175: {  	[sflag:s22] =	ssyncset.done @!p1 $0x0  }
0x176: {  	[sflag:s22] =	ssyncadd.s32 @!p1 $0xFFFFF800  }
0x177: {  	_ =	swait.ge @!p1 [sflag:s22], $0x800  }
0x178: {  	[sflag:s22] =	ssyncset.done @!p1 $0x0  }
0x179: {  	[sflag:s22] =	ssyncadd.s32 @!p1 $0xFFFFF800  }
0x17a: {  	_ =	swait.ge @!p1 [sflag:s22], $0x800  }
0x17b: {  	[sflag:s22] =	ssyncset.done @!p1 $0x0  }
0x17c: {  	[sflag:s22] =	ssyncadd.s32 @!p1 $0xFFFFF800  }
0x17d: {  	_ =	swait.ge @!p1 [sflag:s22], $0x800  }
0x17e: {  	[sflag:s22] =	ssyncset.done @!p1 $0x0  }
0x17f: {  	[sflag:s22] =	ssyncadd.s32 @!p1 $0xFFFFF800  }
0x180: {  	_ =	swait.ge @!p1 [sflag:s22], $0x800  }
0x181: {  	[sflag:s22] =	ssyncset.done @!p1 $0x0  }
0x182: {  	[sflag:s22] =	ssyncadd.s32 @!p1 $0xFFFFF800  }
0x183: {  	_ =	swait.ge @!p1 [sflag:s22], $0x800  }
0x184: {  	[sflag:s22] =	ssyncset.done @!p1 $0x0  }
0x185: {  	[sflag:s22] =	ssyncadd.s32 @!p1 $0xFFFFF800  }
0x186: {  	_ =	swait.ge @!p1 [sflag:s22], $0x800  }
.Ltmp6:
0x187: {  	[sflag:s22] =	ssyncset.done @!p1 $0x0;
	(pc) =	sbr.rel @p2 .LBB2_10-.Ltmp6, $4  }
0x188: {  	s19 =	simm.s32 @!p1 $0x2;
	[sflag:s22] =	ssyncadd.s32 @!p1 $0xFFFFF800  }
0x189: {  	[hbm4b:s13+s16] =	stream.linear.scatter @!p1 [tilespmem:s18], [sflag:$0x2], $0x4000, $0x38;
	[tilespmem:$0x4400] =	vst v63  }
0x18a: {  	s16 =	sadd.s32 s17, s8;
	s13 =	sadd.s32 $0x10000, s13;
	_ =	swait.ge @!p1 [sflag:s19], $0x4000  }
0x18b: {  	s14 =	sadd.s32 $0x1000, s14;
	p3 =	sgt.u32 s16, $0x80;
	[sflag:s19] =	ssyncset.done @!p1 $0x0  }
.LBB2_11:
0x18c: {  	p0 =	por p1, !p0  }
0x18d: {  	s15 =	simm.s32 @!p3 $0x0;
	s16 =	simm.s32 @!p3 $0x3;
	[sflag:s19] =	ssyncadd.s32 @!p0 $0xFFFFC000  }
0x18e: {  	[tilespmem:s15], [sflag:$0x3] =	stream.linear.gather @!p3 [hbm4b:s14+s15], $0x400, $0x38;
	[tilespmem:$0x4400] =	vst v63  }
0x18f: {  	_ =	swait.ge @!p3 [sflag:s16], $0x400  }
0x190: {  	p0 =	por p3, p3;
	[sflag:s16] =	ssyncset.done @!p3 $0x0  }
0x191: {  	s14 =	simm.s32 @!p0 $0x80;
	[sflag:s16] =	ssyncadd.s32 @!p0 $0xFFFFFC00;
	s16 =	simm.s32 @!p0 $0x400  }
0x192: {  	[tilespmem:s16], [sflag:$0x1] =	stream.indirect.gather @!p0 [hbm4b:s4+s14], $0x10, s15, s14, $0xb8;
	[tilespmem:$0x4400] =	vst v63  }
0x193: {  	s17 =	simm.s32 @!p0 $0xC00  }
0x194: {  	[tilespmem:s17], [sflag:$0x1] =	stream.indirect.gather @!p0 [hbm4b:s4+s14], $0x10, s14, s14, $0xb8;
	[tilespmem:$0x4400] =	vst v63  }
0x195: {  	s18 =	simm.s32 @!p0 $0x1400;
	s17 =	simm.s32 @!p0 $0x100  }
0x196: {  	[tilespmem:s18], [sflag:$0x1] =	stream.indirect.gather @!p0 [hbm4b:s4+s14], $0x10, s17, s14, $0xb8;
	[tilespmem:$0x4400] =	vst v63  }
0x197: {  	s17 =	simm.s32 @!p0 $0x180;
	s18 =	simm.s32 @!p0 $0x1C00  }
0x198: {  	[tilespmem:s18], [sflag:$0x1] =	stream.indirect.gather @!p0 [hbm4b:s4+s14], $0x10, s17, s14, $0xb8;
	[tilespmem:$0x4400] =	vst v63  }
0x199: {  	s17 =	simm.s32 @!p0 $0x200;
	s18 =	simm.s32 @!p0 $0x2400  }
0x19a: {  	[tilespmem:s18], [sflag:$0x1] =	stream.indirect.gather @!p0 [hbm4b:s4+s14], $0x10, s17, s14, $0xb8;
	[tilespmem:$0x4400] =	vst v63  }
0x19b: {  	s17 =	simm.s32 @!p0 $0x280;
	s18 =	simm.s32 @!p0 $0x2C00  }
0x19c: {  	[tilespmem:s18], [sflag:$0x1] =	stream.indirect.gather @!p0 [hbm4b:s4+s14], $0x10, s17, s14, $0xb8;
	[tilespmem:$0x4400] =	vst v63  }
0x19d: {  	s17 =	simm.s32 @!p0 $0x300;
	s18 =	simm.s32 @!p0 $0x3400  }
0x19e: {  	[tilespmem:s18], [sflag:$0x1] =	stream.indirect.gather @!p0 [hbm4b:s4+s14], $0x10, s17, s14, $0xb8;
	[tilespmem:$0x4400] =	vst v63  }
0x19f: {  	s19 =	simm.s32 @!p0 $0x1;
	s17 =	simm.s32 @!p0 $0x380;
	s18 =	simm.s32 @!p0 $0x3C00  }
0x1a0: {  	[tilespmem:s18], [sflag:$0x1] =	stream.indirect.gather @!p0 [hbm4b:s4+s14], $0x10, s17, s14, $0xb8;
	[tilespmem:$0x4400] =	vst v63  }
0x1a1: {  	_ =	swait.ge @!p0 [sflag:s19], $0x800  }
0x1a2: {  	[sflag:s19] =	ssyncset.done @!p0 $0x0  }
0x1a3: {  	[sflag:s19] =	ssyncadd.s32 @!p0 $0xFFFFF800  }
0x1a4: {  	_ =	swait.ge @!p0 [sflag:s19], $0x800  }
0x1a5: {  	[sflag:s19] =	ssyncset.done @!p0 $0x0  }
0x1a6: {  	[sflag:s19] =	ssyncadd.s32 @!p0 $0xFFFFF800  }
0x1a7: {  	_ =	swait.ge @!p0 [sflag:s19], $0x800  }
0x1a8: {  	[sflag:s19] =	ssyncset.done @!p0 $0x0  }
0x1a9: {  	[sflag:s19] =	ssyncadd.s32 @!p0 $0xFFFFF800  }
0x1aa: {  	_ =	swait.ge @!p0 [sflag:s19], $0x800  }
0x1ab: {  	[sflag:s19] =	ssyncset.done @!p0 $0x0  }
0x1ac: {  	[sflag:s19] =	ssyncadd.s32 @!p0 $0xFFFFF800  }
0x1ad: {  	_ =	swait.ge @!p0 [sflag:s19], $0x800  }
0x1ae: {  	[sflag:s19] =	ssyncset.done @!p0 $0x0  }
0x1af: {  	[sflag:s19] =	ssyncadd.s32 @!p0 $0xFFFFF800  }
0x1b0: {  	_ =	swait.ge @!p0 [sflag:s19], $0x800  }
0x1b1: {  	[sflag:s19] =	ssyncset.done @!p0 $0x0  }
0x1b2: {  	[sflag:s19] =	ssyncadd.s32 @!p0 $0xFFFFF800  }
0x1b3: {  	_ =	swait.ge @!p0 [sflag:s19], $0x800  }
0x1b4: {  	[sflag:s19] =	ssyncset.done @!p0 $0x0  }
0x1b5: {  	[sflag:s19] =	ssyncadd.s32 @!p0 $0xFFFFF800  }
0x1b6: {  	_ =	swait.ge @!p0 [sflag:s19], $0x800  }
0x1b7: {  	s1 =	sadd.s32 $0x1, s1;
	[sflag:s19] =	ssyncset.done @!p0 $0x0  }
0x1b8: {  	p1 =	sne.s32 s1, s5;
	[sflag:s19] =	ssyncadd.s32 @!p0 $0xFFFFF800  }
0x1b9: {  	[hbm4b:s13+s15] =	stream.linear.scatter @!p0 [tilespmem:s16], [sflag:$0x2], $0x4000, $0x38;
	[tilespmem:$0x4400] =	vst v63  }
.Ltmp7:
0x1ba: {  	_ = 	snop;
	(pc) =	sbr.rel @p1 .LBB2_1-.Ltmp7, $4  }
.Ltmp8:
0x1bb: {  	s14 =	simm.s32 @!p0 $0x2;
	(pc) =	sbr.rel @!p1 .LBB2_12-.Ltmp8, $4  }
0x1bc: {  	_ =	swait.ge @!p0 [sflag:s14], $0x4000  }
0x1bd: {  	[sflag:s14] =	ssyncset.done @!p0 $0x0  }
0x1be: {  	[sflag:s14] =	ssyncadd.s32 @!p0 $0xFFFFC000  }
0x1bf: {  	_ = 	snop  }
.LBB2_4:
.Ltmp9:
0x1c0: {  	(pc) =	sbr.rel .LBB2_7-.Ltmp9, $2  }
0x1c1: {  	_ =	sdelay $0x2  }
0x1c2: {  	s15 =	smov.u32 s9;
	s14 =	smov.u32 s10;
	p2 =	por $0x0, $0x0  }
.LBB2_8:
.Ltmp10:
0x1c3: {  	(pc) =	sbr.rel .LBB2_11-.Ltmp10, $2  }
0x1c4: {  	_ =	sdelay $0x2  }
0x1c5: {  	s14 =	smov.u32 s11;
	s13 =	smov.u32 s12  }
.LBB2_12:
0x1c6: {  	_ =	sfence.sel $0x180000  }
0x1c7: {  	[bflag:$0x0] =	sbarrier.arrive $0xFFFF  }
0x1c8: {  	p0 =	sne.s32 s2, $0x0;
	_ =	strace $0x9000004A  }
0x1c9: {  	s0 =	sadd.s32 @!p0 $0x100000, s0;
	[bflag:$0x2] =	sbarrier.arrive $0xFFFF  }
0x1ca: {  	[sflag:s0] =	ssyncadd.tile.s32 @!p0 $0x1;
	_ =	shalt  }
.Lfunc_end2:
_tile_overlayer_lowered:
.L_overlay_start_2:
0x1cb: {  	(tag) =	ssettag $0x2  }
0x1cc: {  	s0 =	rddreg [dreg:$0x0];
	s2 =	stileid.u32  }
0x1cd: {  	s1 =	rddreg [dreg:$0x1];
	p0 =	sne.s32 s2, $0x0  }
0x1ce: {  	s3 =	rddreg [dreg:$0x2];
	[bflag:$0x3] =	sbarrier.arrive $0xFFFF;
	s2 =	simm.s32 @!p0 $0x1C02  }
0x1cf: {  	[timem:s3], [sflag:s2] =	dma.local @!p0 [hbm:s0], s1  }
0x1d0: {  	s0 =	simm.s32 @!p0 $0x2  }
0x1d1: {  	_ =	swait.ge @!p0 [sflag:s0], s1  }
0x1d2: {  	s1 =	ssub.s32 @!p0 $0x0, s1;
	[sflag:s0] =	ssyncset.done @!p0 $0x0  }
0x1d3: {  	[sflag:s0] =	ssyncadd.s32 @!p0 s1  }
0x1d4: {  	[bflag:$0x3] =	sbarrier.arrive $0xFFFF  }
0x1d5: {  	_ =	shalt  }

// kernel: sparse-core-data-format-call.1.cloned.1.call-start
scs
called_computation.1_lowered:
.L_overlay_start_0:
0x0: {  	s2 =	sld [smem:$0x3FD9]  }
0x1: {  	s3 =	sld [smem:$0x3FFE];
	_ =	sdelay $0x1  }
0x2: {  	s1 =	srdreg.scid  }
0x3: {  	s0 =	sand.u32 $0x1, s1  }
0x4: {  	s18 =	sshll.u32 s0, $0xA;
	s2 =	sadd.s32 s3, s2  }
0x5: {  	s2 =	sadd.s32 s2, s18  }
0x6: {  	[smem:$0x3FC7] =	sst s2  }
0x7: {  	_ = 	snop  }
0x8: {  	s2 =	sld [smem:$0x3FC9];
	(tm) =	ssettm $0x1  }
0x9: {  	s19 =	sld [smem:$0x3FFB];
	_ =	sdelay $0x3  }
0xa: {  	_ =	strace s19  }
0xb: {  	s3 =	sld [smem:$0x3FFC];
	_ =	sdelay $0x3  }
0xc: {  	_ =	strace s3  }
0xd: {  	s3 =	sld [smem:$0x3FFD];
	_ =	sdelay $0x3  }
0xe: {  	_ =	strace s3  }
0xf: {  	_ =	strace $0x8FFFFFFF  }
0x10: {  	s20 =	sld [smem:$0x3FDB];
	_ =	sdelay $0x1  }
0x11: {  	s4 =	simm.s32 $_scs_section_size  }
0x12: {  	s5 =	simm.s32 $_size__tile_overlayer_lowered;
	s6 =	simm.s32 $_tile_overlayer_lowered  }
0x13: {  	s23 =	simm.s32 $0x1BFF;
	s22 =	sshll.u32 s6, $0x1;
	s3 =	sadd.s32 s4, s20  }
0x14: {  	s7 =	simm.s32 $0x0;
	s21 =	sshll.u32 s5, $0x1;
	s5 =	sadd.s32 s22, s3  }
0x15: {  	[timem:s7], [sflag:s23] =	dma.local [hbm:s5], s21  }
0x16: {  	_ =	swait.ge [sflag:s23], s21  }
0x17: {  	s4 =	ssub.s32 $0x0, s21;
	[sflag:s23] =	ssyncset.done $0x0  }
0x18: {  	[sflag:s23] =	ssyncadd.s32 s4;
	_ =	sdelay $0x1  }
0x19: {  	s24 =	simm.s32 $0x1B8B  }
0x1a: {  	_ =	swait.ge [sflag:s24], $0x1  }
0x1b: {  	[sflag:s24] =	ssyncset.done $0x0  }
0x1c: {  	s26 =	simm.s32 $0x1B8E;
	s25 =	sld [smem:$0x3FFE];
	[sflag:s24] =	ssyncadd.s32 $0xFFFFFFFF  }
0x1d: {  	s27 =	simm.s32 $execute0_lowered;
	[smem:$0x3FD2] =	sst s26  }
0x1e: {  	s5 =	sshll.u32 s27, $0x1;
	_ =	strace $0x80000046;
	[dreg:$0x1] =	wrdreg $0xFFFFFFFF  }
0x1f: {  	s28 =	simm.s32 $_size_execute0_lowered;
	s3 =	sadd.s32 s3, s5;
	[dreg:$0x0] =	wrdreg $0x0  }
0x20: {  	s5 =	sshll.u32 s28, $0x1;
	[dreg:$0x2] =	wrdreg s3  }
0x21: {  	[dreg:$0x3] =	wrdreg s5  }
0x22: {  	[dreg:$0x4] =	wrdreg $0xC0  }
0x23: {  	_ =	task [dreg:s7], $0x5FFFF  }
0x24: {  	[dreg:$0x1] =	wrdreg $0xFFFFFFFF  }
0x25: {  	[dreg:$0x0] =	wrdreg $0x60  }
0x26: {  	[dreg:$0x2] =	wrdreg s2  }
0x27: {  	[dreg:$0x3] =	wrdreg s25  }
0x28: {  	[dreg:$0x4] =	wrdreg $0x9  }
0x29: {  	_ =	task.clear_ibuf [dreg:s7], $0x5FFFF;
	_ =	strace $0x90000046  }
0x2a: {  	s29 =	simm.s32 $0x9;
	_ =	strace $0x80000048  }
0x2b: {  	_ =	swait.ge [sflag:s29], $0x1  }
0x2c: {  	[sflag:s29] =	ssyncadd.s32 $0xFFFFFFFF  }
0x2d: {  	_ =	strace $0x90000048  }
0x2e: {  	_ =	sfence  }
0x2f: {  	s30 =	sld [smem:$0x0];
	_ =	sdelay $0x2  }
0x30: {  	s31 =	sshll.u32 s1, $0xD;
	s1 =	sshrl.u32 s1, $0x2  }
0x31: {  	s3 =	sand.u32 $0x4000, s31;
	s1 =	sadd.s32 s1, s30  }
0x32: {  	s0 =	sor.u32 s3, s0;
	s1 =	sshll.u32 s1, $0x11  }
0x33: {  	s0 =	sor.u32 s1, s0  }
0x34: {  	s0 =	sadd.s32 $0x8F2B, s0  }
0x35: {  	[sflag:s0] =	ssyncadd.remote.s32 $0x1  }
0x36: {  	_ =	sfence.sel $0xFFFF  }
0x37: {  	[dreg:$0x0] =	wrdreg $0xFFFFFFFF;
	(pc) =	sbr.abs _section_cstart, $3  }
0x38: {  	[dreg:$0x1] =	wrdreg $0xFFFFFFFF  }
0x39: {  	_ =	task.clear_ibuf [dreg:s7], $0x2FFFF;
	_ =	strace $0x9FFFFFFF  }
0x3a: {  	(tm) =	ssettm $0x7FFFFFFF  }
0x3b: {  	_ =	shalt  }
tec
execute0_lowered:
.L_overlay_start_1:
0x0: {  	(tag) =	ssettag $0x1  }
0x1: {  	s0 =	srdreg.scid  }
0x2: {  	s1 =	sshll.u32 s0, $0x4  }
0x3: {  	s2 =	rddreg [dreg:$0x0];
	s0 =	stileid.u32;
	s1 =	sand.u32 $0x10, s1  }
0x4: {  	s4 =	rddreg [dreg:$0x1];
	s7 =	simm.s32 $0x1;
	s1 =	sor.u32 s0, s1  }
0x5: {  	s8 =	simm.s32 $0x2;
	s9 =	simm.s32 $0x0;
	s3 =	sshll.u32 s1, $0x2  }
0x6: {  	s12 =	simm.s32 $0x0;
	s11 =	simm.s32 $0x0;
	s6 =	ssub.s32 $0xC00, s3  }
.Ltmp0:
0x7: {  	s4 =	sadd.s32 $0x1000, s4;
	s5 =	sand.u32 $0x7C, s6;
	(pc) =	sbr.rel .LBB1_1-.Ltmp0, $4  }
0x8: {  	s1 =	rddreg [dreg:$0x2];
	_ =	strace $0x80000047;
	p0 =	sne.s32 s5, $0x0  }
0x9: {  	s6 =	sshrl.u32 s6, $0x7;
	s5 =	simm.s32 $0x1;
	s7 =	simm.s32 @!p0 $0x0  }
0xa: {  	s10 =	smov.u32 s3;
	[sflag:s5] =	ssyncpa.u1 $0x0;
	s6 =	sadd.s32 s7, s6  }
0xb: {  	[sflag:s8] =	ssyncpa.u1 $0x0;
	s8 =	simm.s32 $0x0;
	s7 =	sadd.s32 $0x1, s6  }
.LBB1_9:
0xc: {  	s14 =	sadd.s32 $0x80, s10  }
0xd: {  	p1 =	sgt.s32 s14, $0xBFF  }
0xe: {  	s14 =	smov.u32 @p1 s3;
	p1 =	sne.s32 s11, s7  }
.Ltmp1:
0xf: {  	p0 =	slt.u32 s11, $0x2;
	(pc) =	sbr.rel @!p1 .LBB1_10-.Ltmp1, $4  }
0x10: {  	s13 =	simm.s32 @!p0 $0x2  }
0x11: {  	s15 =	sadd.s32 $0x1, s11;
	_ =	swait.ge @!p0 [sflag:s13], $0x4000  }
0x12: {  	s12 =	smov.u32 s10;
	s9 =	sadd.s32 $0x4000, s9;
	[sflag:s13] =	ssyncset.done @!p0 $0x0  }
0x13: {  	s11 =	smov.u32 s15;
	s10 =	smov.u32 s14;
	[sflag:s13] =	ssyncadd.s32 @!p0 $0xFFFFC000  }
.LBB1_1:
0x14: {  	p0 =	sge.u32 s11, s6  }
0x15: {  	s13 =	sxor.u32 @!p0 $0xFFFFFFFF, s11  }
0x16: {  	s31 =	sadd.s32 $0xFFFFFFFF, s11;
	s14 =	sshll.u32 @!p0 s10, $0x9;
	s13 =	sshll.u32 @!p0 s13, $0xE  }
0x17: {  	s15 =	simm.s32 @!p0 $0x0;
	s14 =	sadd.s32 @!p0 s2, s14;
	s13 =	sand.u32 @!p0 $0x4000, s13  }
0x18: {  	[tilespmem:s13], [sflag:$0x1] =	stream.linear.gather @!p0 [hbm4b:s14+s15], $0x4000, $0x38;
	[tilespmem:$0x10000] =	vst v63  }
0x19: {  	p0 =	sge.u32 s31, s6  }
.Ltmp2:
0x1a: {  	_ = 	snop;
	(pc) =	sbr.rel @p0 .LBB1_9-.Ltmp2, $1  }
0x1b: {  	_ =	sdelay $0x3  }
0x1c: {  	s14 =	sand.u32 $0x4000, s9  }
0x1d: {  	_ =	swait.ge [sflag:s5], $0x4000;
	s15 =	sshll.u32 s11, $0xE;
	s16 =	simm.s32 $0x0  }
0x1e: {  	s13 =	sor.u32 $0x40, s14;
	[sflag:s5] =	ssyncset.done $0x0;
	s15 =	sand.u32 $0x4000, s15  }
0x1f: {  	s14 =	sor.u32 $0x8040, s14;
	[sflag:s5] =	ssyncadd.s32 $0xFFFFC000;
	s15 =	sor.u32 $0x8000, s15  }
.LBB1_3:
0x20: {  	s17 =	smov.u32 s14;
	s18 =	smov.u32 s13;
	s19 =	simm.s32 $0x0  }
.LBB1_4:
0x21: {  	v0 =	vmov s17;
	v2 =	vld [tilespmem:s18+$0x30]  }
0x22: {  	v4 =	vld [tilespmem:s18+$0xFFFFFFD0]  }
0x23: {  	v6 =	vld [tilespmem:s18+$0xFFFFFFE0]  }
0x24: {  	v7 =	vld [tilespmem:s18+$0xFFFFFFF0]  }
0x25: {  	s20 =	simm.s32 $0x0;
	v1 =	vld [tilespmem:s18+$0x0]  }
0x26: {  	v3 =	vld [tilespmem:s18+$0x10];
	[tilespmem:v0+s20+$0x30 ss:$0x1] =	vst.idx.msk $0xffff, v2  }
0x27: {  	v5 =	vld [tilespmem:s18+$0x20];
	[tilespmem:v0+s20+$0xFFFFFFD0 ss:$0x1] =	vst.idx.msk $0xffff, v4  }
0x28: {  	s21 =	sadd.s32 $0x80, s18;
	v2 =	vld [tilespmem:s18+$0xFFFFFFC0];
	[tilespmem:v0+s20+$0xFFFFFFE0 ss:$0x1] =	vst.idx.msk $0xffff, v6  }
0x29: {  	s22 =	simm.s32 $0x800;
	s23 =	simm.s32 $0x1000;
	v4 =	vld [tilespmem:s21+$0x30];
	[tilespmem:v0+s20+$0xFFFFFFF0 ss:$0x1] =	vst.idx.msk $0xffff, v7  }
.LBB1_5:
0x2a: {  	p0 =	sne.s32 s23, $0x3800;
	v6 =	vld [tilespmem:s21+$0xFFFFFFD0];
	[tilespmem:v0+s20+$0x0 ss:$0x1] =	vst.idx.msk $0xffff, v1  }
0x2b: {  	v7 =	vld [tilespmem:s21+$0xFFFFFFE0];
	[tilespmem:v0+s20+$0x10 ss:$0x1] =	vst.idx.msk $0xffff, v3  }
0x2c: {  	v8 =	vld [tilespmem:s21+$0xFFFFFFF0];
	[tilespmem:v0+s20+$0x20 ss:$0x1] =	vst.idx.msk $0xffff, v5  }
.Ltmp3:
0x2d: {  	v1 =	vld [tilespmem:s21+$0x0];
	[tilespmem:v0+s20+$0xFFFFFFC0 ss:$0x1] =	vst.idx.msk $0xffff, v2;
	s20 =	sshra.s32 s22, $0x2;
	s22 =	smov.u32 s23;
	(pc) =	sbr.rel @p0 .LBB1_5-.Ltmp3, $4  }
0x2e: {  	v3 =	vld [tilespmem:s21+$0x10];
	[tilespmem:v0+s20+$0x30 ss:$0x1] =	vst.idx.msk $0xffff, v4  }
0x2f: {  	[tilespmem:v0+s20+$0xFFFFFFD0 ss:$0x1] =	vst.idx.msk $0xffff, v6;
	v5 =	vld [tilespmem:s21+$0x20]  }
0x30: {  	v2 =	vld [tilespmem:s21+$0xFFFFFFC0];
	[tilespmem:v0+s20+$0xFFFFFFE0 ss:$0x1] =	vst.idx.msk $0xffff, v7;
	s21 =	sadd.s32 $0x80, s21  }
0x31: {  	s23 =	sadd.s32 $0x800, s23;
	v4 =	vld [tilespmem:s21+$0x30];
	[tilespmem:v0+s20+$0xFFFFFFF0 ss:$0x1] =	vst.idx.msk $0xffff, v8  }
0x32: {  	_ =	sdelay $0x3  }
0x33: {  	v6 =	vld [tilespmem:s21+$0xFFFFFFD0];
	[tilespmem:v0+s20+$0x0 ss:$0x1] =	vst.idx.msk $0xffff, v1  }
0x34: {  	v58 =	vld [tilespmem:s21+$0xFFFFFFE0];
	[tilespmem:v0+s20+$0x10 ss:$0x1] =	vst.idx.msk $0xffff, v3  }
0x35: {  	v59 =	vld [tilespmem:s21+$0xFFFFFFF0];
	[tilespmem:v0+s20+$0x20 ss:$0x1] =	vst.idx.msk $0xffff, v5  }
0x36: {  	s22 =	sshra.s32 s22, $0x2;
	v60 =	vld [tilespmem:s21+$0x0];
	[tilespmem:v0+s20+$0xFFFFFFC0 ss:$0x1] =	vst.idx.msk $0xffff, v2  }
0x37: {  	v61 =	vld [tilespmem:s21+$0x10];
	[tilespmem:v0+s22+$0x30 ss:$0x1] =	vst.idx.msk $0xffff, v4  }
0x38: {  	v62 =	vld [tilespmem:s21+$0x20];
	s19 =	sadd.s32 $0x1, s19;
	[tilespmem:v0+s22+$0xFFFFFFD0 ss:$0x1] =	vst.idx.msk $0xffff, v6  }
0x39: {  	v63 =	vld [tilespmem:s21+$0xFFFFFFC0];
	p0 =	sne.s32 s19, $0x4;
	[tilespmem:v0+s22+$0xFFFFFFE0 ss:$0x1] =	vst.idx.msk $0xffff, v58  }
.Ltmp4:
0x3a: {  	[tilespmem:v0+s22+$0xFFFFFFF0 ss:$0x1] =	vst.idx.msk $0xffff, v59;
	(pc) =	sbr.rel @p0 .LBB1_4-.Ltmp4, $4  }
0x3b: {  	[tilespmem:v0+s22+$0x0 ss:$0x1] =	vst.idx.msk $0xffff, v60  }
0x3c: {  	[tilespmem:v0+s22+$0x10 ss:$0x1] =	vst.idx.msk $0xffff, v61  }
0x3d: {  	[tilespmem:v0+s22+$0x20 ss:$0x1] =	vst.idx.msk $0xffff, v62  }
0x3e: {  	s18 =	sadd.s32 $0x400, s18;
	s17 =	sadd.s32 $0x80, s17;
	[tilespmem:v0+s22+$0xFFFFFFC0 ss:$0x1] =	vst.idx.msk $0xffff, v63  }
0x3f: {  	s16 =	sadd.s32 $0x1, s16  }
0x40: {  	p0 =	sne.s32 s16, $0x4  }
.Ltmp5:
0x41: {  	_ = 	snop;
	(pc) =	sbr.rel @p0 .LBB1_3-.Ltmp5, $2  }
0x42: {  	_ =	sdelay $0x2  }
0x43: {  	s13 =	sadd.s32 $0x1000, s13;
	s14 =	sadd.s32 $0x1000, s14  }
.Ltmp6:
0x44: {  	(pc) =	sbr.rel .LBB1_9-.Ltmp6, $4  }
0x45: {  	_ = 	snop  }
0x46: {  	s12 =	sshll.u32 s12, $0x9  }
0x47: {  	s12 =	sadd.s32 s4, s12  }
0x48: {  	[hbm4b:s12+s8] =	stream.linear.scatter [tilespmem:s15], [sflag:$0x2], $0x4000, $0x38;
	[tilespmem:$0x10000] =	vst v63  }
.LBB1_10:
0x49: {  	_ =	sfence.sel $0x180000  }
0x4a: {  	s2 =	simm.s32 $0x1;
	[bflag:$0x0] =	sbarrier.arrive $0xFFFF  }
0x4b: {  	s31 =	simm.s32 $0x2;
	[sflag:s2] =	ssyncpa.u1 $0x1  }
0x4c: {  	[sflag:s31] =	ssyncpa.u1 $0x1  }
0x4d: {  	p0 =	sne.s32 s0, $0x0;
	_ =	strace $0x90000047  }
0x4e: {  	s0 =	sadd.s32 @!p0 $0x100000, s1;
	[bflag:$0x2] =	sbarrier.arrive $0xFFFF  }
0x4f: {  	[sflag:s0] =	ssyncadd.tile.s32 @!p0 $0x1;
	_ =	shalt  }
.Lfunc_end1:
_tile_overlayer_lowered:
.L_overlay_start_2:
0x50: {  	(tag) =	ssettag $0x2  }
0x51: {  	s0 =	rddreg [dreg:$0x0];
	s2 =	stileid.u32  }
0x52: {  	s1 =	rddreg [dreg:$0x1];
	p0 =	sne.s32 s2, $0x0  }
0x53: {  	s3 =	rddreg [dreg:$0x2];
	[bflag:$0x3] =	sbarrier.arrive $0xFFFF;
	s2 =	simm.s32 @!p0 $0x1C01  }
0x54: {  	[timem:s3], [sflag:s2] =	dma.local @!p0 [hbm:s0], s1  }
0x55: {  	s0 =	simm.s32 @!p0 $0x1  }
0x56: {  	_ =	swait.ge @!p0 [sflag:s0], s1  }
0x57: {  	s1 =	ssub.s32 @!p0 $0x0, s1;
	[sflag:s0] =	ssyncset.done @!p0 $0x0  }
0x58: {  	[sflag:s0] =	ssyncadd.s32 @!p0 s1  }
0x59: {  	[bflag:$0x3] =	sbarrier.arrive $0xFFFF  }
0x5a: {  	_ =	shalt  }

// kernel: sparse-core-data-format-call.cloned.1.call-start
scs
called_computation_lowered:
.L_overlay_start_0:
0x0: {  	s2 =	sld [smem:$0x3FD9]  }
0x1: {  	s3 =	sld [smem:$0x3FFE];
	_ =	sdelay $0x1  }
0x2: {  	s1 =	srdreg.scid  }
0x3: {  	s0 =	sand.u32 $0x1, s1  }
0x4: {  	s15 =	sshll.u32 s0, $0xA;
	s2 =	sadd.s32 s3, s2  }
0x5: {  	s2 =	sadd.s32 s2, s15  }
0x6: {  	[smem:$0x3FC7] =	sst s2  }
0x7: {  	_ = 	snop  }
0x8: {  	s2 =	sld [smem:$0x3FD0];
	_ =	sdelay $0x2  }
0x9: {  	s16 =	simm.s32 $0xA;
	s4 =	simm.s32 $0x10  }
0xa: {  	[smem:s4], [sflag:s16] =	dma.local [hbm:s2], $0x1  }
0xb: {  	_ =	swait.eq [sflag:s16], $0x1  }
0xc: {  	[sflag:s16] =	ssyncset.done $0x0  }
0xd: {  	[sflag:s16] =	ssyncadd.s32 $0xFFFFFFFF  }
0xe: {  	s17 =	sld [smem:$0x12];
	(tm) =	ssettm $0x1  }
0xf: {  	s18 =	sld [smem:$0x3FFB];
	_ =	sdelay $0x3  }
0x10: {  	_ =	strace s18  }
0x11: {  	s3 =	sld [smem:$0x3FFC];
	_ =	sdelay $0x3  }
0x12: {  	_ =	strace s3  }
0x13: {  	s3 =	sld [smem:$0x3FFD];
	_ =	sdelay $0x3  }
0x14: {  	_ =	strace s3  }
0x15: {  	_ =	strace $0x8FFFFFFF  }
0x16: {  	s19 =	sld [smem:$0x3FDB];
	_ =	sdelay $0x1  }
0x17: {  	s20 =	simm.s32 $_scs_section_size  }
0x18: {  	s5 =	simm.s32 $_size__tile_overlayer_lowered;
	s6 =	simm.s32 $_tile_overlayer_lowered  }
0x19: {  	s23 =	simm.s32 $0x1BFF;
	s22 =	sshll.u32 s6, $0x1;
	s3 =	sadd.s32 s20, s19  }
0x1a: {  	s7 =	simm.s32 $0x0;
	s21 =	sshll.u32 s5, $0x1;
	s5 =	sadd.s32 s22, s3  }
0x1b: {  	[timem:s7], [sflag:s23] =	dma.local [hbm:s5], s21  }
0x1c: {  	_ =	swait.ge [sflag:s23], s21  }
0x1d: {  	s4 =	ssub.s32 $0x0, s21;
	[sflag:s23] =	ssyncset.done $0x0  }
0x1e: {  	[sflag:s23] =	ssyncadd.s32 s4;
	_ =	sdelay $0x1  }
0x1f: {  	s24 =	simm.s32 $0x1B8B  }
0x20: {  	_ =	swait.ge [sflag:s24], $0x1  }
0x21: {  	[sflag:s24] =	ssyncset.done $0x0  }
0x22: {  	s26 =	simm.s32 $0x1B8E;
	s25 =	sld [smem:$0x3FFE];
	[sflag:s24] =	ssyncadd.s32 $0xFFFFFFFF  }
0x23: {  	s27 =	simm.s32 $execute0_lowered;
	[smem:$0x3FD2] =	sst s26  }
0x24: {  	s5 =	sshll.u32 s27, $0x1;
	_ =	strace $0x8000004C;
	[dreg:$0x1] =	wrdreg $0xFFFFFFFF  }
0x25: {  	s28 =	simm.s32 $_size_execute0_lowered;
	s3 =	sadd.s32 s3, s5;
	[dreg:$0x0] =	wrdreg $0x0  }
0x26: {  	s5 =	sshll.u32 s28, $0x1;
	[dreg:$0x2] =	wrdreg s3  }
0x27: {  	[dreg:$0x3] =	wrdreg s5  }
0x28: {  	[dreg:$0x4] =	wrdreg $0xC0  }
0x29: {  	_ =	task [dreg:s7], $0x5FFFF  }
0x2a: {  	[dreg:$0x1] =	wrdreg $0xFFFFFFFF  }
0x2b: {  	[dreg:$0x0] =	wrdreg $0x60  }
0x2c: {  	[dreg:$0x2] =	wrdreg s25  }
0x2d: {  	[dreg:$0x3] =	wrdreg s17  }
0x2e: {  	[dreg:$0x4] =	wrdreg $0x9  }
0x2f: {  	_ =	task.clear_ibuf [dreg:s7], $0x5FFFF;
	_ =	strace $0x9000004C  }
0x30: {  	s29 =	simm.s32 $0x9;
	_ =	strace $0x8000004E  }
0x31: {  	_ =	swait.ge [sflag:s29], $0x1  }
0x32: {  	[sflag:s29] =	ssyncadd.s32 $0xFFFFFFFF  }
0x33: {  	_ =	strace $0x9000004E  }
0x34: {  	_ =	sfence  }
0x35: {  	s30 =	sld [smem:$0x0];
	_ =	sdelay $0x2  }
0x36: {  	s31 =	sshll.u32 s1, $0xD;
	s1 =	sshrl.u32 s1, $0x2  }
0x37: {  	s3 =	sand.u32 $0x4000, s31;
	s1 =	sadd.s32 s1, s30  }
0x38: {  	s0 =	sor.u32 s3, s0;
	s1 =	sshll.u32 s1, $0x11  }
0x39: {  	s0 =	sor.u32 s1, s0  }
0x3a: {  	s0 =	sadd.s32 $0x8F2B, s0  }
0x3b: {  	[sflag:s0] =	ssyncadd.remote.s32 $0x1  }
0x3c: {  	_ =	sfence.sel $0xFFFF  }
0x3d: {  	[dreg:$0x0] =	wrdreg $0xFFFFFFFF;
	(pc) =	sbr.abs _section_cstart, $3  }
0x3e: {  	[dreg:$0x1] =	wrdreg $0xFFFFFFFF  }
0x3f: {  	_ =	task.clear_ibuf [dreg:s7], $0x2FFFF;
	_ =	strace $0x9FFFFFFF  }
0x40: {  	(tm) =	ssettm $0x7FFFFFFF  }
0x41: {  	_ =	shalt  }
tec
execute0_lowered:
.L_overlay_start_1:
0x0: {  	(tag) =	ssettag $0x1  }
0x1: {  	s0 =	srdreg.scid;
	s5 =	rddreg [dreg:$0x0]  }
0x2: {  	s2 =	rddreg [dreg:$0x1];
	s8 =	simm.s32 $0x2;
	s17 =	simm.s32 $0x0  }
0x3: {  	p0 =	por $0x0, $0x0;
	s12 =	simm.s32 $0x5800;
	s18 =	simm.s32 $0x0  }
0x4: {  	s19 =	simm.s32 $0x0;
	s20 =	simm.s32 $0x0;
	s14 =	simm.s32 $0x0  }
0x5: {  	s15 =	simm.s32 $0x0;
	s16 =	simm.s32 $0x0;
	s1 =	sshll.u32 s0, $0x4  }
0x6: {  	s0 =	stileid.u32;
	s9 =	sadd.s32 $0x84000, s2;
	s1 =	sand.u32 $0x10, s1  }
0x7: {  	s10 =	sadd.s32 $0xC6000, s2;
	s4 =	sand.u32 $0x1, s0;
	s3 =	sor.u32 s0, s1  }
.Ltmp0:
0x8: {  	s1 =	rddreg [dreg:$0x2];
	s3 =	sshrl.u32 s3, $0x1;
	(pc) =	sbr.rel .LBB1_1-.Ltmp0, $4  }
0x9: {  	_ =	strace $0x8000004D;
	s31 =	ssub.s32 $0x2, s4;
	s6 =	sshll.u32 s3, $0x4  }
0xa: {  	s7 =	sadd.s32 s6, s5;
	s5 =	simm.s32 $0x1;
	s6 =	smul.u32 $0x16, s31  }
0xb: {  	s13 =	smov.u32 s4;
	[sflag:s5] =	ssyncpa.u1 $0x0;
	s7 =	sadd.s32 $0x1000, s7  }
0xc: {  	[sflag:s8] =	ssyncpa.u1 $0x0;
	s8 =	sadd.s32 $0x42000, s2;
	s11 =	sor.u32 $0x1, s6  }
.LBB1_7:
0xd: {  	s21 =	sadd.s32 $0x2, s13  }
0xe: {  	s17 =	sadd.s32 $0x4, s14;
	s22 =	smov.u32 s14;
	p2 =	sgt.s32 s21, $0x2  }
0xf: {  	s22 =	smov.u32 @p2 s17  }
0x10: {  	s18 =	sadd.s32 $0x80, s15;
	s23 =	smov.u32 s15;
	p3 =	sgt.s32 s22, $0x3  }
0x11: {  	s23 =	smov.u32 @p3 s18  }
0x12: {  	s21 =	smov.u32 @p2 s4;
	p2 =	sgt.s32 s23, $0xAAF  }
0x13: {  	p1 =	slt.u32 s16, $0x2;
	s23 =	simm.s32 @p2 $0x0;
	p2 =	sne.s32 s16, s11  }
.Ltmp1:
0x14: {  	s19 =	smov.u32 s14;
	s17 =	simm.s32 @!p1 $0x2;
	(pc) =	sbr.rel @!p2 .LBB1_8-.Ltmp1, $4  }
0x15: {  	s20 =	smov.u32 s15;
	p0 =	por !p0, !p0;
	_ =	swait.ge @!p1 [sflag:s17], $0x2000  }
0x16: {  	[sflag:s17] =	ssyncset.done @!p1 $0x0;
	s22 =	simm.s32 @p3 $0x0;
	s18 =	smov.u32 s13  }
0x17: {  	s13 =	smov.u32 s21;
	[sflag:s17] =	ssyncadd.s32 @!p1 $0xFFFFE000;
	s17 =	smov.u32 s3  }
0x18: {  	s14 =	smov.u32 s22;
	s16 =	sadd.s32 $0x1, s16;
	s15 =	smov.u32 s23  }
.LBB1_1:
0x19: {  	p1 =	sge.u32 s16, s6  }
0x1a: {  	p2 =	sgt.s32 @!p1 s15, $0xA30  }
0x1b: {  	s21 =	smov.u32 s15;
	s22 =	sshra.s32 @!p1 s15, $0x1F;
	p2 =	por !p2, p1  }
0x1c: {  	s23 =	smov.u32 s13;
	s22 =	sand.u32 @!p1 s22, s15;
	s21 =	simm.s32 @p2 $0xA30  }
0x1d: {  	p3 =	sgt.s32 @!p1 s13, $0x2;
	s24 =	sshra.s32 @!p1 s13, $0x1F;
	s21 =	ssub.s32 @!p1 s21, s22  }
0x1e: {  	p3 =	por !p3, p1;
	s24 =	sand.u32 @!p1 s24, s13;
	s22 =	sadd.s32 @!p1 $0xFFFFF5D0, s21  }
0x1f: {  	s23 =	simm.s32 @p3 $0x2;
	p2 =	sgt.s32 @!p1 s22, $0x7F;
	s22 =	ssub.s32 @!p1 $0x0, s14  }
0x20: {  	s23 =	ssub.s32 @!p1 s23, s24;
	s21 =	ssub.s32 @!p1 $0xAB0, s21;
	s22 =	smin.u32 @!p1 s14, s22  }
0x21: {  	s24 =	sadd.s32 @!p1 $0xFFFFFFFE, s23;
	p3 =	sgt.s32 @!p1 s22, $0x3;
	s22 =	sshll.u32 @!p1 s22, $0x4  }
0x22: {  	p2 =	por !p2, p1;
	s22 =	ssub.s32 @!p1 $0x40, s22;
	p3 =	por !p3, p1  }
0x23: {  	s21 =	simm.s32 @!p2 $0x0;
	p2 =	sgt.s32 @!p1 s24, $0x0;
	s22 =	simm.s32 @!p3 $0x0  }
0x24: {  	s23 =	ssub.s32 @!p1 $0x3, s23;
	p2 =	por !p2, p1;
	s21 =	smul.u32 @!p1 s21, s22  }
0x25: {  	s23 =	simm.s32 @!p2 $0x0  }
0x26: {  	s21 =	smul.u32 @!p1 s23, s21  }
0x27: {  	s23 =	smul.u32 @!p1 $0xC00, s15  }
0x28: {  	s31 =	sadd.s32 $0xFFFFFFFF, s16;
	s24 =	smul.u32 @!p1 $0x300, s14;
	s22 =	sxor.u32 @!p1 $0xFFFFFFFF, s16  }
0x29: {  	s25 =	sshll.u32 @!p1 s13, $0x8;
	s22 =	sshll.u32 @!p1 s22, $0xD;
	s23 =	sadd.s32 @!p1 s23, s7  }
0x2a: {  	s22 =	sand.u32 @!p1 $0x2000, s22;
	s21 =	sand.u32 @!p1 $0x3FFFFFF0, s21;
	s23 =	sadd.s32 @!p1 s24, s23  }
0x2b: {  	s24 =	simm.s32 @!p1 $0x10;
	s23 =	sadd.s32 @!p1 s25, s23;
	s25 =	simm.s32 @!p1 $0x1800  }
0x2c: {  	[tilespmem:s22], [sflag:$0x1] =	stream.strided.gather @!p1 [hbm4b:s23+s24], s21, s25, s24, $0x38;
	[tilespmem:$0x8080] =	vst v63  }
0x2d: {  	p1 =	sge.u32 s31, s6  }
.Ltmp2:
0x2e: {  	_ = 	snop;
	(pc) =	sbr.rel @p1 .LBB1_7-.Ltmp2, $1  }
0x2f: {  	_ =	sdelay $0x3  }
0x30: {  	p1 =	sgt.s32 s20, $0xA30;
	s21 =	smov.u32 s20;
	s22 =	sshra.s32 s20, $0x1F  }
0x31: {  	s27 =	ssub.s32 $0x0, s19;
	s21 =	simm.s32 @!p1 $0xA30;
	s22 =	sand.u32 s22, s20  }
0x32: {  	p2 =	sgt.s32 s18, $0x2;
	s23 =	smov.u32 s18;
	s21 =	ssub.s32 s21, s22  }
0x33: {  	s25 =	sshra.s32 s18, $0x1F;
	s23 =	simm.s32 @!p2 $0x2;
	s22 =	sadd.s32 $0xFFFFF5D0, s21  }
0x34: {  	s25 =	sand.u32 s25, s18;
	p1 =	sgt.s32 s22, $0x7F;
	s22 =	smin.u32 s19, s27  }
0x35: {  	s28 =	ssub.s32 s23, s25;
	s26 =	sshll.u32 s22, $0x4  }
0x36: {  	s21 =	ssub.s32 $0xAB0, s21;
	p2 =	sgt.s32 s22, $0x3;
	s23 =	ssub.s32 $0x40, s26  }
0x37: {  	s25 =	sadd.s32 $0xFFFFFFFE, s28;
	s21 =	simm.s32 @p1 $0x0;
	s23 =	simm.s32 @p2 $0x0  }
0x38: {  	p1 =	sgt.s32 s25, $0x0;
	s22 =	ssub.s32 $0x3, s28;
	s21 =	smul.u32 s21, s23  }
0x39: {  	s24 =	simm.s32 $0x1;
	s22 =	simm.s32 @p1 $0x0  }
0x3a: {  	s24 =	simm.s32 @!p0 $0x0;
	s21 =	smul.u32 s22, s21  }
0x3b: {  	s30 =	sand.u32 $0x1, s16;
	s29 =	smul.u32 $0x8100, s24  }
0x3c: {  	s24 =	sshll.u32 s24, $0xD;
	s22 =	smul.u32 $0x8100, s30;
	s21 =	sand.u32 $0x3FFFFFF0, s21  }
0x3d: {  	s25 =	simm.s32 $0x0;
	s23 =	sshrl.u32 s29, $0x2;
	_ =	swait.ge [sflag:s5], s21  }
0x3e: {  	s31 =	ssub.s32 $0x0, s21;
	s21 =	sshrl.u32 s22, $0x2;
	[sflag:s5] =	ssyncset.done $0x0  }
0x3f: {  	s23 =	sor.u32 $0x4000, s23;
	s22 =	sor.u32 $0x4000, s21;
	[sflag:s5] =	ssyncadd.s32 s31  }
.LBB1_3:
0x40: {  	v0 =	vmov s24;
	_ =	sdelay $0x3  }
0x41: {  	s26 =	simm.s32 $0x0  }
0x42: {  	v1 =	vld.idx.msk [tilespmem:v0+s26+$0x0 ss:$0x1], $0xffff;
	_ =	sdelay $0x2  }
0x43: {  	s27 =	simm.s32 $0x40;
	s26 =	smov.u32 s23  }
.LBB1_4:
0x44: {  	s28 =	sshra.s32 s27, $0x2;
	p1 =	sne.s32 s27, $0xC0;
	s27 =	sadd.s32 $0x40, s27  }
.Ltmp3:
0x45: {  	[tilespmem:s26+$0x0 ss:$0x81] =	vst.msk $0xffff, v1;
	v1 =	vld.idx.msk [tilespmem:v0+s28+$0x0 ss:$0x1], $0xffff;
	(pc) =	sbr.rel @p1 .LBB1_4-.Ltmp3, $2  }
0x46: {  	_ =	sdelay $0x2  }
0x47: {  	s26 =	sadd.s32 $0x810, s26  }
0x48: {  	s25 =	sadd.s32 $0x1, s25  }
0x49: {  	p1 =	sne.s32 s25, $0x80  }
.Ltmp4:
0x4a: {  	_ = 	snop;
	(pc) =	sbr.rel @p1 .LBB1_3-.Ltmp4, $2  }
0x4b: {  	_ =	sdelay $0x2  }
0x4c: {  	[tilespmem:s26+$0x0 ss:$0x81] =	vst.msk $0xffff, v1;
	s23 =	sadd.s32 $0x1, s23;
	s24 =	sadd.s32 $0x40, s24  }
0x4d: {  	s23 =	sshll.u32 s20, $0x3  }
0x4e: {  	s24 =	sand.u32 $0x7F, s20;
	s23 =	sand.u32 $0xFFFFFC00, s23  }
0x4f: {  	s19 =	smul.u32 $0x42000, s19;
	s20 =	sor.u32 s24, s23  }
0x50: {  	s24 =	smulhi.u32 $0xBA2E8BA3, s20  }
0x51: {  	s23 =	smulhi.u32 $0xBA2E8BA3, s23  }
0x52: {  	s18 =	smul.u32 $0x16000, s18;
	s24 =	sshrl.u32 s24, $0xB  }
0x53: {  	s23 =	sshrl.u32 s23, $0xB;
	s24 =	smul.u32 $0xB00, s24  }
0x54: {  	s17 =	smul.u32 $0x1600, s17;
	s25 =	sadd.s32 s2, s19;
	s23 =	sand.u32 $0xF, s23  }
0x55: {  	s25 =	sadd.s32 s18, s25;
	s23 =	smul.u32 $0x160, s23;
	s20 =	ssub.s32 s20, s24  }
0x56: {  	s24 =	sadd.s32 s17, s25;
	s26 =	sand.u32 $0x7, s20  }
0x57: {  	s20 =	sshrl.u32 s20, $0x3;
	s24 =	sadd.s32 s23, s24;
	s25 =	sshll.u32 s26, $0x12  }
0x58: {  	s27 =	sadd.s32 s19, s8;
	s24 =	sadd.s32 s20, s24;
	s25 =	sor.u32 $0x400, s25  }
0x59: {  	[hbm4b:s24+s25] =	stream.strided.scatter [tilespmem:s22], [sflag:$0x2], $0x800, s12, s25, $0x20;
	[tilespmem:$0x8080] =	vst v63  }
0x5a: {  	s22 =	sadd.s32 s18, s27  }
0x5b: {  	s22 =	sadd.s32 s17, s22  }
0x5c: {  	s22 =	sadd.s32 s23, s22  }
0x5d: {  	s28 =	sadd.s32 $0x4810, s21;
	s29 =	sadd.s32 s19, s9;
	s22 =	sadd.s32 s20, s22  }
0x5e: {  	[hbm4b:s22+s25] =	stream.strided.scatter [tilespmem:s28], [sflag:$0x2], $0x800, s12, s25, $0x20;
	[tilespmem:$0x8080] =	vst v63  }
0x5f: {  	s19 =	sadd.s32 s19, s10;
	s22 =	sadd.s32 s18, s29  }
0x60: {  	s18 =	sadd.s32 s18, s19;
	s22 =	sadd.s32 s17, s22  }
.Ltmp5:
0x61: {  	s17 =	sadd.s32 s17, s18;
	s22 =	sadd.s32 s23, s22;
	(pc) =	sbr.rel .LBB1_7-.Ltmp5, $4  }
0x62: {  	s30 =	sadd.s32 $0x5020, s21;
	s17 =	sadd.s32 s23, s17;
	s22 =	sadd.s32 s20, s22  }
0x63: {  	[hbm4b:s22+s25] =	stream.strided.scatter [tilespmem:s30], [sflag:$0x2], $0x800, s12, s25, $0x20;
	[tilespmem:$0x8080] =	vst v63  }
0x64: {  	s31 =	sadd.s32 $0x5830, s21;
	s17 =	sadd.s32 s20, s17  }
0x65: {  	[hbm4b:s17+s25] =	stream.strided.scatter [tilespmem:s31], [sflag:$0x2], $0x800, s12, s25, $0x20;
	[tilespmem:$0x8080] =	vst v63  }
.LBB1_8:
0x66: {  	_ =	sfence.sel $0x180000  }
0x67: {  	s2 =	simm.s32 $0x1;
	[bflag:$0x0] =	sbarrier.arrive $0xFFFF  }
0x68: {  	s31 =	simm.s32 $0x2;
	[sflag:s2] =	ssyncpa.u1 $0x1  }
0x69: {  	[sflag:s31] =	ssyncpa.u1 $0x1  }
0x6a: {  	p0 =	sne.s32 s0, $0x0;
	_ =	strace $0x9000004D  }
0x6b: {  	s0 =	sadd.s32 @!p0 $0x100000, s1;
	[bflag:$0x2] =	sbarrier.arrive $0xFFFF  }
0x6c: {  	[sflag:s0] =	ssyncadd.tile.s32 @!p0 $0x1;
	_ =	shalt  }
.Lfunc_end1:
_tile_overlayer_lowered:
.L_overlay_start_2:
0x6d: {  	(tag) =	ssettag $0x2  }
0x6e: {  	s0 =	rddreg [dreg:$0x0];
	s2 =	stileid.u32  }
0x6f: {  	s1 =	rddreg [dreg:$0x1];
	p0 =	sne.s32 s2, $0x0  }
0x70: {  	s3 =	rddreg [dreg:$0x2];
	[bflag:$0x3] =	sbarrier.arrive $0xFFFF;
	s2 =	simm.s32 @!p0 $0x1C01  }
0x71: {  	[timem:s3], [sflag:s2] =	dma.local @!p0 [hbm:s0], s1  }
0x72: {  	s0 =	simm.s32 @!p0 $0x1  }
0x73: {  	_ =	swait.ge @!p0 [sflag:s0], s1  }
0x74: {  	s1 =	ssub.s32 @!p0 $0x0, s1;
	[sflag:s0] =	ssyncset.done @!p0 $0x0  }
0x75: {  	[sflag:s0] =	ssyncadd.s32 @!p0 s1  }
0x76: {  	[bflag:$0x3] =	sbarrier.arrive $0xFFFF  }
0x77: {  	_ =	shalt  }

</sc_bundles>
